<compile_context>
chip_gen: v7x
topology: tpu7x:2x2x1
jax: 0.10.2.dev20260603
libtpu: 0.0.44.dev20260713+nightly
codegen_flags: <defaults>
</compile_context>

<pallas_src>
import jax
import jax.numpy as jnp
from jax import lax
from jax.experimental import pallas as pl
from jax.experimental.pallas import tpu as pltpu
from jax.experimental.pallas import tpu_sc as plsc

N = 10000
D = 128
NP = 10240
CHUNK = 128
EPAD = 327680
NSUB = 16
RPT = NP // NSUB
BR = 1280
GRID = NP // BR


def _make_seg_kernel(mode):
    ept = EPAD // 32 if mode == "split" else EPAD // 16
    nch = ept // CHUNK
    mesh = plsc.VectorSubcoreMesh(core_axis_name="c", subcore_axis_name="s")

    def body(table, src, dst, zacc, zhist, out_s, out_h,
             idx0, idx1, dv0, dv1, ds0, ds1, rv0, rv1, hist_v, acc_sh,
             si0, si1, sg0, sg1, ss0, ss1):
        idx_v = (idx0, idx1)
        dst_v = (dv0, dv1)
        dst_s = (ds0, ds1)
        rows_v = (rv0, rv1)
        sem_i = (si0, si1)
        sem_g = (sg0, sg1)
        sem_s = (ss0, ss1)
        c = lax.axis_index("c")
        s = lax.axis_index("s")
        w = c * NSUB + s
        r0 = s * RPT
        nblk = RPT // CHUNK
        pltpu.sync_copy(zacc, rv0)
        for j in range(nblk):
            pltpu.sync_copy(rv0, acc_sh.at[pl.ds(r0 + j * CHUNK, CHUNK)])
        pltpu.sync_copy(zhist, hist_v)
        plsc.subcore_barrier()

        if mode == "split":
            ebase = (c * NSUB + s) * ept
        else:
            ebase = s * ept

        ones16 = jnp.ones((16,), jnp.float32)

        def issue_idx(i, b):
            off = ebase + i * CHUNK
            if mode == "split":
                pltpu.async_copy(src.at[pl.ds(off, CHUNK)], idx_v[b], sem_i[b])
                pltpu.async_copy(dst.at[pl.ds(off, CHUNK)], dst_v[b], sem_i[b])
            else:
                pltpu.async_copy(src.at[c, pl.ds(off, CHUNK)], idx_v[b], sem_i[b])
                pltpu.async_copy(dst.at[c, pl.ds(off, CHUNK)], dst_v[b], sem_i[b])

        def drain_idx(b):
            pltpu.make_async_copy(src.at[pl.ds(0, CHUNK)] if mode == "split"
                                  else src.at[0, pl.ds(0, CHUNK)],
                                  idx_v[b], sem_i[b]).wait()
            pltpu.make_async_copy(dst.at[pl.ds(0, CHUNK)] if mode == "split"
                                  else dst.at[0, pl.ds(0, CHUNK)],
                                  dst_v[b], sem_i[b]).wait()

        issue_idx(0, 0)
        issue_idx(1, 1)

        @pl.loop(0, nch // 2)
        def _chunks(g):
            for b in range(2):
                i = 2 * g + b
                drain_idx(b)

                @pl.when(g > 0)
                def _():
                    pltpu.make_async_copy(rows_v[b], acc_sh.at[dst_s[b]],
                                          sem_s[b]).wait()

                pltpu.async_copy(table.at[idx_v[b]], rows_v[b], sem_g[b])
                for k in range(CHUNK // 16):
                    d16 = dst_v[b][pl.ds(k * 16, 16)]
                    plsc.addupdate_scatter(hist_v, [d16], ones16)
                    dst_s[b][pl.ds(k * 16, 16)] = d16
                pltpu.make_async_copy(table.at[idx_v[b]], rows_v[b],
                                      sem_g[b]).wait()

                pltpu.async_copy(rows_v[b], acc_sh.at[dst_s[b]], sem_s[b],
                                 add=True)

                @pl.when(i + 2 < nch)
                def _():
                    issue_idx(i + 2, b)

        for b in range(2):
            pltpu.make_async_copy(rows_v[b], acc_sh.at[dst_s[b]],
                                  sem_s[b]).wait()
        plsc.subcore_barrier()
        def rd(j, b):
            return (acc_sh.at[pl.ds(r0 + j * CHUNK, CHUNK)], rows_v[b],
                    sem_g[b])

        def wr(j, b):
            return (rows_v[b], out_s.at[c, pl.ds(r0 + j * CHUNK, CHUNK)],
                    sem_s[b])

        pltpu.async_copy(*rd(0, 0))
        for j in range(nblk):
            b = j & 1
            pltpu.make_async_copy(*rd(j, b)).wait()
            if j >= 1:
                pltpu.make_async_copy(*wr(j - 1, 1 - b)).wait()
            if j + 1 < nblk:
                pltpu.async_copy(*rd(j + 1, 1 - b))
            pltpu.async_copy(*wr(j, b))
        pltpu.make_async_copy(*wr(nblk - 1, (nblk - 1) & 1)).wait()
        pltpu.sync_copy(hist_v, out_h.at[w])

    return pl.kernel(
        body,
        mesh=mesh,
        compiler_params=pltpu.CompilerParams(needs_layout_passes=False),
        out_type=(
            jax.ShapeDtypeStruct((2, NP, D), jnp.float32),
            jax.ShapeDtypeStruct((32, NP), jnp.float32),
        ),
        scratch_types=[
            pltpu.VMEM((CHUNK,), jnp.int32),
            pltpu.VMEM((CHUNK,), jnp.int32),
            pltpu.VMEM((CHUNK,), jnp.int32),
            pltpu.VMEM((CHUNK,), jnp.int32),
            pltpu.VMEM((CHUNK,), jnp.int32),
            pltpu.VMEM((CHUNK,), jnp.int32),
            pltpu.VMEM((CHUNK, D), jnp.float32),
            pltpu.VMEM((CHUNK, D), jnp.float32),
            pltpu.VMEM((NP,), jnp.float32),
            pltpu.VMEM_SHARED((NP, D), jnp.float32),
            pltpu.SemaphoreType.DMA,
            pltpu.SemaphoreType.DMA,
            pltpu.SemaphoreType.DMA,
            pltpu.SemaphoreType.DMA,
            pltpu.SemaphoreType.DMA,
            pltpu.SemaphoreType.DMA,
        ],
    )


_seg_split = _make_seg_kernel("split")
_seg_two = _make_seg_kernel("two")


def _dense1_body(x_ref, s_ref, h_ref, wself_ref, wnbr_ref, be_ref,
                 wg1_ref, bg1_ref, wg2_ref, bg2_ref, he_ref, gh_ref):
    ssum = s_ref[0] + s_ref[1]
    cnt = jnp.sum(h_ref[...], axis=0)[:, None]
    nbr_mean = ssum / jnp.maximum(cnt, 1.0)
    nbr = jnp.dot(nbr_mean, wnbr_ref[...], preferred_element_type=jnp.float32)
    he = jnp.dot(x_ref[...], wself_ref[...], preferred_element_type=jnp.float32)
    he = jnp.maximum(he + nbr + be_ref[...], 0.0)
    g1 = jnp.dot(he, wg1_ref[...], preferred_element_type=jnp.float32)
    g1 = jnp.maximum(g1 + bg1_ref[...], 0.0)
    z = jnp.dot(g1, wg2_ref[...], preferred_element_type=jnp.float32) + bg2_ref[...]
    gate = jax.nn.sigmoid(z)
    he_ref[...] = he
    gh_ref[...] = gate * he


def _dense2_body(he_ref, s_ref, h_ref, wh1_ref, wh2_ref, bf_ref,
                 woa_ref, wob_ref, bo_ref, out_ref):
    c1 = jnp.sum(h_ref[0:16], axis=0)[:, None]
    c2 = jnp.sum(h_ref[16:32], axis=0)[:, None]
    a1 = s_ref[0] / jnp.maximum(c1, 1.0)
    a2 = s_ref[1] / jnp.maximum(c2, 1.0)
    fog = (jnp.dot(a1, wh1_ref[...], preferred_element_type=jnp.float32)
           + jnp.dot(a2, wh2_ref[...], preferred_element_type=jnp.float32))
    hf = jnp.maximum(fog + bf_ref[...], 0.0)
    out_ref[...] = (jnp.dot(he_ref[...], woa_ref[...], preferred_element_type=jnp.float32)
                    + jnp.dot(hf, wob_ref[...], preferred_element_type=jnp.float32)
                    + bo_ref[...])


def _full(shape):
    return pl.BlockSpec(shape, lambda i: tuple(0 for _ in shape))


def _dense1(xp, sums0, hist0, W_self, W_nbr, be, W_g1, bg1, W_g2, bg2):
    return pl.pallas_call(
        _dense1_body,
        grid=(GRID,),
        in_specs=[
            pl.BlockSpec((BR, D), lambda i: (i, 0)),
            pl.BlockSpec((2, BR, D), lambda i: (0, i, 0)),
            pl.BlockSpec((32, BR), lambda i: (0, i)),
            _full((D, D)),
            _full((D, D)),
            _full((1, D)),
            _full((D, 32)),
            _full((1, 32)),
            _full((32, 1)),
            _full((1, 1)),
        ],
        out_specs=[
            pl.BlockSpec((BR, D), lambda i: (i, 0)),
            pl.BlockSpec((BR, D), lambda i: (i, 0)),
        ],
        out_shape=[
            jax.ShapeDtypeStruct((NP, D), jnp.float32),
            jax.ShapeDtypeStruct((NP, D), jnp.float32),
        ],
    )(xp, sums0, hist0, W_self, W_nbr, be, W_g1, bg1, W_g2, bg2)


def _dense2(he, sums12, hist12, W_hop1, W_hop2, bf, woa, wob, bo):
    nc = woa.shape[1]
    return pl.pallas_call(
        _dense2_body,
        grid=(GRID,),
        in_specs=[
            pl.BlockSpec((BR, D), lambda i: (i, 0)),
            pl.BlockSpec((2, BR, D), lambda i: (0, i, 0)),
            pl.BlockSpec((32, BR), lambda i: (0, i)),
            _full((D, D)),
            _full((D, D)),
            _full((1, D)),
            _full((D, nc)),
            _full((D, nc)),
            _full((1, nc)),
        ],
        out_specs=pl.BlockSpec((BR, nc), lambda i: (i, 0)),
        out_shape=jax.ShapeDtypeStruct((NP, nc), jnp.float32),
    )(he, sums12, hist12, W_hop1, W_hop2, bf, woa, wob, bo)


def kernel(x, edge_index_0, edge_index_1, edge_index_2, W_self, W_nbr, b_edge,
           W_g1, b_g1, W_g2, b_g2, W_hop1, W_hop2, b_fog, W_out, b_out):
    E = edge_index_0.shape[1]
    pad = EPAD - E
    xp = jnp.pad(x, ((0, NP - N), (0, 0)))

    def pad_edges(ei):
        src = jnp.concatenate([ei[0], jnp.zeros((pad,), jnp.int32)])
        dst = jnp.concatenate([ei[1], jnp.full((pad,), N, jnp.int32)])
        return src, dst

    s0, d0 = pad_edges(edge_index_0)
    s1, d1 = pad_edges(edge_index_1)
    s2, d2 = pad_edges(edge_index_2)
    src12 = jnp.stack([s1, s2])
    dst12 = jnp.stack([d1, d2])

    zacc = jnp.zeros((CHUNK, D), jnp.float32)
    zhist = jnp.zeros((NP,), jnp.float32)

    sums0, hist0 = _seg_split(xp, s0, d0, zacc, zhist)
    he, gh = _dense1(xp, sums0, hist0, W_self, W_nbr, b_edge.reshape(1, D),
                     W_g1, b_g1.reshape(1, -1), W_g2, b_g2.reshape(1, 1))
    sums12, hist12 = _seg_two(gh, src12, dst12, zacc, zhist)
    logits = _dense2(he, sums12, hist12, W_hop1, W_hop2, b_fog.reshape(1, D),
                     W_out[:D], W_out[D:], b_out.reshape(1, -1))
    return logits[:N]

# --- scband reference (transcript-rebuilt; emitter-appended) ---
"""Pipeline reference for scband-hlambda-82824149336367 (READ-ONLY COPY).

The authoritative reference and input builder live on the scoring server;
editing this copy changes nothing except your own understanding.
"""

import jax, jax.numpy as jnp
import numpy as np

N = 10000
E = 320000
IN_DIM = 128
HID = 128
GATE_HID = 32
NUM_CLASSES = 40

def setup_inputs(seed: int = 0):
    key = jax.random.key(seed)
    ks = jax.random.split(key, 20)
    inp = {}
    inp['x'] = jax.random.normal(ks[0], (N, IN_DIM), dtype=jnp.float32)
    inp['edge_index_0'] = jax.random.randint(ks[1], (2, E), 0, N, dtype=jnp.int32)
    inp['edge_index_1'] = jax.random.randint(ks[2], (2, E), 0, N, dtype=jnp.int32)
    inp['edge_index_2'] = jax.random.randint(ks[3], (2, E), 0, N, dtype=jnp.int32)
    inp['W_self'] = jax.random.normal(ks[4], (IN_DIM, HID), dtype=jnp.float32) / np.sqrt(IN_DIM)
    inp['W_nbr'] = jax.random.normal(ks[5], (IN_DIM, HID), dtype=jnp.float32) / np.sqrt(IN_DIM)
    inp['b_edge'] = jnp.zeros((HID,), dtype=jnp.float32)
    inp['W_g1'] = jax.random.normal(ks[6], (HID, GATE_HID), dtype=jnp.float32) / np.sqrt(HID)
    inp['b_g1'] = jnp.zeros((GATE_HID,), dtype=jnp.float32)
    inp['W_g2'] = jax.random.normal(ks[7], (GATE_HID, 1), dtype=jnp.float32) / np.sqrt(GATE_HID)
    inp['b_g2'] = jnp.zeros((1,), dtype=jnp.float32)
    inp['W_hop1'] = jax.random.normal(ks[8], (HID, HID), dtype=jnp.float32) / np.sqrt(HID)
    inp['W_hop2'] = jax.random.normal(ks[9], (HID, HID), dtype=jnp.float32) / np.sqrt(HID)
    inp['b_fog'] = jnp.zeros((HID,), dtype=jnp.float32)
    inp['W_out'] = jax.random.normal(ks[10], (2 * HID, NUM_CLASSES), dtype=jnp.float32) / np.sqrt(2 * HID)
    inp['b_out'] = jnp.zeros((NUM_CLASSES,), dtype=jnp.float32)
    return inp

def _segment_mean(msgs, dst, num_segments):
    s = jax.ops.segment_sum(msgs, dst, num_segments=num_segments)
    c = jax.ops.segment_sum(jnp.ones((dst.shape[0], 1), msgs.dtype), dst, num_segments=num_segments)
    return s / jnp.maximum(c, 1.0)

def reference(x, edge_index_0, edge_index_1, edge_index_2, W_self, W_nbr, b_edge, W_g1, b_g1, W_g2, b_g2, W_hop1, W_hop2, b_fog, W_out, b_out):
    # EdgeLayer: GraphSAGE-style 1-hop message passing (gather -> segment-mean -> linear)
    src0, dst0 = edge_index_0[0], edge_index_0[1]
    nbr = _segment_mean(jnp.take(x @ W_nbr, src0, axis=0), dst0, N)
    h_edge = jax.nn.relu(x @ W_self + nbr + b_edge)
    # SuspicionGater: per-node soft gate in [0, 1] (hard_gate=False path)
    gate = jax.nn.sigmoid(jax.nn.relu(h_edge @ W_g1 + b_g1) @ W_g2 + b_g2)  # [N, 1]
    # FogLayer: gated aggregation over higher-hop edge sets (hops 2..max_hop); dropout inactive at eval
    gh = gate * h_edge
    fog = jnp.zeros((N, HID), dtype=x.dtype)
    for ei, W in ((edge_index_1, W_hop1), (edge_index_2, W_hop2)):
        agg = _segment_mean(jnp.take(gh, ei[0], axis=0), ei[1], N)
        fog = fog + agg @ W
    h_fog = jax.nn.relu(fog + b_fog)
    # CloudLayer: classifier head over concat(edge, fog) features
    logits = jnp.concatenate([h_edge, h_fog], axis=-1) @ W_out + b_out
    return logits

if __name__ == "__main__":
    import jax
    _d = setup_inputs()
    print(jax.jit(kernel)(*tuple(_d.values())))

</pallas_src>

<mosaic_0001>
#map = affine_map<(d0, d1) -> (0, 0)>
#map1 = affine_map<(d0, d1) -> (0)>
#map2 = affine_map<(d0, d1) -> (0, 0, 0)>
module attributes {stable_mosaic.version = 14 : i64} {
  func.func @body(%arg0: i32, %arg1: i32, %arg2: memref<10240x128xf32, #tpu.memory_space<hbm>>, %arg3: memref<327680xi32, #tpu.memory_space<hbm>>, %arg4: memref<327680xi32, #tpu.memory_space<hbm>>, %arg5: memref<128x128xf32, #tpu.memory_space<hbm>>, %arg6: memref<10240xf32, #tpu.memory_space<hbm>>, %arg7: memref<2x10240x128xf32, #tpu.memory_space<hbm>>, %arg8: memref<32x10240xf32, #tpu.memory_space<hbm>>, %arg9: memref<128xi32, #tpu.memory_space<vmem>>, %arg10: memref<128xi32, #tpu.memory_space<vmem>>, %arg11: memref<128xi32, #tpu.memory_space<vmem>>, %arg12: memref<128xi32, #tpu.memory_space<vmem>>, %arg13: memref<128xi32, #tpu.memory_space<vmem>>, %arg14: memref<128xi32, #tpu.memory_space<vmem>>, %arg15: memref<128x128xf32, #tpu.memory_space<vmem>>, %arg16: memref<128x128xf32, #tpu.memory_space<vmem>>, %arg17: memref<10240xf32, #tpu.memory_space<vmem>>, %arg18: memref<10240x128xf32, #tpu.memory_space<vmem_shared>>, %arg19: memref<!tpu.dma_semaphore, #tpu.memory_space<semaphore_mem>>, %arg20: memref<!tpu.dma_semaphore, #tpu.memory_space<semaphore_mem>>, %arg21: memref<!tpu.dma_semaphore, #tpu.memory_space<semaphore_mem>>, %arg22: memref<!tpu.dma_semaphore, #tpu.memory_space<semaphore_mem>>, %arg23: memref<!tpu.dma_semaphore, #tpu.memory_space<semaphore_mem>>, %arg24: memref<!tpu.dma_semaphore, #tpu.memory_space<semaphore_mem>>) attributes {dimension_semantics = [#tpu.dimension_semantics<core_parallel>, #tpu.dimension_semantics<subcore_parallel>], iteration_bounds = array<i64: 2, 16>, scalar_prefetch = 0 : i64, scratch_operands = 16 : i64, tpu.core_type = #tpu.core_type<sc_vector_subcore>, window_params = [{transform_indices = #map}, {transform_indices = #map1}, {transform_indices = #map1}, {transform_indices = #map}, {transform_indices = #map1}, {transform_indices = #map2}, {transform_indices = #map}]} {
    %mul3A = arith.constant 16 : i32
    %mul3A_0 = arith.muli %arg0, %mul3A : i32
    %add3A = arith.addi %mul3A_0, %arg1 : i32
    %mul3A_1 = arith.constant 640 : i32
    %mul3A_2 = arith.muli %arg1, %mul3A_1 : i32
    "tpu.region"() ({
      %run_scoped3A = tpu.sem_alloc : memref<!tpu.dma_semaphore, #tpu.memory_space<semaphore_mem>>
      tpu.enqueue_dma source(%arg5 : memref<128x128xf32, #tpu.memory_space<hbm>>) target(%arg15 : memref<128x128xf32, #tpu.memory_space<vmem>>) target_semaphore(%run_scoped3A : memref<!tpu.dma_semaphore, #tpu.memory_space<semaphore_mem>>)
      tpu.wait_dma2 semaphore(%run_scoped3A : memref<!tpu.dma_semaphore, #tpu.memory_space<semaphore_mem>>) src(%arg5 : memref<128x128xf32, #tpu.memory_space<hbm>>) dst(%arg15 : memref<128x128xf32, #tpu.memory_space<vmem>>)
      tpu.yield
    }) : () -> ()
    %add3A_3 = arith.constant 0 : i32
    %add3A_4 = arith.addi %mul3A_2, %add3A_3 : i32
    "tpu.region"() ({
      %run_scoped3A = tpu.sem_alloc : memref<!tpu.dma_semaphore, #tpu.memory_space<semaphore_mem>>
      %dma_start3A_180 = arith.constant 0 : i32
      %dma_start3A_181 = tpu.memref_slice %arg18[%add3A_4, %dma_start3A_180] : memref<10240x128xf32, #tpu.memory_space<vmem_shared>> -> memref<128x128xf32, #tpu.memory_space<vmem_shared>>
      %dma_start3A_182 = arith.constant 0 : i32
      %dma_start3A_183 = tpu.memref_slice %arg18[%add3A_4, %dma_start3A_182] : memref<10240x128xf32, #tpu.memory_space<vmem_shared>> -> memref<128x128xf32, #tpu.memory_space<vmem_shared>>
      tpu.enqueue_dma source(%arg15 : memref<128x128xf32, #tpu.memory_space<vmem>>) target(%dma_start3A_183 : memref<128x128xf32, #tpu.memory_space<vmem_shared>>) target_semaphore(%run_scoped3A : memref<!tpu.dma_semaphore, #tpu.memory_space<semaphore_mem>>)
      %dma_wait3A_184 = arith.constant 0 : i32
      %dma_wait3A_185 = tpu.memref_slice %arg18[%add3A_4, %dma_wait3A_184] : memref<10240x128xf32, #tpu.memory_space<vmem_shared>> -> memref<128x128xf32, #tpu.memory_space<vmem_shared>>
      %dma_wait3A_186 = arith.constant 0 : i32
      %dma_wait3A_187 = tpu.memref_slice %arg18[%add3A_4, %dma_wait3A_186] : memref<10240x128xf32, #tpu.memory_space<vmem_shared>> -> memref<128x128xf32, #tpu.memory_space<vmem_shared>>
      tpu.wait_dma2 semaphore(%run_scoped3A : memref<!tpu.dma_semaphore, #tpu.memory_space<semaphore_mem>>) src(%arg15 : memref<128x128xf32, #tpu.memory_space<vmem>>) dst(%dma_wait3A_187 : memref<128x128xf32, #tpu.memory_space<vmem_shared>>)
      tpu.yield
    }) : () -> ()
    %add3A_5 = arith.constant 128 : i32
    %add3A_6 = arith.addi %mul3A_2, %add3A_5 : i32
    "tpu.region"() ({
      %run_scoped3A = tpu.sem_alloc : memref<!tpu.dma_semaphore, #tpu.memory_space<semaphore_mem>>
      %dma_start3A_180 = arith.constant 0 : i32
      %dma_start3A_181 = tpu.memref_slice %arg18[%add3A_6, %dma_start3A_180] : memref<10240x128xf32, #tpu.memory_space<vmem_shared>> -> memref<128x128xf32, #tpu.memory_space<vmem_shared>>
      %dma_start3A_182 = arith.constant 0 : i32
      %dma_start3A_183 = tpu.memref_slice %arg18[%add3A_6, %dma_start3A_182] : memref<10240x128xf32, #tpu.memory_space<vmem_shared>> -> memref<128x128xf32, #tpu.memory_space<vmem_shared>>
      tpu.enqueue_dma source(%arg15 : memref<128x128xf32, #tpu.memory_space<vmem>>) target(%dma_start3A_183 : memref<128x128xf32, #tpu.memory_space<vmem_shared>>) target_semaphore(%run_scoped3A : memref<!tpu.dma_semaphore, #tpu.memory_space<semaphore_mem>>)
      %dma_wait3A_184 = arith.constant 0 : i32
      %dma_wait3A_185 = tpu.memref_slice %arg18[%add3A_6, %dma_wait3A_184] : memref<10240x128xf32, #tpu.memory_space<vmem_shared>> -> memref<128x128xf32, #tpu.memory_space<vmem_shared>>
      %dma_wait3A_186 = arith.constant 0 : i32
      %dma_wait3A_187 = tpu.memref_slice %arg18[%add3A_6, %dma_wait3A_186] : memref<10240x128xf32, #tpu.memory_space<vmem_shared>> -> memref<128x128xf32, #tpu.memory_space<vmem_shared>>
      tpu.wait_dma2 semaphore(%run_scoped3A : memref<!tpu.dma_semaphore, #tpu.memory_space<semaphore_mem>>) src(%arg15 : memref<128x128xf32, #tpu.memory_space<vmem>>) dst(%dma_wait3A_187 : memref<128x128xf32, #tpu.memory_space<vmem_shared>>)
      tpu.yield
    }) : () -> ()
    %add3A_7 = arith.constant 256 : i32
    %add3A_8 = arith.addi %mul3A_2, %add3A_7 : i32
    "tpu.region"() ({
      %run_scoped3A = tpu.sem_alloc : memref<!tpu.dma_semaphore, #tpu.memory_space<semaphore_mem>>
      %dma_start3A_180 = arith.constant 0 : i32
      %dma_start3A_181 = tpu.memref_slice %arg18[%add3A_8, %dma_start3A_180] : memref<10240x128xf32, #tpu.memory_space<vmem_shared>> -> memref<128x128xf32, #tpu.memory_space<vmem_shared>>
      %dma_start3A_182 = arith.constant 0 : i32
      %dma_start3A_183 = tpu.memref_slice %arg18[%add3A_8, %dma_start3A_182] : memref<10240x128xf32, #tpu.memory_space<vmem_shared>> -> memref<128x128xf32, #tpu.memory_space<vmem_shared>>
      tpu.enqueue_dma source(%arg15 : memref<128x128xf32, #tpu.memory_space<vmem>>) target(%dma_start3A_183 : memref<128x128xf32, #tpu.memory_space<vmem_shared>>) target_semaphore(%run_scoped3A : memref<!tpu.dma_semaphore, #tpu.memory_space<semaphore_mem>>)
      %dma_wait3A_184 = arith.constant 0 : i32
      %dma_wait3A_185 = tpu.memref_slice %arg18[%add3A_8, %dma_wait3A_184] : memref<10240x128xf32, #tpu.memory_space<vmem_shared>> -> memref<128x128xf32, #tpu.memory_space<vmem_shared>>
      %dma_wait3A_186 = arith.constant 0 : i32
      %dma_wait3A_187 = tpu.memref_slice %arg18[%add3A_8, %dma_wait3A_186] : memref<10240x128xf32, #tpu.memory_space<vmem_shared>> -> memref<128x128xf32, #tpu.memory_space<vmem_shared>>
      tpu.wait_dma2 semaphore(%run_scoped3A : memref<!tpu.dma_semaphore, #tpu.memory_space<semaphore_mem>>) src(%arg15 : memref<128x128xf32, #tpu.memory_space<vmem>>) dst(%dma_wait3A_187 : memref<128x128xf32, #tpu.memory_space<vmem_shared>>)
      tpu.yield
    }) : () -> ()
    %add3A_9 = arith.constant 384 : i32
    %add3A_10 = arith.addi %mul3A_2, %add3A_9 : i32
    "tpu.region"() ({
      %run_scoped3A = tpu.sem_alloc : memref<!tpu.dma_semaphore, #tpu.memory_space<semaphore_mem>>
      %dma_start3A_180 = arith.constant 0 : i32
      %dma_start3A_181 = tpu.memref_slice %arg18[%add3A_10, %dma_start3A_180] : memref<10240x128xf32, #tpu.memory_space<vmem_shared>> -> memref<128x128xf32, #tpu.memory_space<vmem_shared>>
      %dma_start3A_182 = arith.constant 0 : i32
      %dma_start3A_183 = tpu.memref_slice %arg18[%add3A_10, %dma_start3A_182] : memref<10240x128xf32, #tpu.memory_space<vmem_shared>> -> memref<128x128xf32, #tpu.memory_space<vmem_shared>>
      tpu.enqueue_dma source(%arg15 : memref<128x128xf32, #tpu.memory_space<vmem>>) target(%dma_start3A_183 : memref<128x128xf32, #tpu.memory_space<vmem_shared>>) target_semaphore(%run_scoped3A : memref<!tpu.dma_semaphore, #tpu.memory_space<semaphore_mem>>)
      %dma_wait3A_184 = arith.constant 0 : i32
      %dma_wait3A_185 = tpu.memref_slice %arg18[%add3A_10, %dma_wait3A_184] : memref<10240x128xf32, #tpu.memory_space<vmem_shared>> -> memref<128x128xf32, #tpu.memory_space<vmem_shared>>
      %dma_wait3A_186 = arith.constant 0 : i32
      %dma_wait3A_187 = tpu.memref_slice %arg18[%add3A_10, %dma_wait3A_186] : memref<10240x128xf32, #tpu.memory_space<vmem_shared>> -> memref<128x128xf32, #tpu.memory_space<vmem_shared>>
      tpu.wait_dma2 semaphore(%run_scoped3A : memref<!tpu.dma_semaphore, #tpu.memory_space<semaphore_mem>>) src(%arg15 : memref<128x128xf32, #tpu.memory_space<vmem>>) dst(%dma_wait3A_187 : memref<128x128xf32, #tpu.memory_space<vmem_shared>>)
      tpu.yield
    }) : () -> ()
    %add3A_11 = arith.constant 512 : i32
    %add3A_12 = arith.addi %mul3A_2, %add3A_11 : i32
    "tpu.region"() ({
      %run_scoped3A = tpu.sem_alloc : memref<!tpu.dma_semaphore, #tpu.memory_space<semaphore_mem>>
      %dma_start3A_180 = arith.constant 0 : i32
      %dma_start3A_181 = tpu.memref_slice %arg18[%add3A_12, %dma_start3A_180] : memref<10240x128xf32, #tpu.memory_space<vmem_shared>> -> memref<128x128xf32, #tpu.memory_space<vmem_shared>>
      %dma_start3A_182 = arith.constant 0 : i32
      %dma_start3A_183 = tpu.memref_slice %arg18[%add3A_12, %dma_start3A_182] : memref<10240x128xf32, #tpu.memory_space<vmem_shared>> -> memref<128x128xf32, #tpu.memory_space<vmem_shared>>
      tpu.enqueue_dma source(%arg15 : memref<128x128xf32, #tpu.memory_space<vmem>>) target(%dma_start3A_183 : memref<128x128xf32, #tpu.memory_space<vmem_shared>>) target_semaphore(%run_scoped3A : memref<!tpu.dma_semaphore, #tpu.memory_space<semaphore_mem>>)
      %dma_wait3A_184 = arith.constant 0 : i32
      %dma_wait3A_185 = tpu.memref_slice %arg18[%add3A_12, %dma_wait3A_184] : memref<10240x128xf32, #tpu.memory_space<vmem_shared>> -> memref<128x128xf32, #tpu.memory_space<vmem_shared>>
      %dma_wait3A_186 = arith.constant 0 : i32
      %dma_wait3A_187 = tpu.memref_slice %arg18[%add3A_12, %dma_wait3A_186] : memref<10240x128xf32, #tpu.memory_space<vmem_shared>> -> memref<128x128xf32, #tpu.memory_space<vmem_shared>>
      tpu.wait_dma2 semaphore(%run_scoped3A : memref<!tpu.dma_semaphore, #tpu.memory_space<semaphore_mem>>) src(%arg15 : memref<128x128xf32, #tpu.memory_space<vmem>>) dst(%dma_wait3A_187 : memref<128x128xf32, #tpu.memory_space<vmem_shared>>)
      tpu.yield
    }) : () -> ()
    "tpu.region"() ({
      %run_scoped3A = tpu.sem_alloc : memref<!tpu.dma_semaphore, #tpu.memory_space<semaphore_mem>>
      tpu.enqueue_dma source(%arg6 : memref<10240xf32, #tpu.memory_space<hbm>>) target(%arg17 : memref<10240xf32, #tpu.memory_space<vmem>>) target_semaphore(%run_scoped3A : memref<!tpu.dma_semaphore, #tpu.memory_space<semaphore_mem>>)
      tpu.wait_dma2 semaphore(%run_scoped3A : memref<!tpu.dma_semaphore, #tpu.memory_space<semaphore_mem>>) src(%arg6 : memref<10240xf32, #tpu.memory_space<hbm>>) dst(%arg17 : memref<10240xf32, #tpu.memory_space<vmem>>)
      tpu.yield
    }) : () -> ()
    %barrier3A = arith.constant 0 : index
    tpu.barrier barrier_id(%barrier3A)
    %mul3A_13 = arith.constant 16 : i32
    %mul3A_14 = arith.muli %arg0, %mul3A_13 : i32
    %add3A_15 = arith.addi %mul3A_14, %arg1 : i32
    %mul3A_16 = arith.constant 10240 : i32
    %mul3A_17 = arith.muli %add3A_15, %mul3A_16 : i32
    %broadcast_in_dim3A = arith.constant 1.000000e+00 : f32
    %broadcast_in_dim3A_18 = vector.broadcast %broadcast_in_dim3A : f32 to vector<16xf32>
    %add3A_19 = arith.constant 0 : i32
    %add3A_20 = arith.addi %mul3A_17, %add3A_19 : i32
    %dma_start3A = tpu.memref_slice %arg3[%add3A_20] : memref<327680xi32, #tpu.memory_space<hbm>> -> memref<128xi32, #tpu.memory_space<hbm>>
    %dma_start3A_21 = tpu.memref_slice %arg3[%add3A_20] : memref<327680xi32, #tpu.memory_space<hbm>> -> memref<128xi32, #tpu.memory_space<hbm>>
    tpu.enqueue_dma source(%dma_start3A_21 : memref<128xi32, #tpu.memory_space<hbm>>) target(%arg9 : memref<128xi32, #tpu.memory_space<vmem>>) target_semaphore(%arg19 : memref<!tpu.dma_semaphore, #tpu.memory_space<semaphore_mem>>)
    %dma_start3A_22 = tpu.memref_slice %arg4[%add3A_20] : memref<327680xi32, #tpu.memory_space<hbm>> -> memref<128xi32, #tpu.memory_space<hbm>>
    %dma_start3A_23 = tpu.memref_slice %arg4[%add3A_20] : memref<327680xi32, #tpu.memory_space<hbm>> -> memref<128xi32, #tpu.memory_space<hbm>>
    tpu.enqueue_dma source(%dma_start3A_23 : memref<128xi32, #tpu.memory_space<hbm>>) target(%arg11 : memref<128xi32, #tpu.memory_space<vmem>>) target_semaphore(%arg19 : memref<!tpu.dma_semaphore, #tpu.memory_space<semaphore_mem>>)
    %add3A_24 = arith.constant 128 : i32
    %add3A_25 = arith.addi %mul3A_17, %add3A_24 : i32
    %dma_start3A_26 = tpu.memref_slice %arg3[%add3A_25] : memref<327680xi32, #tpu.memory_space<hbm>> -> memref<128xi32, #tpu.memory_space<hbm>>
    %dma_start3A_27 = tpu.memref_slice %arg3[%add3A_25] : memref<327680xi32, #tpu.memory_space<hbm>> -> memref<128xi32, #tpu.memory_space<hbm>>
    tpu.enqueue_dma source(%dma_start3A_27 : memref<128xi32, #tpu.memory_space<hbm>>) target(%arg10 : memref<128xi32, #tpu.memory_space<vmem>>) target_semaphore(%arg20 : memref<!tpu.dma_semaphore, #tpu.memory_space<semaphore_mem>>)
    %dma_start3A_28 = tpu.memref_slice %arg4[%add3A_25] : memref<327680xi32, #tpu.memory_space<hbm>> -> memref<128xi32, #tpu.memory_space<hbm>>
    %dma_start3A_29 = tpu.memref_slice %arg4[%add3A_25] : memref<327680xi32, #tpu.memory_space<hbm>> -> memref<128xi32, #tpu.memory_space<hbm>>
    tpu.enqueue_dma source(%dma_start3A_29 : memref<128xi32, #tpu.memory_space<hbm>>) target(%arg12 : memref<128xi32, #tpu.memory_space<vmem>>) target_semaphore(%arg20 : memref<!tpu.dma_semaphore, #tpu.memory_space<semaphore_mem>>)
    %scan3A = arith.constant 0 : i32
    %scan3A_30 = arith.constant 40 : i32
    %scan3A_31 = arith.addi %scan3A, %scan3A_30 : i32
    %scan3A_32 = arith.constant 1 : i32
    scf.for %scan3A_180 = %scan3A to %scan3A_31 step %scan3A_32  : i32 {
      %mul3A_181 = arith.constant 1 : i32
      %mul3A_182 = arith.muli %scan3A_180, %mul3A_181 : i32
      %add3A_183 = arith.constant 0 : i32
      %add3A_184 = arith.addi %add3A_183, %mul3A_182 : i32
      %mul3A_185 = arith.constant 2 : i32
      %mul3A_186 = arith.muli %mul3A_185, %add3A_184 : i32
      %add3A_187 = arith.constant 0 : i32
      %add3A_188 = arith.addi %mul3A_186, %add3A_187 : i32
      %dma_wait3A_189 = arith.constant 0 : i32
      %dma_wait3A_190 = tpu.memref_slice %arg3[%dma_wait3A_189] : memref<327680xi32, #tpu.memory_space<hbm>> -> memref<128xi32, #tpu.memory_space<hbm>>
      %dma_wait3A_191 = arith.constant 0 : i32
      %dma_wait3A_192 = tpu.memref_slice %arg3[%dma_wait3A_191] : memref<327680xi32, #tpu.memory_space<hbm>> -> memref<128xi32, #tpu.memory_space<hbm>>
      tpu.wait_dma2 semaphore(%arg19 : memref<!tpu.dma_semaphore, #tpu.memory_space<semaphore_mem>>) src(%dma_wait3A_192 : memref<128xi32, #tpu.memory_space<hbm>>) dst(%arg9 : memref<128xi32, #tpu.memory_space<vmem>>)
      %dma_wait3A_193 = arith.constant 0 : i32
      %dma_wait3A_194 = tpu.memref_slice %arg4[%dma_wait3A_193] : memref<327680xi32, #tpu.memory_space<hbm>> -> memref<128xi32, #tpu.memory_space<hbm>>
      %dma_wait3A_195 = arith.constant 0 : i32
      %dma_wait3A_196 = tpu.memref_slice %arg4[%dma_wait3A_195] : memref<327680xi32, #tpu.memory_space<hbm>> -> memref<128xi32, #tpu.memory_space<hbm>>
      tpu.wait_dma2 semaphore(%arg19 : memref<!tpu.dma_semaphore, #tpu.memory_space<semaphore_mem>>) src(%dma_wait3A_196 : memref<128xi32, #tpu.memory_space<hbm>>) dst(%arg11 : memref<128xi32, #tpu.memory_space<vmem>>)
      %gt3A = arith.constant 0 : i32
      %gt3A_197 = arith.cmpi sgt, %add3A_184, %gt3A : i32
      %convert_element_type3A = arith.extui %gt3A_197 : i1 to i32
      %cond3A = arith.constant 0 : i32
      %cond3A_198 = arith.cmpi ne, %convert_element_type3A, %cond3A : i32
      scf.if %cond3A_198 {
        %dma_wait3A_309 = arith.constant 0 : i32
        %dma_wait3A_310 = arith.constant 0 : i32
        %dma_wait3A_311 = tpu.memref_slice %arg18[%dma_wait3A_309, %dma_wait3A_310] : memref<10240x128xf32, #tpu.memory_space<vmem_shared>> -> memref<10240x128xf32, #tpu.memory_space<vmem_shared>>
        tpu.wait_indirect_dma semaphore(%arg23 : memref<!tpu.dma_semaphore, #tpu.memory_space<semaphore_mem>>) src(%arg15 : memref<128x128xf32, #tpu.memory_space<vmem>>) dst(%dma_wait3A_311 : memref<10240x128xf32, #tpu.memory_space<vmem_shared>>)
      } else {
      }
      %dma_start3A_199 = arith.constant 0 : i32
      %dma_start3A_200 = arith.constant 0 : i32
      %dma_start3A_201 = tpu.memref_slice %arg2[%dma_start3A_199, %dma_start3A_200] : memref<10240x128xf32, #tpu.memory_space<hbm>> -> memref<10240x128xf32, #tpu.memory_space<hbm>>
      tpu.enqueue_indirect_dma source(%dma_start3A_201 : memref<10240x128xf32, #tpu.memory_space<hbm>>) target(%arg15 : memref<128x128xf32, #tpu.memory_space<vmem>>) offsets(%arg9 : memref<128xi32, #tpu.memory_space<vmem>>) semaphore(%arg21 : memref<!tpu.dma_semaphore, #tpu.memory_space<semaphore_mem>>)
      %get3A = arith.constant 0 : index
      %get3A_202 = tpu.vector_load %arg11[%get3A] {strides = array<i32>} : memref<128xi32, #tpu.memory_space<vmem>>, vector<16xi32>,
      tpu.vector_store_idx %arg17[%get3A_202], %broadcast_in_dim3A_18 {add = true} : memref<10240xf32, #tpu.memory_space<vmem>>[vector<16xi32>], vector<16xf32>,
      %swap3A = arith.constant 0 : index
      %swap3A_203 = tpu.vector_load %arg13[%swap3A] {strides = array<i32>} : memref<128xi32, #tpu.memory_space<vmem>>, vector<16xi32>,
      tpu.vector_store %arg13[%swap3A], %get3A_202 {strides = array<i32>} : memref<128xi32, #tpu.memory_space<vmem>>, vector<16xi32>,
      %get3A_204 = arith.constant 16 : index
      %get3A_205 = tpu.vector_load %arg11[%get3A_204] {strides = array<i32>} : memref<128xi32, #tpu.memory_space<vmem>>, vector<16xi32>,
      tpu.vector_store_idx %arg17[%get3A_205], %broadcast_in_dim3A_18 {add = true} : memref<10240xf32, #tpu.memory_space<vmem>>[vector<16xi32>], vector<16xf32>,
      %swap3A_206 = arith.constant 16 : index
      %swap3A_207 = tpu.vector_load %arg13[%swap3A_206] {strides = array<i32>} : memref<128xi32, #tpu.memory_space<vmem>>, vector<16xi32>,
      tpu.vector_store %arg13[%swap3A_206], %get3A_205 {strides = array<i32>} : memref<128xi32, #tpu.memory_space<vmem>>, vector<16xi32>,
      %get3A_208 = arith.constant 32 : index
      %get3A_209 = tpu.vector_load %arg11[%get3A_208] {strides = array<i32>} : memref<128xi32, #tpu.memory_space<vmem>>, vector<16xi32>,
      tpu.vector_store_idx %arg17[%get3A_209], %broadcast_in_dim3A_18 {add = true} : memref<10240xf32, #tpu.memory_space<vmem>>[vector<16xi32>], vector<16xf32>,
      %swap3A_210 = arith.constant 32 : index
      %swap3A_211 = tpu.vector_load %arg13[%swap3A_210] {strides = array<i32>} : memref<128xi32, #tpu.memory_space<vmem>>, vector<16xi32>,
      tpu.vector_store %arg13[%swap3A_210], %get3A_209 {strides = array<i32>} : memref<128xi32, #tpu.memory_space<vmem>>, vector<16xi32>,
      %get3A_212 = arith.constant 48 : index
      %get3A_213 = tpu.vector_load %arg11[%get3A_212] {strides = array<i32>} : memref<128xi32, #tpu.memory_space<vmem>>, vector<16xi32>,
      tpu.vector_store_idx %arg17[%get3A_213], %broadcast_in_dim3A_18 {add = true} : memref<10240xf32, #tpu.memory_space<vmem>>[vector<16xi32>], vector<16xf32>,
      %swap3A_214 = arith.constant 48 : index
      %swap3A_215 = tpu.vector_load %arg13[%swap3A_214] {strides = array<i32>} : memref<128xi32, #tpu.memory_space<vmem>>, vector<16xi32>,
      tpu.vector_store %arg13[%swap3A_214], %get3A_213 {strides = array<i32>} : memref<128xi32, #tpu.memory_space<vmem>>, vector<16xi32>,
      %get3A_216 = arith.constant 64 : index
      %get3A_217 = tpu.vector_load %arg11[%get3A_216] {strides = array<i32>} : memref<128xi32, #tpu.memory_space<vmem>>, vector<16xi32>,
      tpu.vector_store_idx %arg17[%get3A_217], %broadcast_in_dim3A_18 {add = true} : memref<10240xf32, #tpu.memory_space<vmem>>[vector<16xi32>], vector<16xf32>,
      %swap3A_218 = arith.constant 64 : index
      %swap3A_219 = tpu.vector_load %arg13[%swap3A_218] {strides = array<i32>} : memref<128xi32, #tpu.memory_space<vmem>>, vector<16xi32>,
      tpu.vector_store %arg13[%swap3A_218], %get3A_217 {strides = array<i32>} : memref<128xi32, #tpu.memory_space<vmem>>, vector<16xi32>,
      %get3A_220 = arith.constant 80 : index
      %get3A_221 = tpu.vector_load %arg11[%get3A_220] {strides = array<i32>} : memref<128xi32, #tpu.memory_space<vmem>>, vector<16xi32>,
      tpu.vector_store_idx %arg17[%get3A_221], %broadcast_in_dim3A_18 {add = true} : memref<10240xf32, #tpu.memory_space<vmem>>[vector<16xi32>], vector<16xf32>,
      %swap3A_222 = arith.constant 80 : index
      %swap3A_223 = tpu.vector_load %arg13[%swap3A_222] {strides = array<i32>} : memref<128xi32, #tpu.memory_space<vmem>>, vector<16xi32>,
      tpu.vector_store %arg13[%swap3A_222], %get3A_221 {strides = array<i32>} : memref<128xi32, #tpu.memory_space<vmem>>, vector<16xi32>,
      %get3A_224 = arith.constant 96 : index
      %get3A_225 = tpu.vector_load %arg11[%get3A_224] {strides = array<i32>} : memref<128xi32, #tpu.memory_space<vmem>>, vector<16xi32>,
      tpu.vector_store_idx %arg17[%get3A_225], %broadcast_in_dim3A_18 {add = true} : memref<10240xf32, #tpu.memory_space<vmem>>[vector<16xi32>], vector<16xf32>,
      %swap3A_226 = arith.constant 96 : index
      %swap3A_227 = tpu.vector_load %arg13[%swap3A_226] {strides = array<i32>} : memref<128xi32, #tpu.memory_space<vmem>>, vector<16xi32>,
      tpu.vector_store %arg13[%swap3A_226], %get3A_225 {strides = array<i32>} : memref<128xi32, #tpu.memory_space<vmem>>, vector<16xi32>,
      %get3A_228 = arith.constant 112 : index
      %get3A_229 = tpu.vector_load %arg11[%get3A_228] {strides = array<i32>} : memref<128xi32, #tpu.memory_space<vmem>>, vector<16xi32>,
      tpu.vector_store_idx %arg17[%get3A_229], %broadcast_in_dim3A_18 {add = true} : memref<10240xf32, #tpu.memory_space<vmem>>[vector<16xi32>], vector<16xf32>,
      %swap3A_230 = arith.constant 112 : index
      %swap3A_231 = tpu.vector_load %arg13[%swap3A_230] {strides = array<i32>} : memref<128xi32, #tpu.memory_space<vmem>>, vector<16xi32>,
      tpu.vector_store %arg13[%swap3A_230], %get3A_229 {strides = array<i32>} : memref<128xi32, #tpu.memory_space<vmem>>, vector<16xi32>,
      %dma_wait3A_232 = arith.constant 0 : i32
      %dma_wait3A_233 = arith.constant 0 : i32
      %dma_wait3A_234 = tpu.memref_slice %arg2[%dma_wait3A_232, %dma_wait3A_233] : memref<10240x128xf32, #tpu.memory_space<hbm>> -> memref<10240x128xf32, #tpu.memory_space<hbm>>
      tpu.wait_indirect_dma semaphore(%arg21 : memref<!tpu.dma_semaphore, #tpu.memory_space<semaphore_mem>>) src(%dma_wait3A_234 : memref<10240x128xf32, #tpu.memory_space<hbm>>) dst(%arg15 : memref<128x128xf32, #tpu.memory_space<vmem>>)
      %dma_start3A_235 = arith.constant 0 : i32
      %dma_start3A_236 = arith.constant 0 : i32
      %dma_start3A_237 = tpu.memref_slice %arg18[%dma_start3A_235, %dma_start3A_236] : memref<10240x128xf32, #tpu.memory_space<vmem_shared>> -> memref<10240x128xf32, #tpu.memory_space<vmem_shared>>
      tpu.enqueue_indirect_dma source(%arg15 : memref<128x128xf32, #tpu.memory_space<vmem>>) target(%dma_start3A_237 : memref<10240x128xf32, #tpu.memory_space<vmem_shared>>) offsets(%arg13 : memref<128xi32, #tpu.memory_space<vmem>>) semaphore(%arg23 : memref<!tpu.dma_semaphore, #tpu.memory_space<semaphore_mem>>) {add = true}
      %add3A_238 = arith.constant 2 : i32
      %add3A_239 = arith.addi %add3A_188, %add3A_238 : i32
      %lt3A = arith.constant 80 : i32
      %lt3A_240 = arith.cmpi slt, %add3A_239, %lt3A : i32
      %convert_element_type3A_241 = arith.extui %lt3A_240 : i1 to i32
      %cond3A_242 = arith.constant 0 : i32
      %cond3A_243 = arith.cmpi ne, %convert_element_type3A_241, %cond3A_242 : i32
      scf.if %cond3A_243 {
        %add3A_309 = arith.constant 2 : i32
        %add3A_310 = arith.addi %add3A_188, %add3A_309 : i32
        %mul3A_311 = arith.constant 128 : i32
        %mul3A_312 = arith.muli %add3A_310, %mul3A_311 : i32
        %add3A_313 = arith.addi %mul3A_17, %mul3A_312 : i32
        %dma_start3A_314 = tpu.memref_slice %arg3[%add3A_313] : memref<327680xi32, #tpu.memory_space<hbm>> -> memref<128xi32, #tpu.memory_space<hbm>>
        %dma_start3A_315 = tpu.memref_slice %arg3[%add3A_313] : memref<327680xi32, #tpu.memory_space<hbm>> -> memref<128xi32, #tpu.memory_space<hbm>>
        tpu.enqueue_dma source(%dma_start3A_315 : memref<128xi32, #tpu.memory_space<hbm>>) target(%arg9 : memref<128xi32, #tpu.memory_space<vmem>>) target_semaphore(%arg19 : memref<!tpu.dma_semaphore, #tpu.memory_space<semaphore_mem>>)
        %dma_start3A_316 = tpu.memref_slice %arg4[%add3A_313] : memref<327680xi32, #tpu.memory_space<hbm>> -> memref<128xi32, #tpu.memory_space<hbm>>
        %dma_start3A_317 = tpu.memref_slice %arg4[%add3A_313] : memref<327680xi32, #tpu.memory_space<hbm>> -> memref<128xi32, #tpu.memory_space<hbm>>
        tpu.enqueue_dma source(%dma_start3A_317 : memref<128xi32, #tpu.memory_space<hbm>>) target(%arg11 : memref<128xi32, #tpu.memory_space<vmem>>) target_semaphore(%arg19 : memref<!tpu.dma_semaphore, #tpu.memory_space<semaphore_mem>>)
      } else {
      }
      %mul3A_244 = arith.constant 2 : i32
      %mul3A_245 = arith.muli %mul3A_244, %add3A_184 : i32
      %add3A_246 = arith.constant 1 : i32
      %add3A_247 = arith.addi %mul3A_245, %add3A_246 : i32
      %dma_wait3A_248 = arith.constant 0 : i32
      %dma_wait3A_249 = tpu.memref_slice %arg3[%dma_wait3A_248] : memref<327680xi32, #tpu.memory_space<hbm>> -> memref<128xi32, #tpu.memory_space<hbm>>
      %dma_wait3A_250 = arith.constant 0 : i32
      %dma_wait3A_251 = tpu.memref_slice %arg3[%dma_wait3A_250] : memref<327680xi32, #tpu.memory_space<hbm>> -> memref<128xi32, #tpu.memory_space<hbm>>
      tpu.wait_dma2 semaphore(%arg20 : memref<!tpu.dma_semaphore, #tpu.memory_space<semaphore_mem>>) src(%dma_wait3A_251 : memref<128xi32, #tpu.memory_space<hbm>>) dst(%arg10 : memref<128xi32, #tpu.memory_space<vmem>>)
      %dma_wait3A_252 = arith.constant 0 : i32
      %dma_wait3A_253 = tpu.memref_slice %arg4[%dma_wait3A_252] : memref<327680xi32, #tpu.memory_space<hbm>> -> memref<128xi32, #tpu.memory_space<hbm>>
      %dma_wait3A_254 = arith.constant 0 : i32
      %dma_wait3A_255 = tpu.memref_slice %arg4[%dma_wait3A_254] : memref<327680xi32, #tpu.memory_space<hbm>> -> memref<128xi32, #tpu.memory_space<hbm>>
      tpu.wait_dma2 semaphore(%arg20 : memref<!tpu.dma_semaphore, #tpu.memory_space<semaphore_mem>>) src(%dma_wait3A_255 : memref<128xi32, #tpu.memory_space<hbm>>) dst(%arg12 : memref<128xi32, #tpu.memory_space<vmem>>)
      %gt3A_256 = arith.constant 0 : i32
      %gt3A_257 = arith.cmpi sgt, %add3A_184, %gt3A_256 : i32
      %convert_element_type3A_258 = arith.extui %gt3A_257 : i1 to i32
      %cond3A_259 = arith.constant 0 : i32
      %cond3A_260 = arith.cmpi ne, %convert_element_type3A_258, %cond3A_259 : i32
      scf.if %cond3A_260 {
        %dma_wait3A_309 = arith.constant 0 : i32
        %dma_wait3A_310 = arith.constant 0 : i32
        %dma_wait3A_311 = tpu.memref_slice %arg18[%dma_wait3A_309, %dma_wait3A_310] : memref<10240x128xf32, #tpu.memory_space<vmem_shared>> -> memref<10240x128xf32, #tpu.memory_space<vmem_shared>>
        tpu.wait_indirect_dma semaphore(%arg24 : memref<!tpu.dma_semaphore, #tpu.memory_space<semaphore_mem>>) src(%arg16 : memref<128x128xf32, #tpu.memory_space<vmem>>) dst(%dma_wait3A_311 : memref<10240x128xf32, #tpu.memory_space<vmem_shared>>)
      } else {
      }
      %dma_start3A_261 = arith.constant 0 : i32
      %dma_start3A_262 = arith.constant 0 : i32
      %dma_start3A_263 = tpu.memref_slice %arg2[%dma_start3A_261, %dma_start3A_262] : memref<10240x128xf32, #tpu.memory_space<hbm>> -> memref<10240x128xf32, #tpu.memory_space<hbm>>
      tpu.enqueue_indirect_dma source(%dma_start3A_263 : memref<10240x128xf32, #tpu.memory_space<hbm>>) target(%arg16 : memref<128x128xf32, #tpu.memory_space<vmem>>) offsets(%arg10 : memref<128xi32, #tpu.memory_space<vmem>>) semaphore(%arg22 : memref<!tpu.dma_semaphore, #tpu.memory_space<semaphore_mem>>)
      %get3A_264 = arith.constant 0 : index
      %get3A_265 = tpu.vector_load %arg12[%get3A_264] {strides = array<i32>} : memref<128xi32, #tpu.memory_space<vmem>>, vector<16xi32>,
      tpu.vector_store_idx %arg17[%get3A_265], %broadcast_in_dim3A_18 {add = true} : memref<10240xf32, #tpu.memory_space<vmem>>[vector<16xi32>], vector<16xf32>,
      %swap3A_266 = arith.constant 0 : index
      %swap3A_267 = tpu.vector_load %arg14[%swap3A_266] {strides = array<i32>} : memref<128xi32, #tpu.memory_space<vmem>>, vector<16xi32>,
      tpu.vector_store %arg14[%swap3A_266], %get3A_265 {strides = array<i32>} : memref<128xi32, #tpu.memory_space<vmem>>, vector<16xi32>,
      %get3A_268 = arith.constant 16 : index
      %get3A_269 = tpu.vector_load %arg12[%get3A_268] {strides = array<i32>} : memref<128xi32, #tpu.memory_space<vmem>>, vector<16xi32>,
      tpu.vector_store_idx %arg17[%get3A_269], %broadcast_in_dim3A_18 {add = true} : memref<10240xf32, #tpu.memory_space<vmem>>[vector<16xi32>], vector<16xf32>,
      %swap3A_270 = arith.constant 16 : index
      %swap3A_271 = tpu.vector_load %arg14[%swap3A_270] {strides = array<i32>} : memref<128xi32, #tpu.memory_space<vmem>>, vector<16xi32>,
      tpu.vector_store %arg14[%swap3A_270], %get3A_269 {strides = array<i32>} : memref<128xi32, #tpu.memory_space<vmem>>, vector<16xi32>,
      %get3A_272 = arith.constant 32 : index
      %get3A_273 = tpu.vector_load %arg12[%get3A_272] {strides = array<i32>} : memref<128xi32, #tpu.memory_space<vmem>>, vector<16xi32>,
      tpu.vector_store_idx %arg17[%get3A_273], %broadcast_in_dim3A_18 {add = true} : memref<10240xf32, #tpu.memory_space<vmem>>[vector<16xi32>], vector<16xf32>,
      %swap3A_274 = arith.constant 32 : index
      %swap3A_275 = tpu.vector_load %arg14[%swap3A_274] {strides = array<i32>} : memref<128xi32, #tpu.memory_space<vmem>>, vector<16xi32>,
      tpu.vector_store %arg14[%swap3A_274], %get3A_273 {strides = array<i32>} : memref<128xi32, #tpu.memory_space<vmem>>, vector<16xi32>,
      %get3A_276 = arith.constant 48 : index
      %get3A_277 = tpu.vector_load %arg12[%get3A_276] {strides = array<i32>} : memref<128xi32, #tpu.memory_space<vmem>>, vector<16xi32>,
      tpu.vector_store_idx %arg17[%get3A_277], %broadcast_in_dim3A_18 {add = true} : memref<10240xf32, #tpu.memory_space<vmem>>[vector<16xi32>], vector<16xf32>,
      %swap3A_278 = arith.constant 48 : index
      %swap3A_279 = tpu.vector_load %arg14[%swap3A_278] {strides = array<i32>} : memref<128xi32, #tpu.memory_space<vmem>>, vector<16xi32>,
      tpu.vector_store %arg14[%swap3A_278], %get3A_277 {strides = array<i32>} : memref<128xi32, #tpu.memory_space<vmem>>, vector<16xi32>,
      %get3A_280 = arith.constant 64 : index
      %get3A_281 = tpu.vector_load %arg12[%get3A_280] {strides = array<i32>} : memref<128xi32, #tpu.memory_space<vmem>>, vector<16xi32>,
      tpu.vector_store_idx %arg17[%get3A_281], %broadcast_in_dim3A_18 {add = true} : memref<10240xf32, #tpu.memory_space<vmem>>[vector<16xi32>], vector<16xf32>,
      %swap3A_282 = arith.constant 64 : index
      %swap3A_283 = tpu.vector_load %arg14[%swap3A_282] {strides = array<i32>} : memref<128xi32, #tpu.memory_space<vmem>>, vector<16xi32>,
      tpu.vector_store %arg14[%swap3A_282], %get3A_281 {strides = array<i32>} : memref<128xi32, #tpu.memory_space<vmem>>, vector<16xi32>,
      %get3A_284 = arith.constant 80 : index
      %get3A_285 = tpu.vector_load %arg12[%get3A_284] {strides = array<i32>} : memref<128xi32, #tpu.memory_space<vmem>>, vector<16xi32>,
      tpu.vector_store_idx %arg17[%get3A_285], %broadcast_in_dim3A_18 {add = true} : memref<10240xf32, #tpu.memory_space<vmem>>[vector<16xi32>], vector<16xf32>,
      %swap3A_286 = arith.constant 80 : index
      %swap3A_287 = tpu.vector_load %arg14[%swap3A_286] {strides = array<i32>} : memref<128xi32, #tpu.memory_space<vmem>>, vector<16xi32>,
      tpu.vector_store %arg14[%swap3A_286], %get3A_285 {strides = array<i32>} : memref<128xi32, #tpu.memory_space<vmem>>, vector<16xi32>,
      %get3A_288 = arith.constant 96 : index
      %get3A_289 = tpu.vector_load %arg12[%get3A_288] {strides = array<i32>} : memref<128xi32, #tpu.memory_space<vmem>>, vector<16xi32>,
      tpu.vector_store_idx %arg17[%get3A_289], %broadcast_in_dim3A_18 {add = true} : memref<10240xf32, #tpu.memory_space<vmem>>[vector<16xi32>], vector<16xf32>,
      %swap3A_290 = arith.constant 96 : index
      %swap3A_291 = tpu.vector_load %arg14[%swap3A_290] {strides = array<i32>} : memref<128xi32, #tpu.memory_space<vmem>>, vector<16xi32>,
      tpu.vector_store %arg14[%swap3A_290], %get3A_289 {strides = array<i32>} : memref<128xi32, #tpu.memory_space<vmem>>, vector<16xi32>,
      %get3A_292 = arith.constant 112 : index
      %get3A_293 = tpu.vector_load %arg12[%get3A_292] {strides = array<i32>} : memref<128xi32, #tpu.memory_space<vmem>>, vector<16xi32>,
      tpu.vector_store_idx %arg17[%get3A_293], %broadcast_in_dim3A_18 {add = true} : memref<10240xf32, #tpu.memory_space<vmem>>[vector<16xi32>], vector<16xf32>,
      %swap3A_294 = arith.constant 112 : index
      %swap3A_295 = tpu.vector_load %arg14[%swap3A_294] {strides = array<i32>} : memref<128xi32, #tpu.memory_space<vmem>>, vector<16xi32>,
      tpu.vector_store %arg14[%swap3A_294], %get3A_293 {strides = array<i32>} : memref<128xi32, #tpu.memory_space<vmem>>, vector<16xi32>,
      %dma_wait3A_296 = arith.constant 0 : i32
      %dma_wait3A_297 = arith.constant 0 : i32
      %dma_wait3A_298 = tpu.memref_slice %arg2[%dma_wait3A_296, %dma_wait3A_297] : memref<10240x128xf32, #tpu.memory_space<hbm>> -> memref<10240x128xf32, #tpu.memory_space<hbm>>
      tpu.wait_indirect_dma semaphore(%arg22 : memref<!tpu.dma_semaphore, #tpu.memory_space<semaphore_mem>>) src(%dma_wait3A_298 : memref<10240x128xf32, #tpu.memory_space<hbm>>) dst(%arg16 : memref<128x128xf32, #tpu.memory_space<vmem>>)
      %dma_start3A_299 = arith.constant 0 : i32
      %dma_start3A_300 = arith.constant 0 : i32
      %dma_start3A_301 = tpu.memref_slice %arg18[%dma_start3A_299, %dma_start3A_300] : memref<10240x128xf32, #tpu.memory_space<vmem_shared>> -> memref<10240x128xf32, #tpu.memory_space<vmem_shared>>
      tpu.enqueue_indirect_dma source(%arg16 : memref<128x128xf32, #tpu.memory_space<vmem>>) target(%dma_start3A_301 : memref<10240x128xf32, #tpu.memory_space<vmem_shared>>) offsets(%arg14 : memref<128xi32, #tpu.memory_space<vmem>>) semaphore(%arg24 : memref<!tpu.dma_semaphore, #tpu.memory_space<semaphore_mem>>) {add = true}
      %add3A_302 = arith.constant 2 : i32
      %add3A_303 = arith.addi %add3A_247, %add3A_302 : i32
      %lt3A_304 = arith.constant 80 : i32
      %lt3A_305 = arith.cmpi slt, %add3A_303, %lt3A_304 : i32
      %convert_element_type3A_306 = arith.extui %lt3A_305 : i1 to i32
      %cond3A_307 = arith.constant 0 : i32
      %cond3A_308 = arith.cmpi ne, %convert_element_type3A_306, %cond3A_307 : i32
      scf.if %cond3A_308 {
        %add3A_309 = arith.constant 2 : i32
        %add3A_310 = arith.addi %add3A_247, %add3A_309 : i32
        %mul3A_311 = arith.constant 128 : i32
        %mul3A_312 = arith.muli %add3A_310, %mul3A_311 : i32
        %add3A_313 = arith.addi %mul3A_17, %mul3A_312 : i32
        %dma_start3A_314 = tpu.memref_slice %arg3[%add3A_313] : memref<327680xi32, #tpu.memory_space<hbm>> -> memref<128xi32, #tpu.memory_space<hbm>>
        %dma_start3A_315 = tpu.memref_slice %arg3[%add3A_313] : memref<327680xi32, #tpu.memory_space<hbm>> -> memref<128xi32, #tpu.memory_space<hbm>>
        tpu.enqueue_dma source(%dma_start3A_315 : memref<128xi32, #tpu.memory_space<hbm>>) target(%arg10 : memref<128xi32, #tpu.memory_space<vmem>>) target_semaphore(%arg20 : memref<!tpu.dma_semaphore, #tpu.memory_space<semaphore_mem>>)
        %dma_start3A_316 = tpu.memref_slice %arg4[%add3A_313] : memref<327680xi32, #tpu.memory_space<hbm>> -> memref<128xi32, #tpu.memory_space<hbm>>
        %dma_start3A_317 = tpu.memref_slice %arg4[%add3A_313] : memref<327680xi32, #tpu.memory_space<hbm>> -> memref<128xi32, #tpu.memory_space<hbm>>
        tpu.enqueue_dma source(%dma_start3A_317 : memref<128xi32, #tpu.memory_space<hbm>>) target(%arg12 : memref<128xi32, #tpu.memory_space<vmem>>) target_semaphore(%arg20 : memref<!tpu.dma_semaphore, #tpu.memory_space<semaphore_mem>>)
      } else {
      }
    }
    %scan3A_33 = arith.constant 40 : i32
    %dma_wait3A = arith.constant 0 : i32
    %dma_wait3A_34 = arith.constant 0 : i32
    %dma_wait3A_35 = tpu.memref_slice %arg18[%dma_wait3A, %dma_wait3A_34] : memref<10240x128xf32, #tpu.memory_space<vmem_shared>> -> memref<10240x128xf32, #tpu.memory_space<vmem_shared>>
    tpu.wait_indirect_dma semaphore(%arg23 : memref<!tpu.dma_semaphore, #tpu.memory_space<semaphore_mem>>) src(%arg15 : memref<128x128xf32, #tpu.memory_space<vmem>>) dst(%dma_wait3A_35 : memref<10240x128xf32, #tpu.memory_space<vmem_shared>>)
    %dma_wait3A_36 = arith.constant 0 : i32
    %dma_wait3A_37 = arith.constant 0 : i32
    %dma_wait3A_38 = tpu.memref_slice %arg18[%dma_wait3A_36, %dma_wait3A_37] : memref<10240x128xf32, #tpu.memory_space<vmem_shared>> -> memref<10240x128xf32, #tpu.memory_space<vmem_shared>>
    tpu.wait_indirect_dma semaphore(%arg24 : memref<!tpu.dma_semaphore, #tpu.memory_space<semaphore_mem>>) src(%arg16 : memref<128x128xf32, #tpu.memory_space<vmem>>) dst(%dma_wait3A_38 : memref<10240x128xf32, #tpu.memory_space<vmem_shared>>)
    %barrier3A_39 = arith.constant 0 : index
    tpu.barrier barrier_id(%barrier3A_39)
    %add3A_40 = arith.constant 0 : i32
    %add3A_41 = arith.addi %mul3A_2, %add3A_40 : i32
    %dma_start3A_42 = arith.constant 0 : i32
    %dma_start3A_43 = tpu.memref_slice %arg18[%add3A_41, %dma_start3A_42] : memref<10240x128xf32, #tpu.memory_space<vmem_shared>> -> memref<128x128xf32, #tpu.memory_space<vmem_shared>>
    %dma_start3A_44 = arith.constant 0 : i32
    %dma_start3A_45 = tpu.memref_slice %arg18[%add3A_41, %dma_start3A_44] : memref<10240x128xf32, #tpu.memory_space<vmem_shared>> -> memref<128x128xf32, #tpu.memory_space<vmem_shared>>
    tpu.enqueue_dma source(%dma_start3A_45 : memref<128x128xf32, #tpu.memory_space<vmem_shared>>) target(%arg15 : memref<128x128xf32, #tpu.memory_space<vmem>>) target_semaphore(%arg21 : memref<!tpu.dma_semaphore, #tpu.memory_space<semaphore_mem>>)
    %add3A_46 = arith.constant 0 : i32
    %add3A_47 = arith.addi %mul3A_2, %add3A_46 : i32
    %dma_wait3A_48 = arith.constant 0 : i32
    %dma_wait3A_49 = tpu.memref_slice %arg18[%add3A_47, %dma_wait3A_48] : memref<10240x128xf32, #tpu.memory_space<vmem_shared>> -> memref<128x128xf32, #tpu.memory_space<vmem_shared>>
    %dma_wait3A_50 = arith.constant 0 : i32
    %dma_wait3A_51 = tpu.memref_slice %arg18[%add3A_47, %dma_wait3A_50] : memref<10240x128xf32, #tpu.memory_space<vmem_shared>> -> memref<128x128xf32, #tpu.memory_space<vmem_shared>>
    tpu.wait_dma2 semaphore(%arg21 : memref<!tpu.dma_semaphore, #tpu.memory_space<semaphore_mem>>) src(%dma_wait3A_51 : memref<128x128xf32, #tpu.memory_space<vmem_shared>>) dst(%arg15 : memref<128x128xf32, #tpu.memory_space<vmem>>)
    %add3A_52 = arith.constant 128 : i32
    %add3A_53 = arith.addi %mul3A_2, %add3A_52 : i32
    %dma_start3A_54 = arith.constant 0 : i32
    %dma_start3A_55 = tpu.memref_slice %arg18[%add3A_53, %dma_start3A_54] : memref<10240x128xf32, #tpu.memory_space<vmem_shared>> -> memref<128x128xf32, #tpu.memory_space<vmem_shared>>
    %dma_start3A_56 = arith.constant 0 : i32
    %dma_start3A_57 = tpu.memref_slice %arg18[%add3A_53, %dma_start3A_56] : memref<10240x128xf32, #tpu.memory_space<vmem_shared>> -> memref<128x128xf32, #tpu.memory_space<vmem_shared>>
    tpu.enqueue_dma source(%dma_start3A_57 : memref<128x128xf32, #tpu.memory_space<vmem_shared>>) target(%arg16 : memref<128x128xf32, #tpu.memory_space<vmem>>) target_semaphore(%arg22 : memref<!tpu.dma_semaphore, #tpu.memory_space<semaphore_mem>>)
    %add3A_58 = arith.constant 0 : i32
    %add3A_59 = arith.addi %mul3A_2, %add3A_58 : i32
    %dma_start3A_60 = arith.constant 0 : i32
    %dma_start3A_61 = tpu.memref_slice %arg7[%arg0, %add3A_59, %dma_start3A_60] : memref<2x10240x128xf32, #tpu.memory_space<hbm>> -> memref<1x128x128xf32, #tpu.memory_space<hbm>>
    %dma_start3A_62 = tpu.memref_squeeze %dma_start3A_61 : memref<1x128x128xf32, #tpu.memory_space<hbm>> -> memref<128x128xf32, #tpu.memory_space<hbm>>
    %dma_start3A_63 = arith.constant 0 : i32
    %dma_start3A_64 = tpu.memref_slice %arg7[%arg0, %add3A_59, %dma_start3A_63] : memref<2x10240x128xf32, #tpu.memory_space<hbm>> -> memref<1x128x128xf32, #tpu.memory_space<hbm>>
    %dma_start3A_65 = tpu.memref_squeeze %dma_start3A_64 : memref<1x128x128xf32, #tpu.memory_space<hbm>> -> memref<128x128xf32, #tpu.memory_space<hbm>>
    tpu.enqueue_dma source(%arg15 : memref<128x128xf32, #tpu.memory_space<vmem>>) target(%dma_start3A_65 : memref<128x128xf32, #tpu.memory_space<hbm>>) target_semaphore(%arg23 : memref<!tpu.dma_semaphore, #tpu.memory_space<semaphore_mem>>)
    %add3A_66 = arith.constant 128 : i32
    %add3A_67 = arith.addi %mul3A_2, %add3A_66 : i32
    %dma_wait3A_68 = arith.constant 0 : i32
    %dma_wait3A_69 = tpu.memref_slice %arg18[%add3A_67, %dma_wait3A_68] : memref<10240x128xf32, #tpu.memory_space<vmem_shared>> -> memref<128x128xf32, #tpu.memory_space<vmem_shared>>
    %dma_wait3A_70 = arith.constant 0 : i32
    %dma_wait3A_71 = tpu.memref_slice %arg18[%add3A_67, %dma_wait3A_70] : memref<10240x128xf32, #tpu.memory_space<vmem_shared>> -> memref<128x128xf32, #tpu.memory_space<vmem_shared>>
    tpu.wait_dma2 semaphore(%arg22 : memref<!tpu.dma_semaphore, #tpu.memory_space<semaphore_mem>>) src(%dma_wait3A_71 : memref<128x128xf32, #tpu.memory_space<vmem_shared>>) dst(%arg16 : memref<128x128xf32, #tpu.memory_space<vmem>>)
    %add3A_72 = arith.constant 0 : i32
    %add3A_73 = arith.addi %mul3A_2, %add3A_72 : i32
    %dma_wait3A_74 = arith.constant 0 : i32
    %dma_wait3A_75 = tpu.memref_slice %arg7[%arg0, %add3A_73, %dma_wait3A_74] : memref<2x10240x128xf32, #tpu.memory_space<hbm>> -> memref<1x128x128xf32, #tpu.memory_space<hbm>>
    %dma_wait3A_76 = tpu.memref_squeeze %dma_wait3A_75 : memref<1x128x128xf32, #tpu.memory_space<hbm>> -> memref<128x128xf32, #tpu.memory_space<hbm>>
    %dma_wait3A_77 = arith.constant 0 : i32
    %dma_wait3A_78 = tpu.memref_slice %arg7[%arg0, %add3A_73, %dma_wait3A_77] : memref<2x10240x128xf32, #tpu.memory_space<hbm>> -> memref<1x128x128xf32, #tpu.memory_space<hbm>>
    %dma_wait3A_79 = tpu.memref_squeeze %dma_wait3A_78 : memref<1x128x128xf32, #tpu.memory_space<hbm>> -> memref<128x128xf32, #tpu.memory_space<hbm>>
    tpu.wait_dma2 semaphore(%arg23 : memref<!tpu.dma_semaphore, #tpu.memory_space<semaphore_mem>>) src(%arg15 : memref<128x128xf32, #tpu.memory_space<vmem>>) dst(%dma_wait3A_79 : memref<128x128xf32, #tpu.memory_space<hbm>>)
    %add3A_80 = arith.constant 256 : i32
    %add3A_81 = arith.addi %mul3A_2, %add3A_80 : i32
    %dma_start3A_82 = arith.constant 0 : i32
    %dma_start3A_83 = tpu.memref_slice %arg18[%add3A_81, %dma_start3A_82] : memref<10240x128xf32, #tpu.memory_space<vmem_shared>> -> memref<128x128xf32, #tpu.memory_space<vmem_shared>>
    %dma_start3A_84 = arith.constant 0 : i32
    %dma_start3A_85 = tpu.memref_slice %arg18[%add3A_81, %dma_start3A_84] : memref<10240x128xf32, #tpu.memory_space<vmem_shared>> -> memref<128x128xf32, #tpu.memory_space<vmem_shared>>
    tpu.enqueue_dma source(%dma_start3A_85 : memref<128x128xf32, #tpu.memory_space<vmem_shared>>) target(%arg15 : memref<128x128xf32, #tpu.memory_space<vmem>>) target_semaphore(%arg21 : memref<!tpu.dma_semaphore, #tpu.memory_space<semaphore_mem>>)
    %add3A_86 = arith.constant 128 : i32
    %add3A_87 = arith.addi %mul3A_2, %add3A_86 : i32
    %dma_start3A_88 = arith.constant 0 : i32
    %dma_start3A_89 = tpu.memref_slice %arg7[%arg0, %add3A_87, %dma_start3A_88] : memref<2x10240x128xf32, #tpu.memory_space<hbm>> -> memref<1x128x128xf32, #tpu.memory_space<hbm>>
    %dma_start3A_90 = tpu.memref_squeeze %dma_start3A_89 : memref<1x128x128xf32, #tpu.memory_space<hbm>> -> memref<128x128xf32, #tpu.memory_space<hbm>>
    %dma_start3A_91 = arith.constant 0 : i32
    %dma_start3A_92 = tpu.memref_slice %arg7[%arg0, %add3A_87, %dma_start3A_91] : memref<2x10240x128xf32, #tpu.memory_space<hbm>> -> memref<1x128x128xf32, #tpu.memory_space<hbm>>
    %dma_start3A_93 = tpu.memref_squeeze %dma_start3A_92 : memref<1x128x128xf32, #tpu.memory_space<hbm>> -> memref<128x128xf32, #tpu.memory_space<hbm>>
    tpu.enqueue_dma source(%arg16 : memref<128x128xf32, #tpu.memory_space<vmem>>) target(%dma_start3A_93 : memref<128x128xf32, #tpu.memory_space<hbm>>) target_semaphore(%arg24 : memref<!tpu.dma_semaphore, #tpu.memory_space<semaphore_mem>>)
    %add3A_94 = arith.constant 256 : i32
    %add3A_95 = arith.addi %mul3A_2, %add3A_94 : i32
    %dma_wait3A_96 = arith.constant 0 : i32
    %dma_wait3A_97 = tpu.memref_slice %arg18[%add3A_95, %dma_wait3A_96] : memref<10240x128xf32, #tpu.memory_space<vmem_shared>> -> memref<128x128xf32, #tpu.memory_space<vmem_shared>>
    %dma_wait3A_98 = arith.constant 0 : i32
    %dma_wait3A_99 = tpu.memref_slice %arg18[%add3A_95, %dma_wait3A_98] : memref<10240x128xf32, #tpu.memory_space<vmem_shared>> -> memref<128x128xf32, #tpu.memory_space<vmem_shared>>
    tpu.wait_dma2 semaphore(%arg21 : memref<!tpu.dma_semaphore, #tpu.memory_space<semaphore_mem>>) src(%dma_wait3A_99 : memref<128x128xf32, #tpu.memory_space<vmem_shared>>) dst(%arg15 : memref<128x128xf32, #tpu.memory_space<vmem>>)
    %add3A_100 = arith.constant 128 : i32
    %add3A_101 = arith.addi %mul3A_2, %add3A_100 : i32
    %dma_wait3A_102 = arith.constant 0 : i32
    %dma_wait3A_103 = tpu.memref_slice %arg7[%arg0, %add3A_101, %dma_wait3A_102] : memref<2x10240x128xf32, #tpu.memory_space<hbm>> -> memref<1x128x128xf32, #tpu.memory_space<hbm>>
    %dma_wait3A_104 = tpu.memref_squeeze %dma_wait3A_103 : memref<1x128x128xf32, #tpu.memory_space<hbm>> -> memref<128x128xf32, #tpu.memory_space<hbm>>
    %dma_wait3A_105 = arith.constant 0 : i32
    %dma_wait3A_106 = tpu.memref_slice %arg7[%arg0, %add3A_101, %dma_wait3A_105] : memref<2x10240x128xf32, #tpu.memory_space<hbm>> -> memref<1x128x128xf32, #tpu.memory_space<hbm>>
    %dma_wait3A_107 = tpu.memref_squeeze %dma_wait3A_106 : memref<1x128x128xf32, #tpu.memory_space<hbm>> -> memref<128x128xf32, #tpu.memory_space<hbm>>
    tpu.wait_dma2 semaphore(%arg24 : memref<!tpu.dma_semaphore, #tpu.memory_space<semaphore_mem>>) src(%arg16 : memref<128x128xf32, #tpu.memory_space<vmem>>) dst(%dma_wait3A_107 : memref<128x128xf32, #tpu.memory_space<hbm>>)
    %add3A_108 = arith.constant 384 : i32
    %add3A_109 = arith.addi %mul3A_2, %add3A_108 : i32
    %dma_start3A_110 = arith.constant 0 : i32
    %dma_start3A_111 = tpu.memref_slice %arg18[%add3A_109, %dma_start3A_110] : memref<10240x128xf32, #tpu.memory_space<vmem_shared>> -> memref<128x128xf32, #tpu.memory_space<vmem_shared>>
    %dma_start3A_112 = arith.constant 0 : i32
    %dma_start3A_113 = tpu.memref_slice %arg18[%add3A_109, %dma_start3A_112] : memref<10240x128xf32, #tpu.memory_space<vmem_shared>> -> memref<128x128xf32, #tpu.memory_space<vmem_shared>>
    tpu.enqueue_dma source(%dma_start3A_113 : memref<128x128xf32, #tpu.memory_space<vmem_shared>>) target(%arg16 : memref<128x128xf32, #tpu.memory_space<vmem>>) target_semaphore(%arg22 : memref<!tpu.dma_semaphore, #tpu.memory_space<semaphore_mem>>)
    %add3A_114 = arith.constant 256 : i32
    %add3A_115 = arith.addi %mul3A_2, %add3A_114 : i32
    %dma_start3A_116 = arith.constant 0 : i32
    %dma_start3A_117 = tpu.memref_slice %arg7[%arg0, %add3A_115, %dma_start3A_116] : memref<2x10240x128xf32, #tpu.memory_space<hbm>> -> memref<1x128x128xf32, #tpu.memory_space<hbm>>
    %dma_start3A_118 = tpu.memref_squeeze %dma_start3A_117 : memref<1x128x128xf32, #tpu.memory_space<hbm>> -> memref<128x128xf32, #tpu.memory_space<hbm>>
    %dma_start3A_119 = arith.constant 0 : i32
    %dma_start3A_120 = tpu.memref_slice %arg7[%arg0, %add3A_115, %dma_start3A_119] : memref<2x10240x128xf32, #tpu.memory_space<hbm>> -> memref<1x128x128xf32, #tpu.memory_space<hbm>>
    %dma_start3A_121 = tpu.memref_squeeze %dma_start3A_120 : memref<1x128x128xf32, #tpu.memory_space<hbm>> -> memref<128x128xf32, #tpu.memory_space<hbm>>
    tpu.enqueue_dma source(%arg15 : memref<128x128xf32, #tpu.memory_space<vmem>>) target(%dma_start3A_121 : memref<128x128xf32, #tpu.memory_space<hbm>>) target_semaphore(%arg23 : memref<!tpu.dma_semaphore, #tpu.memory_space<semaphore_mem>>)
    %add3A_122 = arith.constant 384 : i32
    %add3A_123 = arith.addi %mul3A_2, %add3A_122 : i32
    %dma_wait3A_124 = arith.constant 0 : i32
    %dma_wait3A_125 = tpu.memref_slice %arg18[%add3A_123, %dma_wait3A_124] : memref<10240x128xf32, #tpu.memory_space<vmem_shared>> -> memref<128x128xf32, #tpu.memory_space<vmem_shared>>
    %dma_wait3A_126 = arith.constant 0 : i32
    %dma_wait3A_127 = tpu.memref_slice %arg18[%add3A_123, %dma_wait3A_126] : memref<10240x128xf32, #tpu.memory_space<vmem_shared>> -> memref<128x128xf32, #tpu.memory_space<vmem_shared>>
    tpu.wait_dma2 semaphore(%arg22 : memref<!tpu.dma_semaphore, #tpu.memory_space<semaphore_mem>>) src(%dma_wait3A_127 : memref<128x128xf32, #tpu.memory_space<vmem_shared>>) dst(%arg16 : memref<128x128xf32, #tpu.memory_space<vmem>>)
    %add3A_128 = arith.constant 256 : i32
    %add3A_129 = arith.addi %mul3A_2, %add3A_128 : i32
    %dma_wait3A_130 = arith.constant 0 : i32
    %dma_wait3A_131 = tpu.memref_slice %arg7[%arg0, %add3A_129, %dma_wait3A_130] : memref<2x10240x128xf32, #tpu.memory_space<hbm>> -> memref<1x128x128xf32, #tpu.memory_space<hbm>>
    %dma_wait3A_132 = tpu.memref_squeeze %dma_wait3A_131 : memref<1x128x128xf32, #tpu.memory_space<hbm>> -> memref<128x128xf32, #tpu.memory_space<hbm>>
    %dma_wait3A_133 = arith.constant 0 : i32
    %dma_wait3A_134 = tpu.memref_slice %arg7[%arg0, %add3A_129, %dma_wait3A_133] : memref<2x10240x128xf32, #tpu.memory_space<hbm>> -> memref<1x128x128xf32, #tpu.memory_space<hbm>>
    %dma_wait3A_135 = tpu.memref_squeeze %dma_wait3A_134 : memref<1x128x128xf32, #tpu.memory_space<hbm>> -> memref<128x128xf32, #tpu.memory_space<hbm>>
    tpu.wait_dma2 semaphore(%arg23 : memref<!tpu.dma_semaphore, #tpu.memory_space<semaphore_mem>>) src(%arg15 : memref<128x128xf32, #tpu.memory_space<vmem>>) dst(%dma_wait3A_135 : memref<128x128xf32, #tpu.memory_space<hbm>>)
    %add3A_136 = arith.constant 512 : i32
    %add3A_137 = arith.addi %mul3A_2, %add3A_136 : i32
    %dma_start3A_138 = arith.constant 0 : i32
    %dma_start3A_139 = tpu.memref_slice %arg18[%add3A_137, %dma_start3A_138] : memref<10240x128xf32, #tpu.memory_space<vmem_shared>> -> memref<128x128xf32, #tpu.memory_space<vmem_shared>>
    %dma_start3A_140 = arith.constant 0 : i32
    %dma_start3A_141 = tpu.memref_slice %arg18[%add3A_137, %dma_start3A_140] : memref<10240x128xf32, #tpu.memory_space<vmem_shared>> -> memref<128x128xf32, #tpu.memory_space<vmem_shared>>
    tpu.enqueue_dma source(%dma_start3A_141 : memref<128x128xf32, #tpu.memory_space<vmem_shared>>) target(%arg15 : memref<128x128xf32, #tpu.memory_space<vmem>>) target_semaphore(%arg21 : memref<!tpu.dma_semaphore, #tpu.memory_space<semaphore_mem>>)
    %add3A_142 = arith.constant 384 : i32
    %add3A_143 = arith.addi %mul3A_2, %add3A_142 : i32
    %dma_start3A_144 = arith.constant 0 : i32
    %dma_start3A_145 = tpu.memref_slice %arg7[%arg0, %add3A_143, %dma_start3A_144] : memref<2x10240x128xf32, #tpu.memory_space<hbm>> -> memref<1x128x128xf32, #tpu.memory_space<hbm>>
    %dma_start3A_146 = tpu.memref_squeeze %dma_start3A_145 : memref<1x128x128xf32, #tpu.memory_space<hbm>> -> memref<128x128xf32, #tpu.memory_space<hbm>>
    %dma_start3A_147 = arith.constant 0 : i32
    %dma_start3A_148 = tpu.memref_slice %arg7[%arg0, %add3A_143, %dma_start3A_147] : memref<2x10240x128xf32, #tpu.memory_space<hbm>> -> memref<1x128x128xf32, #tpu.memory_space<hbm>>
    %dma_start3A_149 = tpu.memref_squeeze %dma_start3A_148 : memref<1x128x128xf32, #tpu.memory_space<hbm>> -> memref<128x128xf32, #tpu.memory_space<hbm>>
    tpu.enqueue_dma source(%arg16 : memref<128x128xf32, #tpu.memory_space<vmem>>) target(%dma_start3A_149 : memref<128x128xf32, #tpu.memory_space<hbm>>) target_semaphore(%arg24 : memref<!tpu.dma_semaphore, #tpu.memory_space<semaphore_mem>>)
    %add3A_150 = arith.constant 512 : i32
    %add3A_151 = arith.addi %mul3A_2, %add3A_150 : i32
    %dma_wait3A_152 = arith.constant 0 : i32
    %dma_wait3A_153 = tpu.memref_slice %arg18[%add3A_151, %dma_wait3A_152] : memref<10240x128xf32, #tpu.memory_space<vmem_shared>> -> memref<128x128xf32, #tpu.memory_space<vmem_shared>>
    %dma_wait3A_154 = arith.constant 0 : i32
    %dma_wait3A_155 = tpu.memref_slice %arg18[%add3A_151, %dma_wait3A_154] : memref<10240x128xf32, #tpu.memory_space<vmem_shared>> -> memref<128x128xf32, #tpu.memory_space<vmem_shared>>
    tpu.wait_dma2 semaphore(%arg21 : memref<!tpu.dma_semaphore, #tpu.memory_space<semaphore_mem>>) src(%dma_wait3A_155 : memref<128x128xf32, #tpu.memory_space<vmem_shared>>) dst(%arg15 : memref<128x128xf32, #tpu.memory_space<vmem>>)
    %add3A_156 = arith.constant 384 : i32
    %add3A_157 = arith.addi %mul3A_2, %add3A_156 : i32
    %dma_wait3A_158 = arith.constant 0 : i32
    %dma_wait3A_159 = tpu.memref_slice %arg7[%arg0, %add3A_157, %dma_wait3A_158] : memref<2x10240x128xf32, #tpu.memory_space<hbm>> -> memref<1x128x128xf32, #tpu.memory_space<hbm>>
    %dma_wait3A_160 = tpu.memref_squeeze %dma_wait3A_159 : memref<1x128x128xf32, #tpu.memory_space<hbm>> -> memref<128x128xf32, #tpu.memory_space<hbm>>
    %dma_wait3A_161 = arith.constant 0 : i32
    %dma_wait3A_162 = tpu.memref_slice %arg7[%arg0, %add3A_157, %dma_wait3A_161] : memref<2x10240x128xf32, #tpu.memory_space<hbm>> -> memref<1x128x128xf32, #tpu.memory_space<hbm>>
    %dma_wait3A_163 = tpu.memref_squeeze %dma_wait3A_162 : memref<1x128x128xf32, #tpu.memory_space<hbm>> -> memref<128x128xf32, #tpu.memory_space<hbm>>
    tpu.wait_dma2 semaphore(%arg24 : memref<!tpu.dma_semaphore, #tpu.memory_space<semaphore_mem>>) src(%arg16 : memref<128x128xf32, #tpu.memory_space<vmem>>) dst(%dma_wait3A_163 : memref<128x128xf32, #tpu.memory_space<hbm>>)
    %add3A_164 = arith.constant 512 : i32
    %add3A_165 = arith.addi %mul3A_2, %add3A_164 : i32
    %dma_start3A_166 = arith.constant 0 : i32
    %dma_start3A_167 = tpu.memref_slice %arg7[%arg0, %add3A_165, %dma_start3A_166] : memref<2x10240x128xf32, #tpu.memory_space<hbm>> -> memref<1x128x128xf32, #tpu.memory_space<hbm>>
    %dma_start3A_168 = tpu.memref_squeeze %dma_start3A_167 : memref<1x128x128xf32, #tpu.memory_space<hbm>> -> memref<128x128xf32, #tpu.memory_space<hbm>>
    %dma_start3A_169 = arith.constant 0 : i32
    %dma_start3A_170 = tpu.memref_slice %arg7[%arg0, %add3A_165, %dma_start3A_169] : memref<2x10240x128xf32, #tpu.memory_space<hbm>> -> memref<1x128x128xf32, #tpu.memory_space<hbm>>
    %dma_start3A_171 = tpu.memref_squeeze %dma_start3A_170 : memref<1x128x128xf32, #tpu.memory_space<hbm>> -> memref<128x128xf32, #tpu.memory_space<hbm>>
    tpu.enqueue_dma source(%arg15 : memref<128x128xf32, #tpu.memory_space<vmem>>) target(%dma_start3A_171 : memref<128x128xf32, #tpu.memory_space<hbm>>) target_semaphore(%arg23 : memref<!tpu.dma_semaphore, #tpu.memory_space<semaphore_mem>>)
    %add3A_172 = arith.constant 512 : i32
    %add3A_173 = arith.addi %mul3A_2, %add3A_172 : i32
    %dma_wait3A_174 = arith.constant 0 : i32
    %dma_wait3A_175 = tpu.memref_slice %arg7[%arg0, %add3A_173, %dma_wait3A_174] : memref<2x10240x128xf32, #tpu.memory_space<hbm>> -> memref<1x128x128xf32, #tpu.memory_space<hbm>>
    %dma_wait3A_176 = tpu.memref_squeeze %dma_wait3A_175 : memref<1x128x128xf32, #tpu.memory_space<hbm>> -> memref<128x128xf32, #tpu.memory_space<hbm>>
    %dma_wait3A_177 = arith.constant 0 : i32
    %dma_wait3A_178 = tpu.memref_slice %arg7[%arg0, %add3A_173, %dma_wait3A_177] : memref<2x10240x128xf32, #tpu.memory_space<hbm>> -> memref<1x128x128xf32, #tpu.memory_space<hbm>>
    %dma_wait3A_179 = tpu.memref_squeeze %dma_wait3A_178 : memref<1x128x128xf32, #tpu.memory_space<hbm>> -> memref<128x128xf32, #tpu.memory_space<hbm>>
    tpu.wait_dma2 semaphore(%arg23 : memref<!tpu.dma_semaphore, #tpu.memory_space<semaphore_mem>>) src(%arg15 : memref<128x128xf32, #tpu.memory_space<vmem>>) dst(%dma_wait3A_179 : memref<128x128xf32, #tpu.memory_space<hbm>>)
    "tpu.region"() ({
      %run_scoped3A = tpu.sem_alloc : memref<!tpu.dma_semaphore, #tpu.memory_space<semaphore_mem>>
      %dma_start3A_180 = arith.constant 0 : i32
      %dma_start3A_181 = tpu.memref_slice %arg8[%add3A, %dma_start3A_180] : memref<32x10240xf32, #tpu.memory_space<hbm>> -> memref<1x10240xf32, #tpu.memory_space<hbm>>
      %dma_start3A_182 = tpu.memref_squeeze %dma_start3A_181 : memref<1x10240xf32, #tpu.memory_space<hbm>> -> memref<10240xf32, #tpu.memory_space<hbm>>
      %dma_start3A_183 = arith.constant 0 : i32
      %dma_start3A_184 = tpu.memref_slice %arg8[%add3A, %dma_start3A_183] : memref<32x10240xf32, #tpu.memory_space<hbm>> -> memref<1x10240xf32, #tpu.memory_space<hbm>>
      %dma_start3A_185 = tpu.memref_squeeze %dma_start3A_184 : memref<1x10240xf32, #tpu.memory_space<hbm>> -> memref<10240xf32, #tpu.memory_space<hbm>>
      tpu.enqueue_dma source(%arg17 : memref<10240xf32, #tpu.memory_space<vmem>>) target(%dma_start3A_185 : memref<10240xf32, #tpu.memory_space<hbm>>) target_semaphore(%run_scoped3A : memref<!tpu.dma_semaphore, #tpu.memory_space<semaphore_mem>>)
      %dma_wait3A_186 = arith.constant 0 : i32
      %dma_wait3A_187 = tpu.memref_slice %arg8[%add3A, %dma_wait3A_186] : memref<32x10240xf32, #tpu.memory_space<hbm>> -> memref<1x10240xf32, #tpu.memory_space<hbm>>
      %dma_wait3A_188 = tpu.memref_squeeze %dma_wait3A_187 : memref<1x10240xf32, #tpu.memory_space<hbm>> -> memref<10240xf32, #tpu.memory_space<hbm>>
      %dma_wait3A_189 = arith.constant 0 : i32
      %dma_wait3A_190 = tpu.memref_slice %arg8[%add3A, %dma_wait3A_189] : memref<32x10240xf32, #tpu.memory_space<hbm>> -> memref<1x10240xf32, #tpu.memory_space<hbm>>
      %dma_wait3A_191 = tpu.memref_squeeze %dma_wait3A_190 : memref<1x10240xf32, #tpu.memory_space<hbm>> -> memref<10240xf32, #tpu.memory_space<hbm>>
      tpu.wait_dma2 semaphore(%run_scoped3A : memref<!tpu.dma_semaphore, #tpu.memory_space<semaphore_mem>>) src(%arg17 : memref<10240xf32, #tpu.memory_space<vmem>>) dst(%dma_wait3A_191 : memref<10240xf32, #tpu.memory_space<hbm>>)
      tpu.yield
    }) : () -> ()
    return
  }
}

#map = affine_map<(d0, d1) -> (0, 0)>
#map1 = affine_map<(d0, d1) -> (0)>
#map2 = affine_map<(d0, d1) -> (0, 0, 0)>
module attributes {stable_mosaic.version = 14 : i64} {
  func.func @body(%arg0: i32, %arg1: i32, %arg2: memref<10240x128xf32, #tpu.memory_space<hbm>>, %arg3: memref<2x327680xi32, #tpu.memory_space<hbm>>, %arg4: memref<2x327680xi32, #tpu.memory_space<hbm>>, %arg5: memref<128x128xf32, #tpu.memory_space<hbm>>, %arg6: memref<10240xf32, #tpu.memory_space<hbm>>, %arg7: memref<2x10240x128xf32, #tpu.memory_space<hbm>>, %arg8: memref<32x10240xf32, #tpu.memory_space<hbm>>, %arg9: memref<128xi32, #tpu.memory_space<vmem>>, %arg10: memref<128xi32, #tpu.memory_space<vmem>>, %arg11: memref<128xi32, #tpu.memory_space<vmem>>, %arg12: memref<128xi32, #tpu.memory_space<vmem>>, %arg13: memref<128xi32, #tpu.memory_space<vmem>>, %arg14: memref<128xi32, #tpu.memory_space<vmem>>, %arg15: memref<128x128xf32, #tpu.memory_space<vmem>>, %arg16: memref<128x128xf32, #tpu.memory_space<vmem>>, %arg17: memref<10240xf32, #tpu.memory_space<vmem>>, %arg18: memref<10240x128xf32, #tpu.memory_space<vmem_shared>>, %arg19: memref<!tpu.dma_semaphore, #tpu.memory_space<semaphore_mem>>, %arg20: memref<!tpu.dma_semaphore, #tpu.memory_space<semaphore_mem>>, %arg21: memref<!tpu.dma_semaphore, #tpu.memory_space<semaphore_mem>>, %arg22: memref<!tpu.dma_semaphore, #tpu.memory_space<semaphore_mem>>, %arg23: memref<!tpu.dma_semaphore, #tpu.memory_space<semaphore_mem>>, %arg24: memref<!tpu.dma_semaphore, #tpu.memory_space<semaphore_mem>>) attributes {dimension_semantics = [#tpu.dimension_semantics<core_parallel>, #tpu.dimension_semantics<subcore_parallel>], iteration_bounds = array<i64: 2, 16>, scalar_prefetch = 0 : i64, scratch_operands = 16 : i64, tpu.core_type = #tpu.core_type<sc_vector_subcore>, window_params = [{transform_indices = #map}, {transform_indices = #map}, {transform_indices = #map}, {transform_indices = #map}, {transform_indices = #map1}, {transform_indices = #map2}, {transform_indices = #map}]} {
    %mul3A = arith.constant 16 : i32
    %mul3A_0 = arith.muli %arg0, %mul3A : i32
    %add3A = arith.addi %mul3A_0, %arg1 : i32
    %mul3A_1 = arith.constant 640 : i32
    %mul3A_2 = arith.muli %arg1, %mul3A_1 : i32
    "tpu.region"() ({
      %run_scoped3A = tpu.sem_alloc : memref<!tpu.dma_semaphore, #tpu.memory_space<semaphore_mem>>
      tpu.enqueue_dma source(%arg5 : memref<128x128xf32, #tpu.memory_space<hbm>>) target(%arg15 : memref<128x128xf32, #tpu.memory_space<vmem>>) target_semaphore(%run_scoped3A : memref<!tpu.dma_semaphore, #tpu.memory_space<semaphore_mem>>)
      tpu.wait_dma2 semaphore(%run_scoped3A : memref<!tpu.dma_semaphore, #tpu.memory_space<semaphore_mem>>) src(%arg5 : memref<128x128xf32, #tpu.memory_space<hbm>>) dst(%arg15 : memref<128x128xf32, #tpu.memory_space<vmem>>)
      tpu.yield
    }) : () -> ()
    %add3A_3 = arith.constant 0 : i32
    %add3A_4 = arith.addi %mul3A_2, %add3A_3 : i32
    "tpu.region"() ({
      %run_scoped3A = tpu.sem_alloc : memref<!tpu.dma_semaphore, #tpu.memory_space<semaphore_mem>>
      %dma_start3A_185 = arith.constant 0 : i32
      %dma_start3A_186 = tpu.memref_slice %arg18[%add3A_4, %dma_start3A_185] : memref<10240x128xf32, #tpu.memory_space<vmem_shared>> -> memref<128x128xf32, #tpu.memory_space<vmem_shared>>
      %dma_start3A_187 = arith.constant 0 : i32
      %dma_start3A_188 = tpu.memref_slice %arg18[%add3A_4, %dma_start3A_187] : memref<10240x128xf32, #tpu.memory_space<vmem_shared>> -> memref<128x128xf32, #tpu.memory_space<vmem_shared>>
      tpu.enqueue_dma source(%arg15 : memref<128x128xf32, #tpu.memory_space<vmem>>) target(%dma_start3A_188 : memref<128x128xf32, #tpu.memory_space<vmem_shared>>) target_semaphore(%run_scoped3A : memref<!tpu.dma_semaphore, #tpu.memory_space<semaphore_mem>>)
      %dma_wait3A_189 = arith.constant 0 : i32
      %dma_wait3A_190 = tpu.memref_slice %arg18[%add3A_4, %dma_wait3A_189] : memref<10240x128xf32, #tpu.memory_space<vmem_shared>> -> memref<128x128xf32, #tpu.memory_space<vmem_shared>>
      %dma_wait3A_191 = arith.constant 0 : i32
      %dma_wait3A_192 = tpu.memref_slice %arg18[%add3A_4, %dma_wait3A_191] : memref<10240x128xf32, #tpu.memory_space<vmem_shared>> -> memref<128x128xf32, #tpu.memory_space<vmem_shared>>
      tpu.wait_dma2 semaphore(%run_scoped3A : memref<!tpu.dma_semaphore, #tpu.memory_space<semaphore_mem>>) src(%arg15 : memref<128x128xf32, #tpu.memory_space<vmem>>) dst(%dma_wait3A_192 : memref<128x128xf32, #tpu.memory_space<vmem_shared>>)
      tpu.yield
    }) : () -> ()
    %add3A_5 = arith.constant 128 : i32
    %add3A_6 = arith.addi %mul3A_2, %add3A_5 : i32
    "tpu.region"() ({
      %run_scoped3A = tpu.sem_alloc : memref<!tpu.dma_semaphore, #tpu.memory_space<semaphore_mem>>
      %dma_start3A_185 = arith.constant 0 : i32
      %dma_start3A_186 = tpu.memref_slice %arg18[%add3A_6, %dma_start3A_185] : memref<10240x128xf32, #tpu.memory_space<vmem_shared>> -> memref<128x128xf32, #tpu.memory_space<vmem_shared>>
      %dma_start3A_187 = arith.constant 0 : i32
      %dma_start3A_188 = tpu.memref_slice %arg18[%add3A_6, %dma_start3A_187] : memref<10240x128xf32, #tpu.memory_space<vmem_shared>> -> memref<128x128xf32, #tpu.memory_space<vmem_shared>>
      tpu.enqueue_dma source(%arg15 : memref<128x128xf32, #tpu.memory_space<vmem>>) target(%dma_start3A_188 : memref<128x128xf32, #tpu.memory_space<vmem_shared>>) target_semaphore(%run_scoped3A : memref<!tpu.dma_semaphore, #tpu.memory_space<semaphore_mem>>)
      %dma_wait3A_189 = arith.constant 0 : i32
      %dma_wait3A_190 = tpu.memref_slice %arg18[%add3A_6, %dma_wait3A_189] : memref<10240x128xf32, #tpu.memory_space<vmem_shared>> -> memref<128x128xf32, #tpu.memory_space<vmem_shared>>
      %dma_wait3A_191 = arith.constant 0 : i32
      %dma_wait3A_192 = tpu.memref_slice %arg18[%add3A_6, %dma_wait3A_191] : memref<10240x128xf32, #tpu.memory_space<vmem_shared>> -> memref<128x128xf32, #tpu.memory_space<vmem_shared>>
      tpu.wait_dma2 semaphore(%run_scoped3A : memref<!tpu.dma_semaphore, #tpu.memory_space<semaphore_mem>>) src(%arg15 : memref<128x128xf32, #tpu.memory_space<vmem>>) dst(%dma_wait3A_192 : memref<128x128xf32, #tpu.memory_space<vmem_shared>>)
      tpu.yield
    }) : () -> ()
    %add3A_7 = arith.constant 256 : i32
    %add3A_8 = arith.addi %mul3A_2, %add3A_7 : i32
    "tpu.region"() ({
      %run_scoped3A = tpu.sem_alloc : memref<!tpu.dma_semaphore, #tpu.memory_space<semaphore_mem>>
      %dma_start3A_185 = arith.constant 0 : i32
      %dma_start3A_186 = tpu.memref_slice %arg18[%add3A_8, %dma_start3A_185] : memref<10240x128xf32, #tpu.memory_space<vmem_shared>> -> memref<128x128xf32, #tpu.memory_space<vmem_shared>>
      %dma_start3A_187 = arith.constant 0 : i32
      %dma_start3A_188 = tpu.memref_slice %arg18[%add3A_8, %dma_start3A_187] : memref<10240x128xf32, #tpu.memory_space<vmem_shared>> -> memref<128x128xf32, #tpu.memory_space<vmem_shared>>
      tpu.enqueue_dma source(%arg15 : memref<128x128xf32, #tpu.memory_space<vmem>>) target(%dma_start3A_188 : memref<128x128xf32, #tpu.memory_space<vmem_shared>>) target_semaphore(%run_scoped3A : memref<!tpu.dma_semaphore, #tpu.memory_space<semaphore_mem>>)
      %dma_wait3A_189 = arith.constant 0 : i32
      %dma_wait3A_190 = tpu.memref_slice %arg18[%add3A_8, %dma_wait3A_189] : memref<10240x128xf32, #tpu.memory_space<vmem_shared>> -> memref<128x128xf32, #tpu.memory_space<vmem_shared>>
      %dma_wait3A_191 = arith.constant 0 : i32
      %dma_wait3A_192 = tpu.memref_slice %arg18[%add3A_8, %dma_wait3A_191] : memref<10240x128xf32, #tpu.memory_space<vmem_shared>> -> memref<128x128xf32, #tpu.memory_space<vmem_shared>>
      tpu.wait_dma2 semaphore(%run_scoped3A : memref<!tpu.dma_semaphore, #tpu.memory_space<semaphore_mem>>) src(%arg15 : memref<128x128xf32, #tpu.memory_space<vmem>>) dst(%dma_wait3A_192 : memref<128x128xf32, #tpu.memory_space<vmem_shared>>)
      tpu.yield
    }) : () -> ()
    %add3A_9 = arith.constant 384 : i32
    %add3A_10 = arith.addi %mul3A_2, %add3A_9 : i32
    "tpu.region"() ({
      %run_scoped3A = tpu.sem_alloc : memref<!tpu.dma_semaphore, #tpu.memory_space<semaphore_mem>>
      %dma_start3A_185 = arith.constant 0 : i32
      %dma_start3A_186 = tpu.memref_slice %arg18[%add3A_10, %dma_start3A_185] : memref<10240x128xf32, #tpu.memory_space<vmem_shared>> -> memref<128x128xf32, #tpu.memory_space<vmem_shared>>
      %dma_start3A_187 = arith.constant 0 : i32
      %dma_start3A_188 = tpu.memref_slice %arg18[%add3A_10, %dma_start3A_187] : memref<10240x128xf32, #tpu.memory_space<vmem_shared>> -> memref<128x128xf32, #tpu.memory_space<vmem_shared>>
      tpu.enqueue_dma source(%arg15 : memref<128x128xf32, #tpu.memory_space<vmem>>) target(%dma_start3A_188 : memref<128x128xf32, #tpu.memory_space<vmem_shared>>) target_semaphore(%run_scoped3A : memref<!tpu.dma_semaphore, #tpu.memory_space<semaphore_mem>>)
      %dma_wait3A_189 = arith.constant 0 : i32
      %dma_wait3A_190 = tpu.memref_slice %arg18[%add3A_10, %dma_wait3A_189] : memref<10240x128xf32, #tpu.memory_space<vmem_shared>> -> memref<128x128xf32, #tpu.memory_space<vmem_shared>>
      %dma_wait3A_191 = arith.constant 0 : i32
      %dma_wait3A_192 = tpu.memref_slice %arg18[%add3A_10, %dma_wait3A_191] : memref<10240x128xf32, #tpu.memory_space<vmem_shared>> -> memref<128x128xf32, #tpu.memory_space<vmem_shared>>
      tpu.wait_dma2 semaphore(%run_scoped3A : memref<!tpu.dma_semaphore, #tpu.memory_space<semaphore_mem>>) src(%arg15 : memref<128x128xf32, #tpu.memory_space<vmem>>) dst(%dma_wait3A_192 : memref<128x128xf32, #tpu.memory_space<vmem_shared>>)
      tpu.yield
    }) : () -> ()
    %add3A_11 = arith.constant 512 : i32
    %add3A_12 = arith.addi %mul3A_2, %add3A_11 : i32
    "tpu.region"() ({
      %run_scoped3A = tpu.sem_alloc : memref<!tpu.dma_semaphore, #tpu.memory_space<semaphore_mem>>
      %dma_start3A_185 = arith.constant 0 : i32
      %dma_start3A_186 = tpu.memref_slice %arg18[%add3A_12, %dma_start3A_185] : memref<10240x128xf32, #tpu.memory_space<vmem_shared>> -> memref<128x128xf32, #tpu.memory_space<vmem_shared>>
      %dma_start3A_187 = arith.constant 0 : i32
      %dma_start3A_188 = tpu.memref_slice %arg18[%add3A_12, %dma_start3A_187] : memref<10240x128xf32, #tpu.memory_space<vmem_shared>> -> memref<128x128xf32, #tpu.memory_space<vmem_shared>>
      tpu.enqueue_dma source(%arg15 : memref<128x128xf32, #tpu.memory_space<vmem>>) target(%dma_start3A_188 : memref<128x128xf32, #tpu.memory_space<vmem_shared>>) target_semaphore(%run_scoped3A : memref<!tpu.dma_semaphore, #tpu.memory_space<semaphore_mem>>)
      %dma_wait3A_189 = arith.constant 0 : i32
      %dma_wait3A_190 = tpu.memref_slice %arg18[%add3A_12, %dma_wait3A_189] : memref<10240x128xf32, #tpu.memory_space<vmem_shared>> -> memref<128x128xf32, #tpu.memory_space<vmem_shared>>
      %dma_wait3A_191 = arith.constant 0 : i32
      %dma_wait3A_192 = tpu.memref_slice %arg18[%add3A_12, %dma_wait3A_191] : memref<10240x128xf32, #tpu.memory_space<vmem_shared>> -> memref<128x128xf32, #tpu.memory_space<vmem_shared>>
      tpu.wait_dma2 semaphore(%run_scoped3A : memref<!tpu.dma_semaphore, #tpu.memory_space<semaphore_mem>>) src(%arg15 : memref<128x128xf32, #tpu.memory_space<vmem>>) dst(%dma_wait3A_192 : memref<128x128xf32, #tpu.memory_space<vmem_shared>>)
      tpu.yield
    }) : () -> ()
    "tpu.region"() ({
      %run_scoped3A = tpu.sem_alloc : memref<!tpu.dma_semaphore, #tpu.memory_space<semaphore_mem>>
      tpu.enqueue_dma source(%arg6 : memref<10240xf32, #tpu.memory_space<hbm>>) target(%arg17 : memref<10240xf32, #tpu.memory_space<vmem>>) target_semaphore(%run_scoped3A : memref<!tpu.dma_semaphore, #tpu.memory_space<semaphore_mem>>)
      tpu.wait_dma2 semaphore(%run_scoped3A : memref<!tpu.dma_semaphore, #tpu.memory_space<semaphore_mem>>) src(%arg6 : memref<10240xf32, #tpu.memory_space<hbm>>) dst(%arg17 : memref<10240xf32, #tpu.memory_space<vmem>>)
      tpu.yield
    }) : () -> ()
    %barrier3A = arith.constant 0 : index
    tpu.barrier barrier_id(%barrier3A)
    %mul3A_13 = arith.constant 20480 : i32
    %mul3A_14 = arith.muli %arg1, %mul3A_13 : i32
    %broadcast_in_dim3A = arith.constant 1.000000e+00 : f32
    %broadcast_in_dim3A_15 = vector.broadcast %broadcast_in_dim3A : f32 to vector<16xf32>
    %add3A_16 = arith.constant 0 : i32
    %add3A_17 = arith.addi %mul3A_14, %add3A_16 : i32
    %dma_start3A = tpu.memref_slice %arg3[%arg0, %add3A_17] : memref<2x327680xi32, #tpu.memory_space<hbm>> -> memref<1x128xi32, #tpu.memory_space<hbm>>
    %dma_start3A_18 = tpu.memref_squeeze %dma_start3A : memref<1x128xi32, #tpu.memory_space<hbm>> -> memref<128xi32, #tpu.memory_space<hbm>>
    %dma_start3A_19 = tpu.memref_slice %arg3[%arg0, %add3A_17] : memref<2x327680xi32, #tpu.memory_space<hbm>> -> memref<1x128xi32, #tpu.memory_space<hbm>>
    %dma_start3A_20 = tpu.memref_squeeze %dma_start3A_19 : memref<1x128xi32, #tpu.memory_space<hbm>> -> memref<128xi32, #tpu.memory_space<hbm>>
    tpu.enqueue_dma source(%dma_start3A_20 : memref<128xi32, #tpu.memory_space<hbm>>) target(%arg9 : memref<128xi32, #tpu.memory_space<vmem>>) target_semaphore(%arg19 : memref<!tpu.dma_semaphore, #tpu.memory_space<semaphore_mem>>)
    %dma_start3A_21 = tpu.memref_slice %arg4[%arg0, %add3A_17] : memref<2x327680xi32, #tpu.memory_space<hbm>> -> memref<1x128xi32, #tpu.memory_space<hbm>>
    %dma_start3A_22 = tpu.memref_squeeze %dma_start3A_21 : memref<1x128xi32, #tpu.memory_space<hbm>> -> memref<128xi32, #tpu.memory_space<hbm>>
    %dma_start3A_23 = tpu.memref_slice %arg4[%arg0, %add3A_17] : memref<2x327680xi32, #tpu.memory_space<hbm>> -> memref<1x128xi32, #tpu.memory_space<hbm>>
    %dma_start3A_24 = tpu.memref_squeeze %dma_start3A_23 : memref<1x128xi32, #tpu.memory_space<hbm>> -> memref<128xi32, #tpu.memory_space<hbm>>
    tpu.enqueue_dma source(%dma_start3A_24 : memref<128xi32, #tpu.memory_space<hbm>>) target(%arg11 : memref<128xi32, #tpu.memory_space<vmem>>) target_semaphore(%arg19 : memref<!tpu.dma_semaphore, #tpu.memory_space<semaphore_mem>>)
    %add3A_25 = arith.constant 128 : i32
    %add3A_26 = arith.addi %mul3A_14, %add3A_25 : i32
    %dma_start3A_27 = tpu.memref_slice %arg3[%arg0, %add3A_26] : memref<2x327680xi32, #tpu.memory_space<hbm>> -> memref<1x128xi32, #tpu.memory_space<hbm>>
    %dma_start3A_28 = tpu.memref_squeeze %dma_start3A_27 : memref<1x128xi32, #tpu.memory_space<hbm>> -> memref<128xi32, #tpu.memory_space<hbm>>
    %dma_start3A_29 = tpu.memref_slice %arg3[%arg0, %add3A_26] : memref<2x327680xi32, #tpu.memory_space<hbm>> -> memref<1x128xi32, #tpu.memory_space<hbm>>
    %dma_start3A_30 = tpu.memref_squeeze %dma_start3A_29 : memref<1x128xi32, #tpu.memory_space<hbm>> -> memref<128xi32, #tpu.memory_space<hbm>>
    tpu.enqueue_dma source(%dma_start3A_30 : memref<128xi32, #tpu.memory_space<hbm>>) target(%arg10 : memref<128xi32, #tpu.memory_space<vmem>>) target_semaphore(%arg20 : memref<!tpu.dma_semaphore, #tpu.memory_space<semaphore_mem>>)
    %dma_start3A_31 = tpu.memref_slice %arg4[%arg0, %add3A_26] : memref<2x327680xi32, #tpu.memory_space<hbm>> -> memref<1x128xi32, #tpu.memory_space<hbm>>
    %dma_start3A_32 = tpu.memref_squeeze %dma_start3A_31 : memref<1x128xi32, #tpu.memory_space<hbm>> -> memref<128xi32, #tpu.memory_space<hbm>>
    %dma_start3A_33 = tpu.memref_slice %arg4[%arg0, %add3A_26] : memref<2x327680xi32, #tpu.memory_space<hbm>> -> memref<1x128xi32, #tpu.memory_space<hbm>>
    %dma_start3A_34 = tpu.memref_squeeze %dma_start3A_33 : memref<1x128xi32, #tpu.memory_space<hbm>> -> memref<128xi32, #tpu.memory_space<hbm>>
    tpu.enqueue_dma source(%dma_start3A_34 : memref<128xi32, #tpu.memory_space<hbm>>) target(%arg12 : memref<128xi32, #tpu.memory_space<vmem>>) target_semaphore(%arg20 : memref<!tpu.dma_semaphore, #tpu.memory_space<semaphore_mem>>)
    %scan3A = arith.constant 0 : i32
    %scan3A_35 = arith.constant 80 : i32
    %scan3A_36 = arith.addi %scan3A, %scan3A_35 : i32
    %scan3A_37 = arith.constant 1 : i32
    scf.for %scan3A_185 = %scan3A to %scan3A_36 step %scan3A_37  : i32 {
      %mul3A_186 = arith.constant 1 : i32
      %mul3A_187 = arith.muli %scan3A_185, %mul3A_186 : i32
      %add3A_188 = arith.constant 0 : i32
      %add3A_189 = arith.addi %add3A_188, %mul3A_187 : i32
      %mul3A_190 = arith.constant 2 : i32
      %mul3A_191 = arith.muli %mul3A_190, %add3A_189 : i32
      %add3A_192 = arith.constant 0 : i32
      %add3A_193 = arith.addi %mul3A_191, %add3A_192 : i32
      %dma_wait3A_194 = arith.constant 0 : i32
      %dma_wait3A_195 = arith.constant 0 : i32
      %dma_wait3A_196 = tpu.memref_slice %arg3[%dma_wait3A_194, %dma_wait3A_195] : memref<2x327680xi32, #tpu.memory_space<hbm>> -> memref<1x128xi32, #tpu.memory_space<hbm>>
      %dma_wait3A_197 = tpu.memref_squeeze %dma_wait3A_196 : memref<1x128xi32, #tpu.memory_space<hbm>> -> memref<128xi32, #tpu.memory_space<hbm>>
      %dma_wait3A_198 = arith.constant 0 : i32
      %dma_wait3A_199 = tpu.memref_slice %arg3[%dma_wait3A_194, %dma_wait3A_198] : memref<2x327680xi32, #tpu.memory_space<hbm>> -> memref<1x128xi32, #tpu.memory_space<hbm>>
      %dma_wait3A_200 = tpu.memref_squeeze %dma_wait3A_199 : memref<1x128xi32, #tpu.memory_space<hbm>> -> memref<128xi32, #tpu.memory_space<hbm>>
      tpu.wait_dma2 semaphore(%arg19 : memref<!tpu.dma_semaphore, #tpu.memory_space<semaphore_mem>>) src(%dma_wait3A_200 : memref<128xi32, #tpu.memory_space<hbm>>) dst(%arg9 : memref<128xi32, #tpu.memory_space<vmem>>)
      %dma_wait3A_201 = arith.constant 0 : i32
      %dma_wait3A_202 = arith.constant 0 : i32
      %dma_wait3A_203 = tpu.memref_slice %arg4[%dma_wait3A_201, %dma_wait3A_202] : memref<2x327680xi32, #tpu.memory_space<hbm>> -> memref<1x128xi32, #tpu.memory_space<hbm>>
      %dma_wait3A_204 = tpu.memref_squeeze %dma_wait3A_203 : memref<1x128xi32, #tpu.memory_space<hbm>> -> memref<128xi32, #tpu.memory_space<hbm>>
      %dma_wait3A_205 = arith.constant 0 : i32
      %dma_wait3A_206 = tpu.memref_slice %arg4[%dma_wait3A_201, %dma_wait3A_205] : memref<2x327680xi32, #tpu.memory_space<hbm>> -> memref<1x128xi32, #tpu.memory_space<hbm>>
      %dma_wait3A_207 = tpu.memref_squeeze %dma_wait3A_206 : memref<1x128xi32, #tpu.memory_space<hbm>> -> memref<128xi32, #tpu.memory_space<hbm>>
      tpu.wait_dma2 semaphore(%arg19 : memref<!tpu.dma_semaphore, #tpu.memory_space<semaphore_mem>>) src(%dma_wait3A_207 : memref<128xi32, #tpu.memory_space<hbm>>) dst(%arg11 : memref<128xi32, #tpu.memory_space<vmem>>)
      %gt3A = arith.constant 0 : i32
      %gt3A_208 = arith.cmpi sgt, %add3A_189, %gt3A : i32
      %convert_element_type3A = arith.extui %gt3A_208 : i1 to i32
      %cond3A = arith.constant 0 : i32
      %cond3A_209 = arith.cmpi ne, %convert_element_type3A, %cond3A : i32
      scf.if %cond3A_209 {
        %dma_wait3A_326 = arith.constant 0 : i32
        %dma_wait3A_327 = arith.constant 0 : i32
        %dma_wait3A_328 = tpu.memref_slice %arg18[%dma_wait3A_326, %dma_wait3A_327] : memref<10240x128xf32, #tpu.memory_space<vmem_shared>> -> memref<10240x128xf32, #tpu.memory_space<vmem_shared>>
        tpu.wait_indirect_dma semaphore(%arg23 : memref<!tpu.dma_semaphore, #tpu.memory_space<semaphore_mem>>) src(%arg15 : memref<128x128xf32, #tpu.memory_space<vmem>>) dst(%dma_wait3A_328 : memref<10240x128xf32, #tpu.memory_space<vmem_shared>>)
      } else {
      }
      %dma_start3A_210 = arith.constant 0 : i32
      %dma_start3A_211 = arith.constant 0 : i32
      %dma_start3A_212 = tpu.memref_slice %arg2[%dma_start3A_210, %dma_start3A_211] : memref<10240x128xf32, #tpu.memory_space<hbm>> -> memref<10240x128xf32, #tpu.memory_space<hbm>>
      tpu.enqueue_indirect_dma source(%dma_start3A_212 : memref<10240x128xf32, #tpu.memory_space<hbm>>) target(%arg15 : memref<128x128xf32, #tpu.memory_space<vmem>>) offsets(%arg9 : memref<128xi32, #tpu.memory_space<vmem>>) semaphore(%arg21 : memref<!tpu.dma_semaphore, #tpu.memory_space<semaphore_mem>>)
      %get3A = arith.constant 0 : index
      %get3A_213 = tpu.vector_load %arg11[%get3A] {strides = array<i32>} : memref<128xi32, #tpu.memory_space<vmem>>, vector<16xi32>,
      tpu.vector_store_idx %arg17[%get3A_213], %broadcast_in_dim3A_15 {add = true} : memref<10240xf32, #tpu.memory_space<vmem>>[vector<16xi32>], vector<16xf32>,
      %swap3A = arith.constant 0 : index
      %swap3A_214 = tpu.vector_load %arg13[%swap3A] {strides = array<i32>} : memref<128xi32, #tpu.memory_space<vmem>>, vector<16xi32>,
      tpu.vector_store %arg13[%swap3A], %get3A_213 {strides = array<i32>} : memref<128xi32, #tpu.memory_space<vmem>>, vector<16xi32>,
      %get3A_215 = arith.constant 16 : index
      %get3A_216 = tpu.vector_load %arg11[%get3A_215] {strides = array<i32>} : memref<128xi32, #tpu.memory_space<vmem>>, vector<16xi32>,
      tpu.vector_store_idx %arg17[%get3A_216], %broadcast_in_dim3A_15 {add = true} : memref<10240xf32, #tpu.memory_space<vmem>>[vector<16xi32>], vector<16xf32>,
      %swap3A_217 = arith.constant 16 : index
      %swap3A_218 = tpu.vector_load %arg13[%swap3A_217] {strides = array<i32>} : memref<128xi32, #tpu.memory_space<vmem>>, vector<16xi32>,
      tpu.vector_store %arg13[%swap3A_217], %get3A_216 {strides = array<i32>} : memref<128xi32, #tpu.memory_space<vmem>>, vector<16xi32>,
      %get3A_219 = arith.constant 32 : index
      %get3A_220 = tpu.vector_load %arg11[%get3A_219] {strides = array<i32>} : memref<128xi32, #tpu.memory_space<vmem>>, vector<16xi32>,
      tpu.vector_store_idx %arg17[%get3A_220], %broadcast_in_dim3A_15 {add = true} : memref<10240xf32, #tpu.memory_space<vmem>>[vector<16xi32>], vector<16xf32>,
      %swap3A_221 = arith.constant 32 : index
      %swap3A_222 = tpu.vector_load %arg13[%swap3A_221] {strides = array<i32>} : memref<128xi32, #tpu.memory_space<vmem>>, vector<16xi32>,
      tpu.vector_store %arg13[%swap3A_221], %get3A_220 {strides = array<i32>} : memref<128xi32, #tpu.memory_space<vmem>>, vector<16xi32>,
      %get3A_223 = arith.constant 48 : index
      %get3A_224 = tpu.vector_load %arg11[%get3A_223] {strides = array<i32>} : memref<128xi32, #tpu.memory_space<vmem>>, vector<16xi32>,
      tpu.vector_store_idx %arg17[%get3A_224], %broadcast_in_dim3A_15 {add = true} : memref<10240xf32, #tpu.memory_space<vmem>>[vector<16xi32>], vector<16xf32>,
      %swap3A_225 = arith.constant 48 : index
      %swap3A_226 = tpu.vector_load %arg13[%swap3A_225] {strides = array<i32>} : memref<128xi32, #tpu.memory_space<vmem>>, vector<16xi32>,
      tpu.vector_store %arg13[%swap3A_225], %get3A_224 {strides = array<i32>} : memref<128xi32, #tpu.memory_space<vmem>>, vector<16xi32>,
      %get3A_227 = arith.constant 64 : index
      %get3A_228 = tpu.vector_load %arg11[%get3A_227] {strides = array<i32>} : memref<128xi32, #tpu.memory_space<vmem>>, vector<16xi32>,
      tpu.vector_store_idx %arg17[%get3A_228], %broadcast_in_dim3A_15 {add = true} : memref<10240xf32, #tpu.memory_space<vmem>>[vector<16xi32>], vector<16xf32>,
      %swap3A_229 = arith.constant 64 : index
      %swap3A_230 = tpu.vector_load %arg13[%swap3A_229] {strides = array<i32>} : memref<128xi32, #tpu.memory_space<vmem>>, vector<16xi32>,
      tpu.vector_store %arg13[%swap3A_229], %get3A_228 {strides = array<i32>} : memref<128xi32, #tpu.memory_space<vmem>>, vector<16xi32>,
      %get3A_231 = arith.constant 80 : index
      %get3A_232 = tpu.vector_load %arg11[%get3A_231] {strides = array<i32>} : memref<128xi32, #tpu.memory_space<vmem>>, vector<16xi32>,
      tpu.vector_store_idx %arg17[%get3A_232], %broadcast_in_dim3A_15 {add = true} : memref<10240xf32, #tpu.memory_space<vmem>>[vector<16xi32>], vector<16xf32>,
      %swap3A_233 = arith.constant 80 : index
      %swap3A_234 = tpu.vector_load %arg13[%swap3A_233] {strides = array<i32>} : memref<128xi32, #tpu.memory_space<vmem>>, vector<16xi32>,
      tpu.vector_store %arg13[%swap3A_233], %get3A_232 {strides = array<i32>} : memref<128xi32, #tpu.memory_space<vmem>>, vector<16xi32>,
      %get3A_235 = arith.constant 96 : index
      %get3A_236 = tpu.vector_load %arg11[%get3A_235] {strides = array<i32>} : memref<128xi32, #tpu.memory_space<vmem>>, vector<16xi32>,
      tpu.vector_store_idx %arg17[%get3A_236], %broadcast_in_dim3A_15 {add = true} : memref<10240xf32, #tpu.memory_space<vmem>>[vector<16xi32>], vector<16xf32>,
      %swap3A_237 = arith.constant 96 : index
      %swap3A_238 = tpu.vector_load %arg13[%swap3A_237] {strides = array<i32>} : memref<128xi32, #tpu.memory_space<vmem>>, vector<16xi32>,
      tpu.vector_store %arg13[%swap3A_237], %get3A_236 {strides = array<i32>} : memref<128xi32, #tpu.memory_space<vmem>>, vector<16xi32>,
      %get3A_239 = arith.constant 112 : index
      %get3A_240 = tpu.vector_load %arg11[%get3A_239] {strides = array<i32>} : memref<128xi32, #tpu.memory_space<vmem>>, vector<16xi32>,
      tpu.vector_store_idx %arg17[%get3A_240], %broadcast_in_dim3A_15 {add = true} : memref<10240xf32, #tpu.memory_space<vmem>>[vector<16xi32>], vector<16xf32>,
      %swap3A_241 = arith.constant 112 : index
      %swap3A_242 = tpu.vector_load %arg13[%swap3A_241] {strides = array<i32>} : memref<128xi32, #tpu.memory_space<vmem>>, vector<16xi32>,
      tpu.vector_store %arg13[%swap3A_241], %get3A_240 {strides = array<i32>} : memref<128xi32, #tpu.memory_space<vmem>>, vector<16xi32>,
      %dma_wait3A_243 = arith.constant 0 : i32
      %dma_wait3A_244 = arith.constant 0 : i32
      %dma_wait3A_245 = tpu.memref_slice %arg2[%dma_wait3A_243, %dma_wait3A_244] : memref<10240x128xf32, #tpu.memory_space<hbm>> -> memref<10240x128xf32, #tpu.memory_space<hbm>>
      tpu.wait_indirect_dma semaphore(%arg21 : memref<!tpu.dma_semaphore, #tpu.memory_space<semaphore_mem>>) src(%dma_wait3A_245 : memref<10240x128xf32, #tpu.memory_space<hbm>>) dst(%arg15 : memref<128x128xf32, #tpu.memory_space<vmem>>)
      %dma_start3A_246 = arith.constant 0 : i32
      %dma_start3A_247 = arith.constant 0 : i32
      %dma_start3A_248 = tpu.memref_slice %arg18[%dma_start3A_246, %dma_start3A_247] : memref<10240x128xf32, #tpu.memory_space<vmem_shared>> -> memref<10240x128xf32, #tpu.memory_space<vmem_shared>>
      tpu.enqueue_indirect_dma source(%arg15 : memref<128x128xf32, #tpu.memory_space<vmem>>) target(%dma_start3A_248 : memref<10240x128xf32, #tpu.memory_space<vmem_shared>>) offsets(%arg13 : memref<128xi32, #tpu.memory_space<vmem>>) semaphore(%arg23 : memref<!tpu.dma_semaphore, #tpu.memory_space<semaphore_mem>>) {add = true}
      %add3A_249 = arith.constant 2 : i32
      %add3A_250 = arith.addi %add3A_193, %add3A_249 : i32
      %lt3A = arith.constant 160 : i32
      %lt3A_251 = arith.cmpi slt, %add3A_250, %lt3A : i32
      %convert_element_type3A_252 = arith.extui %lt3A_251 : i1 to i32
      %cond3A_253 = arith.constant 0 : i32
      %cond3A_254 = arith.cmpi ne, %convert_element_type3A_252, %cond3A_253 : i32
      scf.if %cond3A_254 {
        %add3A_326 = arith.constant 2 : i32
        %add3A_327 = arith.addi %add3A_193, %add3A_326 : i32
        %mul3A_328 = arith.constant 128 : i32
        %mul3A_329 = arith.muli %add3A_327, %mul3A_328 : i32
        %add3A_330 = arith.addi %mul3A_14, %mul3A_329 : i32
        %dma_start3A_331 = tpu.memref_slice %arg3[%arg0, %add3A_330] : memref<2x327680xi32, #tpu.memory_space<hbm>> -> memref<1x128xi32, #tpu.memory_space<hbm>>
        %dma_start3A_332 = tpu.memref_squeeze %dma_start3A_331 : memref<1x128xi32, #tpu.memory_space<hbm>> -> memref<128xi32, #tpu.memory_space<hbm>>
        %dma_start3A_333 = tpu.memref_slice %arg3[%arg0, %add3A_330] : memref<2x327680xi32, #tpu.memory_space<hbm>> -> memref<1x128xi32, #tpu.memory_space<hbm>>
        %dma_start3A_334 = tpu.memref_squeeze %dma_start3A_333 : memref<1x128xi32, #tpu.memory_space<hbm>> -> memref<128xi32, #tpu.memory_space<hbm>>
        tpu.enqueue_dma source(%dma_start3A_334 : memref<128xi32, #tpu.memory_space<hbm>>) target(%arg9 : memref<128xi32, #tpu.memory_space<vmem>>) target_semaphore(%arg19 : memref<!tpu.dma_semaphore, #tpu.memory_space<semaphore_mem>>)
        %dma_start3A_335 = tpu.memref_slice %arg4[%arg0, %add3A_330] : memref<2x327680xi32, #tpu.memory_space<hbm>> -> memref<1x128xi32, #tpu.memory_space<hbm>>
        %dma_start3A_336 = tpu.memref_squeeze %dma_start3A_335 : memref<1x128xi32, #tpu.memory_space<hbm>> -> memref<128xi32, #tpu.memory_space<hbm>>
        %dma_start3A_337 = tpu.memref_slice %arg4[%arg0, %add3A_330] : memref<2x327680xi32, #tpu.memory_space<hbm>> -> memref<1x128xi32, #tpu.memory_space<hbm>>
        %dma_start3A_338 = tpu.memref_squeeze %dma_start3A_337 : memref<1x128xi32, #tpu.memory_space<hbm>> -> memref<128xi32, #tpu.memory_space<hbm>>
        tpu.enqueue_dma source(%dma_start3A_338 : memref<128xi32, #tpu.memory_space<hbm>>) target(%arg11 : memref<128xi32, #tpu.memory_space<vmem>>) target_semaphore(%arg19 : memref<!tpu.dma_semaphore, #tpu.memory_space<semaphore_mem>>)
      } else {
      }
      %mul3A_255 = arith.constant 2 : i32
      %mul3A_256 = arith.muli %mul3A_255, %add3A_189 : i32
      %add3A_257 = arith.constant 1 : i32
      %add3A_258 = arith.addi %mul3A_256, %add3A_257 : i32
      %dma_wait3A_259 = arith.constant 0 : i32
      %dma_wait3A_260 = arith.constant 0 : i32
      %dma_wait3A_261 = tpu.memref_slice %arg3[%dma_wait3A_259, %dma_wait3A_260] : memref<2x327680xi32, #tpu.memory_space<hbm>> -> memref<1x128xi32, #tpu.memory_space<hbm>>
      %dma_wait3A_262 = tpu.memref_squeeze %dma_wait3A_261 : memref<1x128xi32, #tpu.memory_space<hbm>> -> memref<128xi32, #tpu.memory_space<hbm>>
      %dma_wait3A_263 = arith.constant 0 : i32
      %dma_wait3A_264 = tpu.memref_slice %arg3[%dma_wait3A_259, %dma_wait3A_263] : memref<2x327680xi32, #tpu.memory_space<hbm>> -> memref<1x128xi32, #tpu.memory_space<hbm>>
      %dma_wait3A_265 = tpu.memref_squeeze %dma_wait3A_264 : memref<1x128xi32, #tpu.memory_space<hbm>> -> memref<128xi32, #tpu.memory_space<hbm>>
      tpu.wait_dma2 semaphore(%arg20 : memref<!tpu.dma_semaphore, #tpu.memory_space<semaphore_mem>>) src(%dma_wait3A_265 : memref<128xi32, #tpu.memory_space<hbm>>) dst(%arg10 : memref<128xi32, #tpu.memory_space<vmem>>)
      %dma_wait3A_266 = arith.constant 0 : i32
      %dma_wait3A_267 = arith.constant 0 : i32
      %dma_wait3A_268 = tpu.memref_slice %arg4[%dma_wait3A_266, %dma_wait3A_267] : memref<2x327680xi32, #tpu.memory_space<hbm>> -> memref<1x128xi32, #tpu.memory_space<hbm>>
      %dma_wait3A_269 = tpu.memref_squeeze %dma_wait3A_268 : memref<1x128xi32, #tpu.memory_space<hbm>> -> memref<128xi32, #tpu.memory_space<hbm>>
      %dma_wait3A_270 = arith.constant 0 : i32
      %dma_wait3A_271 = tpu.memref_slice %arg4[%dma_wait3A_266, %dma_wait3A_270] : memref<2x327680xi32, #tpu.memory_space<hbm>> -> memref<1x128xi32, #tpu.memory_space<hbm>>
      %dma_wait3A_272 = tpu.memref_squeeze %dma_wait3A_271 : memref<1x128xi32, #tpu.memory_space<hbm>> -> memref<128xi32, #tpu.memory_space<hbm>>
      tpu.wait_dma2 semaphore(%arg20 : memref<!tpu.dma_semaphore, #tpu.memory_space<semaphore_mem>>) src(%dma_wait3A_272 : memref<128xi32, #tpu.memory_space<hbm>>) dst(%arg12 : memref<128xi32, #tpu.memory_space<vmem>>)
      %gt3A_273 = arith.constant 0 : i32
      %gt3A_274 = arith.cmpi sgt, %add3A_189, %gt3A_273 : i32
      %convert_element_type3A_275 = arith.extui %gt3A_274 : i1 to i32
      %cond3A_276 = arith.constant 0 : i32
      %cond3A_277 = arith.cmpi ne, %convert_element_type3A_275, %cond3A_276 : i32
      scf.if %cond3A_277 {
        %dma_wait3A_326 = arith.constant 0 : i32
        %dma_wait3A_327 = arith.constant 0 : i32
        %dma_wait3A_328 = tpu.memref_slice %arg18[%dma_wait3A_326, %dma_wait3A_327] : memref<10240x128xf32, #tpu.memory_space<vmem_shared>> -> memref<10240x128xf32, #tpu.memory_space<vmem_shared>>
        tpu.wait_indirect_dma semaphore(%arg24 : memref<!tpu.dma_semaphore, #tpu.memory_space<semaphore_mem>>) src(%arg16 : memref<128x128xf32, #tpu.memory_space<vmem>>) dst(%dma_wait3A_328 : memref<10240x128xf32, #tpu.memory_space<vmem_shared>>)
      } else {
      }
      %dma_start3A_278 = arith.constant 0 : i32
      %dma_start3A_279 = arith.constant 0 : i32
      %dma_start3A_280 = tpu.memref_slice %arg2[%dma_start3A_278, %dma_start3A_279] : memref<10240x128xf32, #tpu.memory_space<hbm>> -> memref<10240x128xf32, #tpu.memory_space<hbm>>
      tpu.enqueue_indirect_dma source(%dma_start3A_280 : memref<10240x128xf32, #tpu.memory_space<hbm>>) target(%arg16 : memref<128x128xf32, #tpu.memory_space<vmem>>) offsets(%arg10 : memref<128xi32, #tpu.memory_space<vmem>>) semaphore(%arg22 : memref<!tpu.dma_semaphore, #tpu.memory_space<semaphore_mem>>)
      %get3A_281 = arith.constant 0 : index
      %get3A_282 = tpu.vector_load %arg12[%get3A_281] {strides = array<i32>} : memref<128xi32, #tpu.memory_space<vmem>>, vector<16xi32>,
      tpu.vector_store_idx %arg17[%get3A_282], %broadcast_in_dim3A_15 {add = true} : memref<10240xf32, #tpu.memory_space<vmem>>[vector<16xi32>], vector<16xf32>,
      %swap3A_283 = arith.constant 0 : index
      %swap3A_284 = tpu.vector_load %arg14[%swap3A_283] {strides = array<i32>} : memref<128xi32, #tpu.memory_space<vmem>>, vector<16xi32>,
      tpu.vector_store %arg14[%swap3A_283], %get3A_282 {strides = array<i32>} : memref<128xi32, #tpu.memory_space<vmem>>, vector<16xi32>,
      %get3A_285 = arith.constant 16 : index
      %get3A_286 = tpu.vector_load %arg12[%get3A_285] {strides = array<i32>} : memref<128xi32, #tpu.memory_space<vmem>>, vector<16xi32>,
      tpu.vector_store_idx %arg17[%get3A_286], %broadcast_in_dim3A_15 {add = true} : memref<10240xf32, #tpu.memory_space<vmem>>[vector<16xi32>], vector<16xf32>,
      %swap3A_287 = arith.constant 16 : index
      %swap3A_288 = tpu.vector_load %arg14[%swap3A_287] {strides = array<i32>} : memref<128xi32, #tpu.memory_space<vmem>>, vector<16xi32>,
      tpu.vector_store %arg14[%swap3A_287], %get3A_286 {strides = array<i32>} : memref<128xi32, #tpu.memory_space<vmem>>, vector<16xi32>,
      %get3A_289 = arith.constant 32 : index
      %get3A_290 = tpu.vector_load %arg12[%get3A_289] {strides = array<i32>} : memref<128xi32, #tpu.memory_space<vmem>>, vector<16xi32>,
      tpu.vector_store_idx %arg17[%get3A_290], %broadcast_in_dim3A_15 {add = true} : memref<10240xf32, #tpu.memory_space<vmem>>[vector<16xi32>], vector<16xf32>,
      %swap3A_291 = arith.constant 32 : index
      %swap3A_292 = tpu.vector_load %arg14[%swap3A_291] {strides = array<i32>} : memref<128xi32, #tpu.memory_space<vmem>>, vector<16xi32>,
      tpu.vector_store %arg14[%swap3A_291], %get3A_290 {strides = array<i32>} : memref<128xi32, #tpu.memory_space<vmem>>, vector<16xi32>,
      %get3A_293 = arith.constant 48 : index
      %get3A_294 = tpu.vector_load %arg12[%get3A_293] {strides = array<i32>} : memref<128xi32, #tpu.memory_space<vmem>>, vector<16xi32>,
      tpu.vector_store_idx %arg17[%get3A_294], %broadcast_in_dim3A_15 {add = true} : memref<10240xf32, #tpu.memory_space<vmem>>[vector<16xi32>], vector<16xf32>,
      %swap3A_295 = arith.constant 48 : index
      %swap3A_296 = tpu.vector_load %arg14[%swap3A_295] {strides = array<i32>} : memref<128xi32, #tpu.memory_space<vmem>>, vector<16xi32>,
      tpu.vector_store %arg14[%swap3A_295], %get3A_294 {strides = array<i32>} : memref<128xi32, #tpu.memory_space<vmem>>, vector<16xi32>,
      %get3A_297 = arith.constant 64 : index
      %get3A_298 = tpu.vector_load %arg12[%get3A_297] {strides = array<i32>} : memref<128xi32, #tpu.memory_space<vmem>>, vector<16xi32>,
      tpu.vector_store_idx %arg17[%get3A_298], %broadcast_in_dim3A_15 {add = true} : memref<10240xf32, #tpu.memory_space<vmem>>[vector<16xi32>], vector<16xf32>,
      %swap3A_299 = arith.constant 64 : index
      %swap3A_300 = tpu.vector_load %arg14[%swap3A_299] {strides = array<i32>} : memref<128xi32, #tpu.memory_space<vmem>>, vector<16xi32>,
      tpu.vector_store %arg14[%swap3A_299], %get3A_298 {strides = array<i32>} : memref<128xi32, #tpu.memory_space<vmem>>, vector<16xi32>,
      %get3A_301 = arith.constant 80 : index
      %get3A_302 = tpu.vector_load %arg12[%get3A_301] {strides = array<i32>} : memref<128xi32, #tpu.memory_space<vmem>>, vector<16xi32>,
      tpu.vector_store_idx %arg17[%get3A_302], %broadcast_in_dim3A_15 {add = true} : memref<10240xf32, #tpu.memory_space<vmem>>[vector<16xi32>], vector<16xf32>,
      %swap3A_303 = arith.constant 80 : index
      %swap3A_304 = tpu.vector_load %arg14[%swap3A_303] {strides = array<i32>} : memref<128xi32, #tpu.memory_space<vmem>>, vector<16xi32>,
      tpu.vector_store %arg14[%swap3A_303], %get3A_302 {strides = array<i32>} : memref<128xi32, #tpu.memory_space<vmem>>, vector<16xi32>,
      %get3A_305 = arith.constant 96 : index
      %get3A_306 = tpu.vector_load %arg12[%get3A_305] {strides = array<i32>} : memref<128xi32, #tpu.memory_space<vmem>>, vector<16xi32>,
      tpu.vector_store_idx %arg17[%get3A_306], %broadcast_in_dim3A_15 {add = true} : memref<10240xf32, #tpu.memory_space<vmem>>[vector<16xi32>], vector<16xf32>,
      %swap3A_307 = arith.constant 96 : index
      %swap3A_308 = tpu.vector_load %arg14[%swap3A_307] {strides = array<i32>} : memref<128xi32, #tpu.memory_space<vmem>>, vector<16xi32>,
      tpu.vector_store %arg14[%swap3A_307], %get3A_306 {strides = array<i32>} : memref<128xi32, #tpu.memory_space<vmem>>, vector<16xi32>,
      %get3A_309 = arith.constant 112 : index
      %get3A_310 = tpu.vector_load %arg12[%get3A_309] {strides = array<i32>} : memref<128xi32, #tpu.memory_space<vmem>>, vector<16xi32>,
      tpu.vector_store_idx %arg17[%get3A_310], %broadcast_in_dim3A_15 {add = true} : memref<10240xf32, #tpu.memory_space<vmem>>[vector<16xi32>], vector<16xf32>,
      %swap3A_311 = arith.constant 112 : index
      %swap3A_312 = tpu.vector_load %arg14[%swap3A_311] {strides = array<i32>} : memref<128xi32, #tpu.memory_space<vmem>>, vector<16xi32>,
      tpu.vector_store %arg14[%swap3A_311], %get3A_310 {strides = array<i32>} : memref<128xi32, #tpu.memory_space<vmem>>, vector<16xi32>,
      %dma_wait3A_313 = arith.constant 0 : i32
      %dma_wait3A_314 = arith.constant 0 : i32
      %dma_wait3A_315 = tpu.memref_slice %arg2[%dma_wait3A_313, %dma_wait3A_314] : memref<10240x128xf32, #tpu.memory_space<hbm>> -> memref<10240x128xf32, #tpu.memory_space<hbm>>
      tpu.wait_indirect_dma semaphore(%arg22 : memref<!tpu.dma_semaphore, #tpu.memory_space<semaphore_mem>>) src(%dma_wait3A_315 : memref<10240x128xf32, #tpu.memory_space<hbm>>) dst(%arg16 : memref<128x128xf32, #tpu.memory_space<vmem>>)
      %dma_start3A_316 = arith.constant 0 : i32
      %dma_start3A_317 = arith.constant 0 : i32
      %dma_start3A_318 = tpu.memref_slice %arg18[%dma_start3A_316, %dma_start3A_317] : memref<10240x128xf32, #tpu.memory_space<vmem_shared>> -> memref<10240x128xf32, #tpu.memory_space<vmem_shared>>
      tpu.enqueue_indirect_dma source(%arg16 : memref<128x128xf32, #tpu.memory_space<vmem>>) target(%dma_start3A_318 : memref<10240x128xf32, #tpu.memory_space<vmem_shared>>) offsets(%arg14 : memref<128xi32, #tpu.memory_space<vmem>>) semaphore(%arg24 : memref<!tpu.dma_semaphore, #tpu.memory_space<semaphore_mem>>) {add = true}
      %add3A_319 = arith.constant 2 : i32
      %add3A_320 = arith.addi %add3A_258, %add3A_319 : i32
      %lt3A_321 = arith.constant 160 : i32
      %lt3A_322 = arith.cmpi slt, %add3A_320, %lt3A_321 : i32
      %convert_element_type3A_323 = arith.extui %lt3A_322 : i1 to i32
      %cond3A_324 = arith.constant 0 : i32
      %cond3A_325 = arith.cmpi ne, %convert_element_type3A_323, %cond3A_324 : i32
      scf.if %cond3A_325 {
        %add3A_326 = arith.constant 2 : i32
        %add3A_327 = arith.addi %add3A_258, %add3A_326 : i32
        %mul3A_328 = arith.constant 128 : i32
        %mul3A_329 = arith.muli %add3A_327, %mul3A_328 : i32
        %add3A_330 = arith.addi %mul3A_14, %mul3A_329 : i32
        %dma_start3A_331 = tpu.memref_slice %arg3[%arg0, %add3A_330] : memref<2x327680xi32, #tpu.memory_space<hbm>> -> memref<1x128xi32, #tpu.memory_space<hbm>>
        %dma_start3A_332 = tpu.memref_squeeze %dma_start3A_331 : memref<1x128xi32, #tpu.memory_space<hbm>> -> memref<128xi32, #tpu.memory_space<hbm>>
        %dma_start3A_333 = tpu.memref_slice %arg3[%arg0, %add3A_330] : memref<2x327680xi32, #tpu.memory_space<hbm>> -> memref<1x128xi32, #tpu.memory_space<hbm>>
        %dma_start3A_334 = tpu.memref_squeeze %dma_start3A_333 : memref<1x128xi32, #tpu.memory_space<hbm>> -> memref<128xi32, #tpu.memory_space<hbm>>
        tpu.enqueue_dma source(%dma_start3A_334 : memref<128xi32, #tpu.memory_space<hbm>>) target(%arg10 : memref<128xi32, #tpu.memory_space<vmem>>) target_semaphore(%arg20 : memref<!tpu.dma_semaphore, #tpu.memory_space<semaphore_mem>>)
        %dma_start3A_335 = tpu.memref_slice %arg4[%arg0, %add3A_330] : memref<2x327680xi32, #tpu.memory_space<hbm>> -> memref<1x128xi32, #tpu.memory_space<hbm>>
        %dma_start3A_336 = tpu.memref_squeeze %dma_start3A_335 : memref<1x128xi32, #tpu.memory_space<hbm>> -> memref<128xi32, #tpu.memory_space<hbm>>
        %dma_start3A_337 = tpu.memref_slice %arg4[%arg0, %add3A_330] : memref<2x327680xi32, #tpu.memory_space<hbm>> -> memref<1x128xi32, #tpu.memory_space<hbm>>
        %dma_start3A_338 = tpu.memref_squeeze %dma_start3A_337 : memref<1x128xi32, #tpu.memory_space<hbm>> -> memref<128xi32, #tpu.memory_space<hbm>>
        tpu.enqueue_dma source(%dma_start3A_338 : memref<128xi32, #tpu.memory_space<hbm>>) target(%arg12 : memref<128xi32, #tpu.memory_space<vmem>>) target_semaphore(%arg20 : memref<!tpu.dma_semaphore, #tpu.memory_space<semaphore_mem>>)
      } else {
      }
    }
    %scan3A_38 = arith.constant 80 : i32
    %dma_wait3A = arith.constant 0 : i32
    %dma_wait3A_39 = arith.constant 0 : i32
    %dma_wait3A_40 = tpu.memref_slice %arg18[%dma_wait3A, %dma_wait3A_39] : memref<10240x128xf32, #tpu.memory_space<vmem_shared>> -> memref<10240x128xf32, #tpu.memory_space<vmem_shared>>
    tpu.wait_indirect_dma semaphore(%arg23 : memref<!tpu.dma_semaphore, #tpu.memory_space<semaphore_mem>>) src(%arg15 : memref<128x128xf32, #tpu.memory_space<vmem>>) dst(%dma_wait3A_40 : memref<10240x128xf32, #tpu.memory_space<vmem_shared>>)
    %dma_wait3A_41 = arith.constant 0 : i32
    %dma_wait3A_42 = arith.constant 0 : i32
    %dma_wait3A_43 = tpu.memref_slice %arg18[%dma_wait3A_41, %dma_wait3A_42] : memref<10240x128xf32, #tpu.memory_space<vmem_shared>> -> memref<10240x128xf32, #tpu.memory_space<vmem_shared>>
    tpu.wait_indirect_dma semaphore(%arg24 : memref<!tpu.dma_semaphore, #tpu.memory_space<semaphore_mem>>) src(%arg16 : memref<128x128xf32, #tpu.memory_space<vmem>>) dst(%dma_wait3A_43 : memref<10240x128xf32, #tpu.memory_space<vmem_shared>>)
    %barrier3A_44 = arith.constant 0 : index
    tpu.barrier barrier_id(%barrier3A_44)
    %add3A_45 = arith.constant 0 : i32
    %add3A_46 = arith.addi %mul3A_2, %add3A_45 : i32
    %dma_start3A_47 = arith.constant 0 : i32
    %dma_start3A_48 = tpu.memref_slice %arg18[%add3A_46, %dma_start3A_47] : memref<10240x128xf32, #tpu.memory_space<vmem_shared>> -> memref<128x128xf32, #tpu.memory_space<vmem_shared>>
    %dma_start3A_49 = arith.constant 0 : i32
    %dma_start3A_50 = tpu.memref_slice %arg18[%add3A_46, %dma_start3A_49] : memref<10240x128xf32, #tpu.memory_space<vmem_shared>> -> memref<128x128xf32, #tpu.memory_space<vmem_shared>>
    tpu.enqueue_dma source(%dma_start3A_50 : memref<128x128xf32, #tpu.memory_space<vmem_shared>>) target(%arg15 : memref<128x128xf32, #tpu.memory_space<vmem>>) target_semaphore(%arg21 : memref<!tpu.dma_semaphore, #tpu.memory_space<semaphore_mem>>)
    %add3A_51 = arith.constant 0 : i32
    %add3A_52 = arith.addi %mul3A_2, %add3A_51 : i32
    %dma_wait3A_53 = arith.constant 0 : i32
    %dma_wait3A_54 = tpu.memref_slice %arg18[%add3A_52, %dma_wait3A_53] : memref<10240x128xf32, #tpu.memory_space<vmem_shared>> -> memref<128x128xf32, #tpu.memory_space<vmem_shared>>
    %dma_wait3A_55 = arith.constant 0 : i32
    %dma_wait3A_56 = tpu.memref_slice %arg18[%add3A_52, %dma_wait3A_55] : memref<10240x128xf32, #tpu.memory_space<vmem_shared>> -> memref<128x128xf32, #tpu.memory_space<vmem_shared>>
    tpu.wait_dma2 semaphore(%arg21 : memref<!tpu.dma_semaphore, #tpu.memory_space<semaphore_mem>>) src(%dma_wait3A_56 : memref<128x128xf32, #tpu.memory_space<vmem_shared>>) dst(%arg15 : memref<128x128xf32, #tpu.memory_space<vmem>>)
    %add3A_57 = arith.constant 128 : i32
    %add3A_58 = arith.addi %mul3A_2, %add3A_57 : i32
    %dma_start3A_59 = arith.constant 0 : i32
    %dma_start3A_60 = tpu.memref_slice %arg18[%add3A_58, %dma_start3A_59] : memref<10240x128xf32, #tpu.memory_space<vmem_shared>> -> memref<128x128xf32, #tpu.memory_space<vmem_shared>>
    %dma_start3A_61 = arith.constant 0 : i32
    %dma_start3A_62 = tpu.memref_slice %arg18[%add3A_58, %dma_start3A_61] : memref<10240x128xf32, #tpu.memory_space<vmem_shared>> -> memref<128x128xf32, #tpu.memory_space<vmem_shared>>
    tpu.enqueue_dma source(%dma_start3A_62 : memref<128x128xf32, #tpu.memory_space<vmem_shared>>) target(%arg16 : memref<128x128xf32, #tpu.memory_space<vmem>>) target_semaphore(%arg22 : memref<!tpu.dma_semaphore, #tpu.memory_space<semaphore_mem>>)
    %add3A_63 = arith.constant 0 : i32
    %add3A_64 = arith.addi %mul3A_2, %add3A_63 : i32
    %dma_start3A_65 = arith.constant 0 : i32
    %dma_start3A_66 = tpu.memref_slice %arg7[%arg0, %add3A_64, %dma_start3A_65] : memref<2x10240x128xf32, #tpu.memory_space<hbm>> -> memref<1x128x128xf32, #tpu.memory_space<hbm>>
    %dma_start3A_67 = tpu.memref_squeeze %dma_start3A_66 : memref<1x128x128xf32, #tpu.memory_space<hbm>> -> memref<128x128xf32, #tpu.memory_space<hbm>>
    %dma_start3A_68 = arith.constant 0 : i32
    %dma_start3A_69 = tpu.memref_slice %arg7[%arg0, %add3A_64, %dma_start3A_68] : memref<2x10240x128xf32, #tpu.memory_space<hbm>> -> memref<1x128x128xf32, #tpu.memory_space<hbm>>
    %dma_start3A_70 = tpu.memref_squeeze %dma_start3A_69 : memref<1x128x128xf32, #tpu.memory_space<hbm>> -> memref<128x128xf32, #tpu.memory_space<hbm>>
    tpu.enqueue_dma source(%arg15 : memref<128x128xf32, #tpu.memory_space<vmem>>) target(%dma_start3A_70 : memref<128x128xf32, #tpu.memory_space<hbm>>) target_semaphore(%arg23 : memref<!tpu.dma_semaphore, #tpu.memory_space<semaphore_mem>>)
    %add3A_71 = arith.constant 128 : i32
    %add3A_72 = arith.addi %mul3A_2, %add3A_71 : i32
    %dma_wait3A_73 = arith.constant 0 : i32
    %dma_wait3A_74 = tpu.memref_slice %arg18[%add3A_72, %dma_wait3A_73] : memref<10240x128xf32, #tpu.memory_space<vmem_shared>> -> memref<128x128xf32, #tpu.memory_space<vmem_shared>>
    %dma_wait3A_75 = arith.constant 0 : i32
    %dma_wait3A_76 = tpu.memref_slice %arg18[%add3A_72, %dma_wait3A_75] : memref<10240x128xf32, #tpu.memory_space<vmem_shared>> -> memref<128x128xf32, #tpu.memory_space<vmem_shared>>
    tpu.wait_dma2 semaphore(%arg22 : memref<!tpu.dma_semaphore, #tpu.memory_space<semaphore_mem>>) src(%dma_wait3A_76 : memref<128x128xf32, #tpu.memory_space<vmem_shared>>) dst(%arg16 : memref<128x128xf32, #tpu.memory_space<vmem>>)
    %add3A_77 = arith.constant 0 : i32
    %add3A_78 = arith.addi %mul3A_2, %add3A_77 : i32
    %dma_wait3A_79 = arith.constant 0 : i32
    %dma_wait3A_80 = tpu.memref_slice %arg7[%arg0, %add3A_78, %dma_wait3A_79] : memref<2x10240x128xf32, #tpu.memory_space<hbm>> -> memref<1x128x128xf32, #tpu.memory_space<hbm>>
    %dma_wait3A_81 = tpu.memref_squeeze %dma_wait3A_80 : memref<1x128x128xf32, #tpu.memory_space<hbm>> -> memref<128x128xf32, #tpu.memory_space<hbm>>
    %dma_wait3A_82 = arith.constant 0 : i32
    %dma_wait3A_83 = tpu.memref_slice %arg7[%arg0, %add3A_78, %dma_wait3A_82] : memref<2x10240x128xf32, #tpu.memory_space<hbm>> -> memref<1x128x128xf32, #tpu.memory_space<hbm>>
    %dma_wait3A_84 = tpu.memref_squeeze %dma_wait3A_83 : memref<1x128x128xf32, #tpu.memory_space<hbm>> -> memref<128x128xf32, #tpu.memory_space<hbm>>
    tpu.wait_dma2 semaphore(%arg23 : memref<!tpu.dma_semaphore, #tpu.memory_space<semaphore_mem>>) src(%arg15 : memref<128x128xf32, #tpu.memory_space<vmem>>) dst(%dma_wait3A_84 : memref<128x128xf32, #tpu.memory_space<hbm>>)
    %add3A_85 = arith.constant 256 : i32
    %add3A_86 = arith.addi %mul3A_2, %add3A_85 : i32
    %dma_start3A_87 = arith.constant 0 : i32
    %dma_start3A_88 = tpu.memref_slice %arg18[%add3A_86, %dma_start3A_87] : memref<10240x128xf32, #tpu.memory_space<vmem_shared>> -> memref<128x128xf32, #tpu.memory_space<vmem_shared>>
    %dma_start3A_89 = arith.constant 0 : i32
    %dma_start3A_90 = tpu.memref_slice %arg18[%add3A_86, %dma_start3A_89] : memref<10240x128xf32, #tpu.memory_space<vmem_shared>> -> memref<128x128xf32, #tpu.memory_space<vmem_shared>>
    tpu.enqueue_dma source(%dma_start3A_90 : memref<128x128xf32, #tpu.memory_space<vmem_shared>>) target(%arg15 : memref<128x128xf32, #tpu.memory_space<vmem>>) target_semaphore(%arg21 : memref<!tpu.dma_semaphore, #tpu.memory_space<semaphore_mem>>)
    %add3A_91 = arith.constant 128 : i32
    %add3A_92 = arith.addi %mul3A_2, %add3A_91 : i32
    %dma_start3A_93 = arith.constant 0 : i32
    %dma_start3A_94 = tpu.memref_slice %arg7[%arg0, %add3A_92, %dma_start3A_93] : memref<2x10240x128xf32, #tpu.memory_space<hbm>> -> memref<1x128x128xf32, #tpu.memory_space<hbm>>
    %dma_start3A_95 = tpu.memref_squeeze %dma_start3A_94 : memref<1x128x128xf32, #tpu.memory_space<hbm>> -> memref<128x128xf32, #tpu.memory_space<hbm>>
    %dma_start3A_96 = arith.constant 0 : i32
    %dma_start3A_97 = tpu.memref_slice %arg7[%arg0, %add3A_92, %dma_start3A_96] : memref<2x10240x128xf32, #tpu.memory_space<hbm>> -> memref<1x128x128xf32, #tpu.memory_space<hbm>>
    %dma_start3A_98 = tpu.memref_squeeze %dma_start3A_97 : memref<1x128x128xf32, #tpu.memory_space<hbm>> -> memref<128x128xf32, #tpu.memory_space<hbm>>
    tpu.enqueue_dma source(%arg16 : memref<128x128xf32, #tpu.memory_space<vmem>>) target(%dma_start3A_98 : memref<128x128xf32, #tpu.memory_space<hbm>>) target_semaphore(%arg24 : memref<!tpu.dma_semaphore, #tpu.memory_space<semaphore_mem>>)
    %add3A_99 = arith.constant 256 : i32
    %add3A_100 = arith.addi %mul3A_2, %add3A_99 : i32
    %dma_wait3A_101 = arith.constant 0 : i32
    %dma_wait3A_102 = tpu.memref_slice %arg18[%add3A_100, %dma_wait3A_101] : memref<10240x128xf32, #tpu.memory_space<vmem_shared>> -> memref<128x128xf32, #tpu.memory_space<vmem_shared>>
    %dma_wait3A_103 = arith.constant 0 : i32
    %dma_wait3A_104 = tpu.memref_slice %arg18[%add3A_100, %dma_wait3A_103] : memref<10240x128xf32, #tpu.memory_space<vmem_shared>> -> memref<128x128xf32, #tpu.memory_space<vmem_shared>>
    tpu.wait_dma2 semaphore(%arg21 : memref<!tpu.dma_semaphore, #tpu.memory_space<semaphore_mem>>) src(%dma_wait3A_104 : memref<128x128xf32, #tpu.memory_space<vmem_shared>>) dst(%arg15 : memref<128x128xf32, #tpu.memory_space<vmem>>)
    %add3A_105 = arith.constant 128 : i32
    %add3A_106 = arith.addi %mul3A_2, %add3A_105 : i32
    %dma_wait3A_107 = arith.constant 0 : i32
    %dma_wait3A_108 = tpu.memref_slice %arg7[%arg0, %add3A_106, %dma_wait3A_107] : memref<2x10240x128xf32, #tpu.memory_space<hbm>> -> memref<1x128x128xf32, #tpu.memory_space<hbm>>
    %dma_wait3A_109 = tpu.memref_squeeze %dma_wait3A_108 : memref<1x128x128xf32, #tpu.memory_space<hbm>> -> memref<128x128xf32, #tpu.memory_space<hbm>>
    %dma_wait3A_110 = arith.constant 0 : i32
    %dma_wait3A_111 = tpu.memref_slice %arg7[%arg0, %add3A_106, %dma_wait3A_110] : memref<2x10240x128xf32, #tpu.memory_space<hbm>> -> memref<1x128x128xf32, #tpu.memory_space<hbm>>
    %dma_wait3A_112 = tpu.memref_squeeze %dma_wait3A_111 : memref<1x128x128xf32, #tpu.memory_space<hbm>> -> memref<128x128xf32, #tpu.memory_space<hbm>>
    tpu.wait_dma2 semaphore(%arg24 : memref<!tpu.dma_semaphore, #tpu.memory_space<semaphore_mem>>) src(%arg16 : memref<128x128xf32, #tpu.memory_space<vmem>>) dst(%dma_wait3A_112 : memref<128x128xf32, #tpu.memory_space<hbm>>)
    %add3A_113 = arith.constant 384 : i32
    %add3A_114 = arith.addi %mul3A_2, %add3A_113 : i32
    %dma_start3A_115 = arith.constant 0 : i32
    %dma_start3A_116 = tpu.memref_slice %arg18[%add3A_114, %dma_start3A_115] : memref<10240x128xf32, #tpu.memory_space<vmem_shared>> -> memref<128x128xf32, #tpu.memory_space<vmem_shared>>
    %dma_start3A_117 = arith.constant 0 : i32
    %dma_start3A_118 = tpu.memref_slice %arg18[%add3A_114, %dma_start3A_117] : memref<10240x128xf32, #tpu.memory_space<vmem_shared>> -> memref<128x128xf32, #tpu.memory_space<vmem_shared>>
    tpu.enqueue_dma source(%dma_start3A_118 : memref<128x128xf32, #tpu.memory_space<vmem_shared>>) target(%arg16 : memref<128x128xf32, #tpu.memory_space<vmem>>) target_semaphore(%arg22 : memref<!tpu.dma_semaphore, #tpu.memory_space<semaphore_mem>>)
    %add3A_119 = arith.constant 256 : i32
    %add3A_120 = arith.addi %mul3A_2, %add3A_119 : i32
    %dma_start3A_121 = arith.constant 0 : i32
    %dma_start3A_122 = tpu.memref_slice %arg7[%arg0, %add3A_120, %dma_start3A_121] : memref<2x10240x128xf32, #tpu.memory_space<hbm>> -> memref<1x128x128xf32, #tpu.memory_space<hbm>>
    %dma_start3A_123 = tpu.memref_squeeze %dma_start3A_122 : memref<1x128x128xf32, #tpu.memory_space<hbm>> -> memref<128x128xf32, #tpu.memory_space<hbm>>
    %dma_start3A_124 = arith.constant 0 : i32
    %dma_start3A_125 = tpu.memref_slice %arg7[%arg0, %add3A_120, %dma_start3A_124] : memref<2x10240x128xf32, #tpu.memory_space<hbm>> -> memref<1x128x128xf32, #tpu.memory_space<hbm>>
    %dma_start3A_126 = tpu.memref_squeeze %dma_start3A_125 : memref<1x128x128xf32, #tpu.memory_space<hbm>> -> memref<128x128xf32, #tpu.memory_space<hbm>>
    tpu.enqueue_dma source(%arg15 : memref<128x128xf32, #tpu.memory_space<vmem>>) target(%dma_start3A_126 : memref<128x128xf32, #tpu.memory_space<hbm>>) target_semaphore(%arg23 : memref<!tpu.dma_semaphore, #tpu.memory_space<semaphore_mem>>)
    %add3A_127 = arith.constant 384 : i32
    %add3A_128 = arith.addi %mul3A_2, %add3A_127 : i32
    %dma_wait3A_129 = arith.constant 0 : i32
    %dma_wait3A_130 = tpu.memref_slice %arg18[%add3A_128, %dma_wait3A_129] : memref<10240x128xf32, #tpu.memory_space<vmem_shared>> -> memref<128x128xf32, #tpu.memory_space<vmem_shared>>
    %dma_wait3A_131 = arith.constant 0 : i32
    %dma_wait3A_132 = tpu.memref_slice %arg18[%add3A_128, %dma_wait3A_131] : memref<10240x128xf32, #tpu.memory_space<vmem_shared>> -> memref<128x128xf32, #tpu.memory_space<vmem_shared>>
    tpu.wait_dma2 semaphore(%arg22 : memref<!tpu.dma_semaphore, #tpu.memory_space<semaphore_mem>>) src(%dma_wait3A_132 : memref<128x128xf32, #tpu.memory_space<vmem_shared>>) dst(%arg16 : memref<128x128xf32, #tpu.memory_space<vmem>>)
    %add3A_133 = arith.constant 256 : i32
    %add3A_134 = arith.addi %mul3A_2, %add3A_133 : i32
    %dma_wait3A_135 = arith.constant 0 : i32
    %dma_wait3A_136 = tpu.memref_slice %arg7[%arg0, %add3A_134, %dma_wait3A_135] : memref<2x10240x128xf32, #tpu.memory_space<hbm>> -> memref<1x128x128xf32, #tpu.memory_space<hbm>>
    %dma_wait3A_137 = tpu.memref_squeeze %dma_wait3A_136 : memref<1x128x128xf32, #tpu.memory_space<hbm>> -> memref<128x128xf32, #tpu.memory_space<hbm>>
    %dma_wait3A_138 = arith.constant 0 : i32
    %dma_wait3A_139 = tpu.memref_slice %arg7[%arg0, %add3A_134, %dma_wait3A_138] : memref<2x10240x128xf32, #tpu.memory_space<hbm>> -> memref<1x128x128xf32, #tpu.memory_space<hbm>>
    %dma_wait3A_140 = tpu.memref_squeeze %dma_wait3A_139 : memref<1x128x128xf32, #tpu.memory_space<hbm>> -> memref<128x128xf32, #tpu.memory_space<hbm>>
    tpu.wait_dma2 semaphore(%arg23 : memref<!tpu.dma_semaphore, #tpu.memory_space<semaphore_mem>>) src(%arg15 : memref<128x128xf32, #tpu.memory_space<vmem>>) dst(%dma_wait3A_140 : memref<128x128xf32, #tpu.memory_space<hbm>>)
    %add3A_141 = arith.constant 512 : i32
    %add3A_142 = arith.addi %mul3A_2, %add3A_141 : i32
    %dma_start3A_143 = arith.constant 0 : i32
    %dma_start3A_144 = tpu.memref_slice %arg18[%add3A_142, %dma_start3A_143] : memref<10240x128xf32, #tpu.memory_space<vmem_shared>> -> memref<128x128xf32, #tpu.memory_space<vmem_shared>>
    %dma_start3A_145 = arith.constant 0 : i32
    %dma_start3A_146 = tpu.memref_slice %arg18[%add3A_142, %dma_start3A_145] : memref<10240x128xf32, #tpu.memory_space<vmem_shared>> -> memref<128x128xf32, #tpu.memory_space<vmem_shared>>
    tpu.enqueue_dma source(%dma_start3A_146 : memref<128x128xf32, #tpu.memory_space<vmem_shared>>) target(%arg15 : memref<128x128xf32, #tpu.memory_space<vmem>>) target_semaphore(%arg21 : memref<!tpu.dma_semaphore, #tpu.memory_space<semaphore_mem>>)
    %add3A_147 = arith.constant 384 : i32
    %add3A_148 = arith.addi %mul3A_2, %add3A_147 : i32
    %dma_start3A_149 = arith.constant 0 : i32
    %dma_start3A_150 = tpu.memref_slice %arg7[%arg0, %add3A_148, %dma_start3A_149] : memref<2x10240x128xf32, #tpu.memory_space<hbm>> -> memref<1x128x128xf32, #tpu.memory_space<hbm>>
    %dma_start3A_151 = tpu.memref_squeeze %dma_start3A_150 : memref<1x128x128xf32, #tpu.memory_space<hbm>> -> memref<128x128xf32, #tpu.memory_space<hbm>>
    %dma_start3A_152 = arith.constant 0 : i32
    %dma_start3A_153 = tpu.memref_slice %arg7[%arg0, %add3A_148, %dma_start3A_152] : memref<2x10240x128xf32, #tpu.memory_space<hbm>> -> memref<1x128x128xf32, #tpu.memory_space<hbm>>
    %dma_start3A_154 = tpu.memref_squeeze %dma_start3A_153 : memref<1x128x128xf32, #tpu.memory_space<hbm>> -> memref<128x128xf32, #tpu.memory_space<hbm>>
    tpu.enqueue_dma source(%arg16 : memref<128x128xf32, #tpu.memory_space<vmem>>) target(%dma_start3A_154 : memref<128x128xf32, #tpu.memory_space<hbm>>) target_semaphore(%arg24 : memref<!tpu.dma_semaphore, #tpu.memory_space<semaphore_mem>>)
    %add3A_155 = arith.constant 512 : i32
    %add3A_156 = arith.addi %mul3A_2, %add3A_155 : i32
    %dma_wait3A_157 = arith.constant 0 : i32
    %dma_wait3A_158 = tpu.memref_slice %arg18[%add3A_156, %dma_wait3A_157] : memref<10240x128xf32, #tpu.memory_space<vmem_shared>> -> memref<128x128xf32, #tpu.memory_space<vmem_shared>>
    %dma_wait3A_159 = arith.constant 0 : i32
    %dma_wait3A_160 = tpu.memref_slice %arg18[%add3A_156, %dma_wait3A_159] : memref<10240x128xf32, #tpu.memory_space<vmem_shared>> -> memref<128x128xf32, #tpu.memory_space<vmem_shared>>
    tpu.wait_dma2 semaphore(%arg21 : memref<!tpu.dma_semaphore, #tpu.memory_space<semaphore_mem>>) src(%dma_wait3A_160 : memref<128x128xf32, #tpu.memory_space<vmem_shared>>) dst(%arg15 : memref<128x128xf32, #tpu.memory_space<vmem>>)
    %add3A_161 = arith.constant 384 : i32
    %add3A_162 = arith.addi %mul3A_2, %add3A_161 : i32
    %dma_wait3A_163 = arith.constant 0 : i32
    %dma_wait3A_164 = tpu.memref_slice %arg7[%arg0, %add3A_162, %dma_wait3A_163] : memref<2x10240x128xf32, #tpu.memory_space<hbm>> -> memref<1x128x128xf32, #tpu.memory_space<hbm>>
    %dma_wait3A_165 = tpu.memref_squeeze %dma_wait3A_164 : memref<1x128x128xf32, #tpu.memory_space<hbm>> -> memref<128x128xf32, #tpu.memory_space<hbm>>
    %dma_wait3A_166 = arith.constant 0 : i32
    %dma_wait3A_167 = tpu.memref_slice %arg7[%arg0, %add3A_162, %dma_wait3A_166] : memref<2x10240x128xf32, #tpu.memory_space<hbm>> -> memref<1x128x128xf32, #tpu.memory_space<hbm>>
    %dma_wait3A_168 = tpu.memref_squeeze %dma_wait3A_167 : memref<1x128x128xf32, #tpu.memory_space<hbm>> -> memref<128x128xf32, #tpu.memory_space<hbm>>
    tpu.wait_dma2 semaphore(%arg24 : memref<!tpu.dma_semaphore, #tpu.memory_space<semaphore_mem>>) src(%arg16 : memref<128x128xf32, #tpu.memory_space<vmem>>) dst(%dma_wait3A_168 : memref<128x128xf32, #tpu.memory_space<hbm>>)
    %add3A_169 = arith.constant 512 : i32
    %add3A_170 = arith.addi %mul3A_2, %add3A_169 : i32
    %dma_start3A_171 = arith.constant 0 : i32
    %dma_start3A_172 = tpu.memref_slice %arg7[%arg0, %add3A_170, %dma_start3A_171] : memref<2x10240x128xf32, #tpu.memory_space<hbm>> -> memref<1x128x128xf32, #tpu.memory_space<hbm>>
    %dma_start3A_173 = tpu.memref_squeeze %dma_start3A_172 : memref<1x128x128xf32, #tpu.memory_space<hbm>> -> memref<128x128xf32, #tpu.memory_space<hbm>>
    %dma_start3A_174 = arith.constant 0 : i32
    %dma_start3A_175 = tpu.memref_slice %arg7[%arg0, %add3A_170, %dma_start3A_174] : memref<2x10240x128xf32, #tpu.memory_space<hbm>> -> memref<1x128x128xf32, #tpu.memory_space<hbm>>
    %dma_start3A_176 = tpu.memref_squeeze %dma_start3A_175 : memref<1x128x128xf32, #tpu.memory_space<hbm>> -> memref<128x128xf32, #tpu.memory_space<hbm>>
    tpu.enqueue_dma source(%arg15 : memref<128x128xf32, #tpu.memory_space<vmem>>) target(%dma_start3A_176 : memref<128x128xf32, #tpu.memory_space<hbm>>) target_semaphore(%arg23 : memref<!tpu.dma_semaphore, #tpu.memory_space<semaphore_mem>>)
    %add3A_177 = arith.constant 512 : i32
    %add3A_178 = arith.addi %mul3A_2, %add3A_177 : i32
    %dma_wait3A_179 = arith.constant 0 : i32
    %dma_wait3A_180 = tpu.memref_slice %arg7[%arg0, %add3A_178, %dma_wait3A_179] : memref<2x10240x128xf32, #tpu.memory_space<hbm>> -> memref<1x128x128xf32, #tpu.memory_space<hbm>>
    %dma_wait3A_181 = tpu.memref_squeeze %dma_wait3A_180 : memref<1x128x128xf32, #tpu.memory_space<hbm>> -> memref<128x128xf32, #tpu.memory_space<hbm>>
    %dma_wait3A_182 = arith.constant 0 : i32
    %dma_wait3A_183 = tpu.memref_slice %arg7[%arg0, %add3A_178, %dma_wait3A_182] : memref<2x10240x128xf32, #tpu.memory_space<hbm>> -> memref<1x128x128xf32, #tpu.memory_space<hbm>>
    %dma_wait3A_184 = tpu.memref_squeeze %dma_wait3A_183 : memref<1x128x128xf32, #tpu.memory_space<hbm>> -> memref<128x128xf32, #tpu.memory_space<hbm>>
    tpu.wait_dma2 semaphore(%arg23 : memref<!tpu.dma_semaphore, #tpu.memory_space<semaphore_mem>>) src(%arg15 : memref<128x128xf32, #tpu.memory_space<vmem>>) dst(%dma_wait3A_184 : memref<128x128xf32, #tpu.memory_space<hbm>>)
    "tpu.region"() ({
      %run_scoped3A = tpu.sem_alloc : memref<!tpu.dma_semaphore, #tpu.memory_space<semaphore_mem>>
      %dma_start3A_185 = arith.constant 0 : i32
      %dma_start3A_186 = tpu.memref_slice %arg8[%add3A, %dma_start3A_185] : memref<32x10240xf32, #tpu.memory_space<hbm>> -> memref<1x10240xf32, #tpu.memory_space<hbm>>
      %dma_start3A_187 = tpu.memref_squeeze %dma_start3A_186 : memref<1x10240xf32, #tpu.memory_space<hbm>> -> memref<10240xf32, #tpu.memory_space<hbm>>
      %dma_start3A_188 = arith.constant 0 : i32
      %dma_start3A_189 = tpu.memref_slice %arg8[%add3A, %dma_start3A_188] : memref<32x10240xf32, #tpu.memory_space<hbm>> -> memref<1x10240xf32, #tpu.memory_space<hbm>>
      %dma_start3A_190 = tpu.memref_squeeze %dma_start3A_189 : memref<1x10240xf32, #tpu.memory_space<hbm>> -> memref<10240xf32, #tpu.memory_space<hbm>>
      tpu.enqueue_dma source(%arg17 : memref<10240xf32, #tpu.memory_space<vmem>>) target(%dma_start3A_190 : memref<10240xf32, #tpu.memory_space<hbm>>) target_semaphore(%run_scoped3A : memref<!tpu.dma_semaphore, #tpu.memory_space<semaphore_mem>>)
      %dma_wait3A_191 = arith.constant 0 : i32
      %dma_wait3A_192 = tpu.memref_slice %arg8[%add3A, %dma_wait3A_191] : memref<32x10240xf32, #tpu.memory_space<hbm>> -> memref<1x10240xf32, #tpu.memory_space<hbm>>
      %dma_wait3A_193 = tpu.memref_squeeze %dma_wait3A_192 : memref<1x10240xf32, #tpu.memory_space<hbm>> -> memref<10240xf32, #tpu.memory_space<hbm>>
      %dma_wait3A_194 = arith.constant 0 : i32
      %dma_wait3A_195 = tpu.memref_slice %arg8[%add3A, %dma_wait3A_194] : memref<32x10240xf32, #tpu.memory_space<hbm>> -> memref<1x10240xf32, #tpu.memory_space<hbm>>
      %dma_wait3A_196 = tpu.memref_squeeze %dma_wait3A_195 : memref<1x10240xf32, #tpu.memory_space<hbm>> -> memref<10240xf32, #tpu.memory_space<hbm>>
      tpu.wait_dma2 semaphore(%run_scoped3A : memref<!tpu.dma_semaphore, #tpu.memory_space<semaphore_mem>>) src(%arg17 : memref<10240xf32, #tpu.memory_space<vmem>>) dst(%dma_wait3A_196 : memref<10240xf32, #tpu.memory_space<hbm>>)
      tpu.yield
    }) : () -> ()
    return
  }
}

module attributes {stable_mosaic.version = 14 : i64} {
  func.func @_dense1_body(%arg0: i32, %arg1: memref<1280x128xf32, #tpu.memory_space<vmem>>, %arg2: memref<2x1280x128xf32, #tpu.memory_space<vmem>>, %arg3: memref<32x1280xf32, #tpu.memory_space<vmem>>, %arg4: memref<128x128xf32, #tpu.memory_space<vmem>>, %arg5: memref<128x128xf32, #tpu.memory_space<vmem>>, %arg6: memref<1x128xf32, #tpu.memory_space<vmem>>, %arg7: memref<128x32xf32, #tpu.memory_space<vmem>>, %arg8: memref<1x32xf32, #tpu.memory_space<vmem>>, %arg9: memref<32x1xf32, #tpu.memory_space<vmem>>, %arg10: memref<1x1xf32, #tpu.memory_space<vmem>>, %arg11: memref<1280x128xf32, #tpu.memory_space<vmem>>, %arg12: memref<1280x128xf32, #tpu.memory_space<vmem>>) attributes {dimension_semantics = [#tpu.dimension_semantics<arbitrary>], iteration_bounds = array<i64: 8>, scalar_prefetch = 0 : i64, scratch_operands = 0 : i64, tpu.core_type = #tpu.core_type<tc>, window_params = [{transform_indices = @transform_0, window_bounds = array<i64: 1280, 128>}, {transform_indices = @transform_1, window_bounds = array<i64: 2, 1280, 128>}, {transform_indices = @transform_2, window_bounds = array<i64: 32, 1280>}, {pipeline_mode = #tpu.pipeline_mode<synchronous>, transform_indices = @transform_3, window_bounds = array<i64: 128, 128>}, {pipeline_mode = #tpu.pipeline_mode<synchronous>, transform_indices = @transform_4, window_bounds = array<i64: 128, 128>}, {pipeline_mode = #tpu.pipeline_mode<synchronous>, transform_indices = @transform_5, window_bounds = array<i64: 1, 128>}, {pipeline_mode = #tpu.pipeline_mode<synchronous>, transform_indices = @transform_6, window_bounds = array<i64: 128, 32>}, {pipeline_mode = #tpu.pipeline_mode<synchronous>, transform_indices = @transform_7, window_bounds = array<i64: 1, 32>}, {pipeline_mode = #tpu.pipeline_mode<synchronous>, transform_indices = @transform_8, window_bounds = array<i64: 32, 1>}, {pipeline_mode = #tpu.pipeline_mode<synchronous>, transform_indices = @transform_9, window_bounds = array<i64: 1, 1>}, {transform_indices = @transform_10, window_bounds = array<i64: 1280, 128>}, {transform_indices = @transform_11, window_bounds = array<i64: 1280, 128>}]} {
    %get3A = arith.constant 0 : index
    %get3A_0 = arith.constant 0 : index
    %get3A_1 = arith.constant 0 : index
    %get3A_2 = vector.load %arg2[%get3A, %get3A_0, %get3A_1] : memref<2x1280x128xf32, #tpu.memory_space<vmem>>, vector<1x1280x128xf32>
    %get3A_3 = vector.shape_cast %get3A_2 : vector<1x1280x128xf32> to vector<1280x128xf32>
    %get3A_4 = arith.constant 1 : index
    %get3A_5 = arith.constant 0 : index
    %get3A_6 = arith.constant 0 : index
    %get3A_7 = vector.load %arg2[%get3A_4, %get3A_5, %get3A_6] : memref<2x1280x128xf32, #tpu.memory_space<vmem>>, vector<1x1280x128xf32>
    %get3A_8 = vector.shape_cast %get3A_7 : vector<1x1280x128xf32> to vector<1280x128xf32>
    %add3A = arith.addf %get3A_3, %get3A_8 : vector<1280x128xf32>
    %get3A_9 = arith.constant 0 : index
    %get3A_10 = arith.constant 0 : index
    %get3A_11 = vector.load %arg3[%get3A_9, %get3A_10] : memref<32x1280xf32, #tpu.memory_space<vmem>>, vector<32x1280xf32>
    %reduce_sum3A = arith.constant dense<0.000000e+00> : vector<1280xf32>
    %reduce_sum3A_12 = vector.multi_reduction <add>, %get3A_11, %reduce_sum3A [0] : vector<32x1280xf32> to vector<1280xf32>
    %broadcast_in_dim3A = vector.shape_cast %reduce_sum3A_12 : vector<1280xf32> to vector<1280x1xf32>
    %max3A = arith.constant 1.000000e+00 : f32
    %max3A_13 = vector.broadcast %max3A : f32 to vector<1280x1xf32>
    %max3A_14 = arith.maximumf %broadcast_in_dim3A, %max3A_13 : vector<1280x1xf32>
    %div3A = vector.broadcast %max3A_14 : vector<1280x1xf32> to vector<1280x128xf32>
    %div3A_15 = arith.divf %add3A, %div3A : vector<1280x128xf32>
    %get3A_16 = arith.constant 0 : index
    %get3A_17 = arith.constant 0 : index
    %get3A_18 = vector.load %arg5[%get3A_16, %get3A_17] : memref<128x128xf32, #tpu.memory_space<vmem>>, vector<128x128xf32>
    %dot_general3A = arith.constant dense<0.000000e+00> : vector<1280x128xf32>
    %dot_general3A_19 = tpu.matmul %div3A_15, %get3A_18, %dot_general3A {dimension_numbers = #tpu.dot_dimension_numbers<[1], [0], [0], [1], [0, 0, 1, 1], [], []>, transpose_lhs_hint = false} : vector<1280x128xf32>, vector<128x128xf32>, vector<1280x128xf32> -> vector<1280x128xf32>
    %get3A_20 = arith.constant 0 : index
    %get3A_21 = arith.constant 0 : index
    %get3A_22 = vector.load %arg1[%get3A_20, %get3A_21] : memref<1280x128xf32, #tpu.memory_space<vmem>>, vector<1280x128xf32>
    %get3A_23 = arith.constant 0 : index
    %get3A_24 = arith.constant 0 : index
    %get3A_25 = vector.load %arg4[%get3A_23, %get3A_24] : memref<128x128xf32, #tpu.memory_space<vmem>>, vector<128x128xf32>
    %dot_general3A_26 = arith.constant dense<0.000000e+00> : vector<1280x128xf32>
    %dot_general3A_27 = tpu.matmul %get3A_22, %get3A_25, %dot_general3A_26 {dimension_numbers = #tpu.dot_dimension_numbers<[1], [0], [0], [1], [0, 0, 1, 1], [], []>, transpose_lhs_hint = false} : vector<1280x128xf32>, vector<128x128xf32>, vector<1280x128xf32> -> vector<1280x128xf32>
    %add3A_28 = arith.addf %dot_general3A_27, %dot_general3A_19 : vector<1280x128xf32>
    %get3A_29 = arith.constant 0 : index
    %get3A_30 = arith.constant 0 : index
    %get3A_31 = vector.load %arg6[%get3A_29, %get3A_30] : memref<1x128xf32, #tpu.memory_space<vmem>>, vector<1x128xf32>
    %add3A_32 = vector.broadcast %get3A_31 : vector<1x128xf32> to vector<1280x128xf32>
    %add3A_33 = arith.addf %add3A_28, %add3A_32 : vector<1280x128xf32>
    %max3A_34 = arith.constant 0.000000e+00 : f32
    %max3A_35 = vector.broadcast %max3A_34 : f32 to vector<1280x128xf32>
    %max3A_36 = arith.maximumf %add3A_33, %max3A_35 : vector<1280x128xf32>
    %get3A_37 = arith.constant 0 : index
    %get3A_38 = arith.constant 0 : index
    %get3A_39 = vector.load %arg7[%get3A_37, %get3A_38] : memref<128x32xf32, #tpu.memory_space<vmem>>, vector<128x32xf32>
    %dot_general3A_40 = arith.constant dense<0.000000e+00> : vector<1280x32xf32>
    %dot_general3A_41 = tpu.matmul %max3A_36, %get3A_39, %dot_general3A_40 {dimension_numbers = #tpu.dot_dimension_numbers<[1], [0], [0], [1], [0, 0, 1, 1], [], []>, transpose_lhs_hint = false} : vector<1280x128xf32>, vector<128x32xf32>, vector<1280x32xf32> -> vector<1280x32xf32>
    %get3A_42 = arith.constant 0 : index
    %get3A_43 = arith.constant 0 : index
    %get3A_44 = vector.load %arg8[%get3A_42, %get3A_43] : memref<1x32xf32, #tpu.memory_space<vmem>>, vector<1x32xf32>
    %add3A_45 = vector.broadcast %get3A_44 : vector<1x32xf32> to vector<1280x32xf32>
    %add3A_46 = arith.addf %dot_general3A_41, %add3A_45 : vector<1280x32xf32>
    %max3A_47 = arith.constant 0.000000e+00 : f32
    %max3A_48 = vector.broadcast %max3A_47 : f32 to vector<1280x32xf32>
    %max3A_49 = arith.maximumf %add3A_46, %max3A_48 : vector<1280x32xf32>
    %get3A_50 = arith.constant 0 : index
    %get3A_51 = arith.constant 0 : index
    %get3A_52 = vector.load %arg9[%get3A_50, %get3A_51] : memref<32x1xf32, #tpu.memory_space<vmem>>, vector<32x1xf32>
    %dot_general3A_53 = arith.constant dense<0.000000e+00> : vector<1280x1xf32>
    %dot_general3A_54 = tpu.matmul %max3A_49, %get3A_52, %dot_general3A_53 {dimension_numbers = #tpu.dot_dimension_numbers<[1], [0], [0], [1], [0, 0, 1, 1], [], []>, transpose_lhs_hint = false} : vector<1280x32xf32>, vector<32x1xf32>, vector<1280x1xf32> -> vector<1280x1xf32>
    %get3A_55 = arith.constant 0 : index
    %get3A_56 = arith.constant 0 : index
    %get3A_57 = vector.load %arg10[%get3A_55, %get3A_56] : memref<1x1xf32, #tpu.memory_space<vmem>>, vector<1x1xf32>
    %add3A_58 = vector.broadcast %get3A_57 : vector<1x1xf32> to vector<1280x1xf32>
    %add3A_59 = arith.addf %dot_general3A_54, %add3A_58 : vector<1280x1xf32>
    %logistic3A = arith.negf %add3A_59 : vector<1280x1xf32>
    %logistic3A_60 = math.exp %logistic3A : vector<1280x1xf32>
    %logistic3A_61 = arith.constant 1.000000e+00 : f32
    %logistic3A_62 = vector.broadcast %logistic3A_61 : f32 to vector<1280x1xf32>
    %logistic3A_63 = arith.addf %logistic3A_62, %logistic3A_60 : vector<1280x1xf32>
    %logistic3A_64 = arith.divf %logistic3A_62, %logistic3A_63 : vector<1280x1xf32>
    %swap3A = arith.constant 0 : index
    %swap3A_65 = arith.constant 0 : index
    %swap3A_66 = vector.load %arg11[%swap3A, %swap3A_65] : memref<1280x128xf32, #tpu.memory_space<vmem>>, vector<1280x128xf32>
    tpu.vector_store %arg11[%swap3A, %swap3A_65], %max3A_36 {strides = array<i32>} : memref<1280x128xf32, #tpu.memory_space<vmem>>, vector<1280x128xf32>,
    %mul3A = vector.broadcast %logistic3A_64 : vector<1280x1xf32> to vector<1280x128xf32>
    %mul3A_67 = arith.mulf %mul3A, %max3A_36 : vector<1280x128xf32>
    %swap3A_68 = arith.constant 0 : index
    %swap3A_69 = arith.constant 0 : index
    %swap3A_70 = vector.load %arg12[%swap3A_68, %swap3A_69] : memref<1280x128xf32, #tpu.memory_space<vmem>>, vector<1280x128xf32>
    tpu.vector_store %arg12[%swap3A_68, %swap3A_69], %mul3A_67 {strides = array<i32>} : memref<1280x128xf32, #tpu.memory_space<vmem>>, vector<1280x128xf32>,
    return
  }
  func.func @transform_0(%arg0: i32) -> (i32, i32) {
    %c0_i32 = arith.constant 0 : i32
    %c0_i32_0 = arith.constant 0 : i32
    return %arg0, %c0_i32 : i32, i32
  }
  func.func @transform_1(%arg0: i32) -> (i32, i32, i32) {
    %c0_i32 = arith.constant 0 : i32
    %c0_i32_0 = arith.constant 0 : i32
    %c0_i32_1 = arith.constant 0 : i32
    return %c0_i32, %arg0, %c0_i32_0 : i32, i32, i32
  }
  func.func @transform_2(%arg0: i32) -> (i32, i32) {
    %c0_i32 = arith.constant 0 : i32
    %c0_i32_0 = arith.constant 0 : i32
    return %c0_i32, %arg0 : i32, i32
  }
  func.func @transform_3(%arg0: i32) -> (i32, i32) {
    %c0_i32 = arith.constant 0 : i32
    %c0_i32_0 = arith.constant 0 : i32
    %c0_i32_1 = arith.constant 0 : i32
    return %c0_i32, %c0_i32_0 : i32, i32
  }
  func.func @transform_4(%arg0: i32) -> (i32, i32) {
    %c0_i32 = arith.constant 0 : i32
    %c0_i32_0 = arith.constant 0 : i32
    %c0_i32_1 = arith.constant 0 : i32
    return %c0_i32, %c0_i32_0 : i32, i32
  }
  func.func @transform_5(%arg0: i32) -> (i32, i32) {
    %c0_i32 = arith.constant 0 : i32
    %c0_i32_0 = arith.constant 0 : i32
    %c0_i32_1 = arith.constant 0 : i32
    return %c0_i32, %c0_i32_0 : i32, i32
  }
  func.func @transform_6(%arg0: i32) -> (i32, i32) {
    %c0_i32 = arith.constant 0 : i32
    %c0_i32_0 = arith.constant 0 : i32
    %c0_i32_1 = arith.constant 0 : i32
    return %c0_i32, %c0_i32_0 : i32, i32
  }
  func.func @transform_7(%arg0: i32) -> (i32, i32) {
    %c0_i32 = arith.constant 0 : i32
    %c0_i32_0 = arith.constant 0 : i32
    %c0_i32_1 = arith.constant 0 : i32
    return %c0_i32, %c0_i32_0 : i32, i32
  }
  func.func @transform_8(%arg0: i32) -> (i32, i32) {
    %c0_i32 = arith.constant 0 : i32
    %c0_i32_0 = arith.constant 0 : i32
    %c0_i32_1 = arith.constant 0 : i32
    return %c0_i32, %c0_i32_0 : i32, i32
  }
  func.func @transform_9(%arg0: i32) -> (i32, i32) {
    %c0_i32 = arith.constant 0 : i32
    %c0_i32_0 = arith.constant 0 : i32
    %c0_i32_1 = arith.constant 0 : i32
    return %c0_i32, %c0_i32_0 : i32, i32
  }
  func.func @transform_10(%arg0: i32) -> (i32, i32) {
    %c0_i32 = arith.constant 0 : i32
    %c0_i32_0 = arith.constant 0 : i32
    return %arg0, %c0_i32 : i32, i32
  }
  func.func @transform_11(%arg0: i32) -> (i32, i32) {
    %c0_i32 = arith.constant 0 : i32
    %c0_i32_0 = arith.constant 0 : i32
    return %arg0, %c0_i32 : i32, i32
  }
}

module attributes {stable_mosaic.version = 14 : i64} {
  func.func @_dense2_body(%arg0: i32, %arg1: memref<1280x128xf32, #tpu.memory_space<vmem>>, %arg2: memref<2x1280x128xf32, #tpu.memory_space<vmem>>, %arg3: memref<32x1280xf32, #tpu.memory_space<vmem>>, %arg4: memref<128x128xf32, #tpu.memory_space<vmem>>, %arg5: memref<128x128xf32, #tpu.memory_space<vmem>>, %arg6: memref<1x128xf32, #tpu.memory_space<vmem>>, %arg7: memref<128x40xf32, #tpu.memory_space<vmem>>, %arg8: memref<128x40xf32, #tpu.memory_space<vmem>>, %arg9: memref<1x40xf32, #tpu.memory_space<vmem>>, %arg10: memref<1280x40xf32, #tpu.memory_space<vmem>>) attributes {dimension_semantics = [#tpu.dimension_semantics<arbitrary>], iteration_bounds = array<i64: 8>, scalar_prefetch = 0 : i64, scratch_operands = 0 : i64, tpu.core_type = #tpu.core_type<tc>, window_params = [{transform_indices = @transform_0, window_bounds = array<i64: 1280, 128>}, {transform_indices = @transform_1, window_bounds = array<i64: 2, 1280, 128>}, {transform_indices = @transform_2, window_bounds = array<i64: 32, 1280>}, {pipeline_mode = #tpu.pipeline_mode<synchronous>, transform_indices = @transform_3, window_bounds = array<i64: 128, 128>}, {pipeline_mode = #tpu.pipeline_mode<synchronous>, transform_indices = @transform_4, window_bounds = array<i64: 128, 128>}, {pipeline_mode = #tpu.pipeline_mode<synchronous>, transform_indices = @transform_5, window_bounds = array<i64: 1, 128>}, {pipeline_mode = #tpu.pipeline_mode<synchronous>, transform_indices = @transform_6, window_bounds = array<i64: 128, 40>}, {pipeline_mode = #tpu.pipeline_mode<synchronous>, transform_indices = @transform_7, window_bounds = array<i64: 128, 40>}, {pipeline_mode = #tpu.pipeline_mode<synchronous>, transform_indices = @transform_8, window_bounds = array<i64: 1, 40>}, {transform_indices = @transform_9, window_bounds = array<i64: 1280, 40>}]} {
    %get3A = arith.constant 0 : index
    %get3A_0 = arith.constant 0 : index
    %get3A_1 = vector.load %arg3[%get3A, %get3A_0] : memref<32x1280xf32, #tpu.memory_space<vmem>>, vector<16x1280xf32>
    %reduce_sum3A = arith.constant dense<0.000000e+00> : vector<1280xf32>
    %reduce_sum3A_2 = vector.multi_reduction <add>, %get3A_1, %reduce_sum3A [0] : vector<16x1280xf32> to vector<1280xf32>
    %broadcast_in_dim3A = vector.shape_cast %reduce_sum3A_2 : vector<1280xf32> to vector<1280x1xf32>
    %get3A_3 = arith.constant 16 : index
    %get3A_4 = arith.constant 0 : index
    %get3A_5 = vector.load %arg3[%get3A_3, %get3A_4] : memref<32x1280xf32, #tpu.memory_space<vmem>>, vector<16x1280xf32>
    %reduce_sum3A_6 = arith.constant dense<0.000000e+00> : vector<1280xf32>
    %reduce_sum3A_7 = vector.multi_reduction <add>, %get3A_5, %reduce_sum3A_6 [0] : vector<16x1280xf32> to vector<1280xf32>
    %broadcast_in_dim3A_8 = vector.shape_cast %reduce_sum3A_7 : vector<1280xf32> to vector<1280x1xf32>
    %get3A_9 = arith.constant 0 : index
    %get3A_10 = arith.constant 0 : index
    %get3A_11 = arith.constant 0 : index
    %get3A_12 = vector.load %arg2[%get3A_9, %get3A_10, %get3A_11] : memref<2x1280x128xf32, #tpu.memory_space<vmem>>, vector<1x1280x128xf32>
    %get3A_13 = vector.shape_cast %get3A_12 : vector<1x1280x128xf32> to vector<1280x128xf32>
    %max3A = arith.constant 1.000000e+00 : f32
    %max3A_14 = vector.broadcast %max3A : f32 to vector<1280x1xf32>
    %max3A_15 = arith.maximumf %broadcast_in_dim3A, %max3A_14 : vector<1280x1xf32>
    %div3A = vector.broadcast %max3A_15 : vector<1280x1xf32> to vector<1280x128xf32>
    %div3A_16 = arith.divf %get3A_13, %div3A : vector<1280x128xf32>
    %get3A_17 = arith.constant 1 : index
    %get3A_18 = arith.constant 0 : index
    %get3A_19 = arith.constant 0 : index
    %get3A_20 = vector.load %arg2[%get3A_17, %get3A_18, %get3A_19] : memref<2x1280x128xf32, #tpu.memory_space<vmem>>, vector<1x1280x128xf32>
    %get3A_21 = vector.shape_cast %get3A_20 : vector<1x1280x128xf32> to vector<1280x128xf32>
    %max3A_22 = arith.constant 1.000000e+00 : f32
    %max3A_23 = vector.broadcast %max3A_22 : f32 to vector<1280x1xf32>
    %max3A_24 = arith.maximumf %broadcast_in_dim3A_8, %max3A_23 : vector<1280x1xf32>
    %div3A_25 = vector.broadcast %max3A_24 : vector<1280x1xf32> to vector<1280x128xf32>
    %div3A_26 = arith.divf %get3A_21, %div3A_25 : vector<1280x128xf32>
    %get3A_27 = arith.constant 0 : index
    %get3A_28 = arith.constant 0 : index
    %get3A_29 = vector.load %arg4[%get3A_27, %get3A_28] : memref<128x128xf32, #tpu.memory_space<vmem>>, vector<128x128xf32>
    %dot_general3A = arith.constant dense<0.000000e+00> : vector<1280x128xf32>
    %dot_general3A_30 = tpu.matmul %div3A_16, %get3A_29, %dot_general3A {dimension_numbers = #tpu.dot_dimension_numbers<[1], [0], [0], [1], [0, 0, 1, 1], [], []>, transpose_lhs_hint = false} : vector<1280x128xf32>, vector<128x128xf32>, vector<1280x128xf32> -> vector<1280x128xf32>
    %get3A_31 = arith.constant 0 : index
    %get3A_32 = arith.constant 0 : index
    %get3A_33 = vector.load %arg5[%get3A_31, %get3A_32] : memref<128x128xf32, #tpu.memory_space<vmem>>, vector<128x128xf32>
    %dot_general3A_34 = arith.constant dense<0.000000e+00> : vector<1280x128xf32>
    %dot_general3A_35 = tpu.matmul %div3A_26, %get3A_33, %dot_general3A_34 {dimension_numbers = #tpu.dot_dimension_numbers<[1], [0], [0], [1], [0, 0, 1, 1], [], []>, transpose_lhs_hint = false} : vector<1280x128xf32>, vector<128x128xf32>, vector<1280x128xf32> -> vector<1280x128xf32>
    %add3A = arith.addf %dot_general3A_30, %dot_general3A_35 : vector<1280x128xf32>
    %get3A_36 = arith.constant 0 : index
    %get3A_37 = arith.constant 0 : index
    %get3A_38 = vector.load %arg6[%get3A_36, %get3A_37] : memref<1x128xf32, #tpu.memory_space<vmem>>, vector<1x128xf32>
    %add3A_39 = vector.broadcast %get3A_38 : vector<1x128xf32> to vector<1280x128xf32>
    %add3A_40 = arith.addf %add3A, %add3A_39 : vector<1280x128xf32>
    %max3A_41 = arith.constant 0.000000e+00 : f32
    %max3A_42 = vector.broadcast %max3A_41 : f32 to vector<1280x128xf32>
    %max3A_43 = arith.maximumf %add3A_40, %max3A_42 : vector<1280x128xf32>
    %get3A_44 = arith.constant 0 : index
    %get3A_45 = arith.constant 0 : index
    %get3A_46 = vector.load %arg1[%get3A_44, %get3A_45] : memref<1280x128xf32, #tpu.memory_space<vmem>>, vector<1280x128xf32>
    %get3A_47 = arith.constant 0 : index
    %get3A_48 = arith.constant 0 : index
    %get3A_49 = vector.load %arg7[%get3A_47, %get3A_48] : memref<128x40xf32, #tpu.memory_space<vmem>>, vector<128x40xf32>
    %dot_general3A_50 = arith.constant dense<0.000000e+00> : vector<1280x40xf32>
    %dot_general3A_51 = tpu.matmul %get3A_46, %get3A_49, %dot_general3A_50 {dimension_numbers = #tpu.dot_dimension_numbers<[1], [0], [0], [1], [0, 0, 1, 1], [], []>, transpose_lhs_hint = false} : vector<1280x128xf32>, vector<128x40xf32>, vector<1280x40xf32> -> vector<1280x40xf32>
    %get3A_52 = arith.constant 0 : index
    %get3A_53 = arith.constant 0 : index
    %get3A_54 = vector.load %arg8[%get3A_52, %get3A_53] : memref<128x40xf32, #tpu.memory_space<vmem>>, vector<128x40xf32>
    %dot_general3A_55 = arith.constant dense<0.000000e+00> : vector<1280x40xf32>
    %dot_general3A_56 = tpu.matmul %max3A_43, %get3A_54, %dot_general3A_55 {dimension_numbers = #tpu.dot_dimension_numbers<[1], [0], [0], [1], [0, 0, 1, 1], [], []>, transpose_lhs_hint = false} : vector<1280x128xf32>, vector<128x40xf32>, vector<1280x40xf32> -> vector<1280x40xf32>
    %add3A_57 = arith.addf %dot_general3A_51, %dot_general3A_56 : vector<1280x40xf32>
    %get3A_58 = arith.constant 0 : index
    %get3A_59 = arith.constant 0 : index
    %get3A_60 = vector.load %arg9[%get3A_58, %get3A_59] : memref<1x40xf32, #tpu.memory_space<vmem>>, vector<1x40xf32>
    %add3A_61 = vector.broadcast %get3A_60 : vector<1x40xf32> to vector<1280x40xf32>
    %add3A_62 = arith.addf %add3A_57, %add3A_61 : vector<1280x40xf32>
    %swap3A = arith.constant 0 : index
    %swap3A_63 = arith.constant 0 : index
    %swap3A_64 = vector.load %arg10[%swap3A, %swap3A_63] : memref<1280x40xf32, #tpu.memory_space<vmem>>, vector<1280x40xf32>
    tpu.vector_store %arg10[%swap3A, %swap3A_63], %add3A_62 {strides = array<i32>} : memref<1280x40xf32, #tpu.memory_space<vmem>>, vector<1280x40xf32>,
    return
  }
  func.func @transform_0(%arg0: i32) -> (i32, i32) {
    %c0_i32 = arith.constant 0 : i32
    %c0_i32_0 = arith.constant 0 : i32
    return %arg0, %c0_i32 : i32, i32
  }
  func.func @transform_1(%arg0: i32) -> (i32, i32, i32) {
    %c0_i32 = arith.constant 0 : i32
    %c0_i32_0 = arith.constant 0 : i32
    %c0_i32_1 = arith.constant 0 : i32
    return %c0_i32, %arg0, %c0_i32_0 : i32, i32, i32
  }
  func.func @transform_2(%arg0: i32) -> (i32, i32) {
    %c0_i32 = arith.constant 0 : i32
    %c0_i32_0 = arith.constant 0 : i32
    return %c0_i32, %arg0 : i32, i32
  }
  func.func @transform_3(%arg0: i32) -> (i32, i32) {
    %c0_i32 = arith.constant 0 : i32
    %c0_i32_0 = arith.constant 0 : i32
    %c0_i32_1 = arith.constant 0 : i32
    return %c0_i32, %c0_i32_0 : i32, i32
  }
  func.func @transform_4(%arg0: i32) -> (i32, i32) {
    %c0_i32 = arith.constant 0 : i32
    %c0_i32_0 = arith.constant 0 : i32
    %c0_i32_1 = arith.constant 0 : i32
    return %c0_i32, %c0_i32_0 : i32, i32
  }
  func.func @transform_5(%arg0: i32) -> (i32, i32) {
    %c0_i32 = arith.constant 0 : i32
    %c0_i32_0 = arith.constant 0 : i32
    %c0_i32_1 = arith.constant 0 : i32
    return %c0_i32, %c0_i32_0 : i32, i32
  }
  func.func @transform_6(%arg0: i32) -> (i32, i32) {
    %c0_i32 = arith.constant 0 : i32
    %c0_i32_0 = arith.constant 0 : i32
    %c0_i32_1 = arith.constant 0 : i32
    return %c0_i32, %c0_i32_0 : i32, i32
  }
  func.func @transform_7(%arg0: i32) -> (i32, i32) {
    %c0_i32 = arith.constant 0 : i32
    %c0_i32_0 = arith.constant 0 : i32
    %c0_i32_1 = arith.constant 0 : i32
    return %c0_i32, %c0_i32_0 : i32, i32
  }
  func.func @transform_8(%arg0: i32) -> (i32, i32) {
    %c0_i32 = arith.constant 0 : i32
    %c0_i32_0 = arith.constant 0 : i32
    %c0_i32_1 = arith.constant 0 : i32
    return %c0_i32, %c0_i32_0 : i32, i32
  }
  func.func @transform_9(%arg0: i32) -> (i32, i32) {
    %c0_i32 = arith.constant 0 : i32
    %c0_i32_0 = arith.constant 0 : i32
    return %arg0, %c0_i32 : i32, i32
  }
}

</mosaic_0001>

<sc_bundles>
// kernel: kernel.6.cloned.1.call-start
scs
__scs_entry_jumppad:
0x0: {  	(pc) =	sbr.rel $0x88, $3  }
0x1: {  	(tag) =	ssettag $0x0;
	lr =	simm.s32 $0x1  }
0x2: {  	[smem:$0x3F91] =	sst lr;
	_ =	strace $0xD0000000  }
0x3: {  	_ = 	snop  }
0x4: {  	_ = 	snop  }
0x5: {  	_ = 	snop  }
0x6: {  	_ = 	snop  }
0x7: {  	_ = 	snop  }
__scs_overlays_trampoline_lowered:
0x8: {  	[smem:$0x3FA0] =	sst s0  }
0x9: {  	[smem:$0x3FA1] =	sst s1  }
0xa: {  	[smem:$0x3FA2] =	sst s2  }
0xb: {  	[smem:$0x3FA3] =	sst s3  }
0xc: {  	[smem:$0x3FA4] =	sst s4  }
0xd: {  	[smem:$0x3FA5] =	sst s5  }
0xe: {  	[smem:$0x3FA6] =	sst s6  }
0xf: {  	[smem:$0x3FA7] =	sst s7  }
0x10: {  	[smem:$0x3FA8] =	sst s8  }
0x11: {  	[smem:$0x3FA9] =	sst s9;
	s0 =	simm.s32 @!p0 $0x0  }
0x12: {  	s1 =	sld [smem:$0x3F8F];
	s0 =	simm.s32 @p0 $0x1  }
0x13: {  	[smem:$0x3FAA] =	sst s0;
	s0 =	simm.s32 @!p1 $0x0  }
0x14: {  	s2 =	sld [smem:$0x3F8E];
	s0 =	simm.s32 @p1 $0x1  }
0x15: {  	[smem:$0x3FAB] =	sst s0;
	s0 =	simm.s32 @!p2 $0x0  }
0x16: {  	s3 =	sld [smem:$0x3FDB];
	s0 =	simm.s32 @p2 $0x1  }
0x17: {  	s4 =	simm.s32 $0x1BF5;
	[smem:$0x3FAD] =	sst s0  }
0x18: {  	s0 =	sld [smem:$0x3F90];
	_ =	swait.ge [sflag:s4], $0x0  }
0x19: {  	s7 =	sld [smem:$0x3F91]  }
0x1a: {  	s8 =	sadd.s32 $0xFFFFE003, lr  }
0x1b: {  	s9 =	sadd.s32 $0xFFFFFEF7, lr;
	s5 =	simm.s32 $0xFFFFFFFF;
	p2 =	slt.u32 s8, $0xFFFFF086  }
0x1c: {  	p1 =	slt.u32 s9, $0xF7A;
	s5 =	simm.s32 @!p2 $0x0  }
0x1d: {  	s5 =	simm.s32 @p1 $0x1;
	p0 =	seq.s32 s7, s2  }
0x1e: {  	s7 =	smul.u32 @!p0 $0xF7A, s2;
	p2 =	seq.s32 @!p0 s5, $0x0  }
0x1f: {  	s9 =	smul.u32 $0xF7A, s1;
	s8 =	simm.s32 @!p0 $0x1BF5;
	p2 =	por !p2, p0  }
0x20: {  	[sflag:s8] =	ssyncset.s32 @!p0 $0xFFFFF086;
	s6 =	sadd.s32 @!p0 s3, s7;
	s7 =	simm.s32 @!p0 $0x108  }
0x21: {  	s3 =	sadd.s32 s3, s9;
	s6 =	sadd.s32 @!p0 $0x88, s6;
	s7 =	simm.s32 @p2 $0x1082  }
0x22: {  	[simem:s7], [sflag:s8] =	dma.local @!p0 [hbm:s6], $0xF7A  }
0x23: {  	s9 =	sor.u32 $0xD0000000, s2;
	s6 =	simm.s32 $0x108;
	_ =	swait.ge @!p0 [sflag:s8], $0x0  }
0x24: {  	s3 =	sadd.s32 $0x88, s3;
	s6 =	simm.s32 @!p1 $0x1082;
	[sflag:s4] =	ssyncset.s32 $0xFFFFF086  }
0x25: {  	[simem:s6], [sflag:s4] =	dma.local [hbm:s3], $0xF7A  }
0x26: {  	[smem:$0x3F91] =	sst s1;
	(tag) =	ssettag s2;
	_ =	strace s9  }
0x27: {  	s1 =	sld [smem:$0x3FA1]  }
0x28: {  	s2 =	sld [smem:$0x3FA2]  }
0x29: {  	s4 =	sld [smem:$0x3FA4]  }
0x2a: {  	p0 =	seq.s32 s5, $0x0;
	s5 =	sld [smem:$0x3FA5]  }
0x2b: {  	s6 =	sld [smem:$0x3FA6]  }
0x2c: {  	s7 =	sld [smem:$0x3FA7]  }
0x2d: {  	s3 =	simm.s32 $0x108;
	s8 =	sld [smem:$0x3FA8]  }
0x2e: {  	s3 =	simm.s32 @!p0 $0x1082;
	s9 =	sld [smem:$0x3FA9]  }
0x2f: {  	lr =	sadd.s32 s0, s3;
	s0 =	sld [smem:$0x3FA0]  }
0x30: {  	s3 =	sld [smem:$0x3FA3]  }
0x31: {  	[smem:$0x3FAC] =	sst s10  }
0x32: {  	s10 =	sld [smem:$0x3FAA];
	_ =	sdelay $0x3  }
0x33: {  	p0 =	seq.s32 s10, $0x1;
	s10 =	sld [smem:$0x3FAC];
	_ =	sdelay $0x3  }
0x34: {  	[smem:$0x3FAC] =	sst s10  }
0x35: {  	s10 =	sld [smem:$0x3FAB];
	_ =	sdelay $0x3  }
0x36: {  	p1 =	seq.s32 s10, $0x1;
	s10 =	sld [smem:$0x3FAC];
	_ =	sdelay $0x3  }
0x37: {  	[smem:$0x3FAC] =	sst s10  }
0x38: {  	s10 =	sld [smem:$0x3FAD]  }
0x39: {  	_ = 	snop;
	(pc) =	sbr.ind lr, $3  }
0x3a: {  	_ = 	snop  }
0x3b: {  	_ = 	snop  }
0x3c: {  	p2 =	seq.s32 s10, $0x1;
	s10 =	sld [smem:$0x3FAC]  }
0x3d: {  	_ =	shalt  }
0x3e: {  	_ =	shalt  }
0x3f: {  	_ =	shalt  }
0x40: {  	_ =	shalt  }
0x41: {  	_ =	shalt  }
0x42: {  	_ =	shalt  }
0x43: {  	_ =	shalt  }
0x44: {  	_ =	shalt  }
0x45: {  	_ =	shalt  }
0x46: {  	_ =	shalt  }
0x47: {  	_ =	shalt  }
0x48: {  	_ =	shalt  }
0x49: {  	_ =	shalt  }
0x4a: {  	_ =	shalt  }
0x4b: {  	_ =	shalt  }
0x4c: {  	_ =	shalt  }
0x4d: {  	_ =	shalt  }
0x4e: {  	_ =	shalt  }
0x4f: {  	_ =	shalt  }
0x50: {  	_ =	shalt  }
0x51: {  	_ =	shalt  }
0x52: {  	_ =	shalt  }
0x53: {  	_ =	shalt  }
0x54: {  	_ =	shalt  }
0x55: {  	_ =	shalt  }
0x56: {  	_ =	shalt  }
0x57: {  	_ =	shalt  }
0x58: {  	_ =	shalt  }
0x59: {  	_ =	shalt  }
0x5a: {  	_ =	shalt  }
0x5b: {  	_ =	shalt  }
0x5c: {  	_ =	shalt  }
0x5d: {  	_ =	shalt  }
0x5e: {  	_ =	shalt  }
0x5f: {  	_ =	shalt  }
0x60: {  	_ =	shalt  }
0x61: {  	_ =	shalt  }
0x62: {  	_ =	shalt  }
0x63: {  	_ =	shalt  }
0x64: {  	_ =	shalt  }
0x65: {  	_ =	shalt  }
0x66: {  	_ =	shalt  }
0x67: {  	_ =	shalt  }
0x68: {  	_ =	shalt  }
0x69: {  	_ =	shalt  }
0x6a: {  	_ =	shalt  }
0x6b: {  	_ =	shalt  }
0x6c: {  	_ =	shalt  }
0x6d: {  	_ =	shalt  }
0x6e: {  	_ =	shalt  }
0x6f: {  	_ =	shalt  }
0x70: {  	_ =	shalt  }
0x71: {  	_ =	shalt  }
0x72: {  	_ =	shalt  }
0x73: {  	_ =	shalt  }
0x74: {  	_ =	shalt  }
0x75: {  	_ =	shalt  }
0x76: {  	_ =	shalt  }
0x77: {  	_ =	shalt  }
0x78: {  	_ =	shalt  }
0x79: {  	_ =	shalt  }
0x7a: {  	_ =	shalt  }
0x7b: {  	_ =	shalt  }
0x7c: {  	_ =	shalt  }
0x7d: {  	_ =	shalt  }
0x7e: {  	_ =	shalt  }
0x7f: {  	_ =	shalt  }
0x80: {  	_ =	shalt  }
0x81: {  	_ =	shalt  }
0x82: {  	_ =	shalt  }
0x83: {  	_ =	shalt  }
0x84: {  	_ =	shalt  }
0x85: {  	_ =	shalt  }
0x86: {  	_ =	shalt  }
0x87: {  	_ =	shalt  }
.Lfunc_end0:
.L_simem_size_0:
called_computation_lowered:
.L_overlay_start_0:
0x88: {  	s2 =	sld [smem:$0x3FD9]  }
0x89: {  	s3 =	sld [smem:$0x3FFE];
	_ =	sdelay $0x1  }
0x8a: {  	s1 =	srdreg.scid  }
0x8b: {  	s0 =	sand.u32 $0x1, s1  }
0x8c: {  	s17 =	sshll.u32 s0, $0xA;
	s2 =	sadd.s32 s3, s2  }
0x8d: {  	s2 =	sadd.s32 s2, s17  }
0x8e: {  	[smem:$0x3FB8] =	sst s2  }
0x8f: {  	_ = 	snop  }
0x90: {  	s2 =	sld [smem:$0x3FD0];
	(tm) =	ssettm $0x1  }
0x91: {  	s18 =	sld [smem:$0x3FFB];
	_ =	sdelay $0x3  }
0x92: {  	_ =	strace s18  }
0x93: {  	s3 =	sld [smem:$0x3FFC];
	_ =	sdelay $0x3  }
0x94: {  	_ =	strace s3  }
0x95: {  	s3 =	sld [smem:$0x3FFD];
	_ =	sdelay $0x3  }
0x96: {  	_ =	strace s3  }
0x97: {  	_ =	strace $0x8FFFFFFF  }
0x98: {  	s19 =	sld [smem:$0x3FDB];
	_ =	sdelay $0x1  }
0x99: {  	s4 =	simm.s32 $_scs_section_size  }
0x9a: {  	s5 =	simm.s32 $_size__tile_overlayer_lowered;
	s6 =	simm.s32 $_tile_overlayer_lowered  }
0x9b: {  	s22 =	simm.s32 $0x1BFF;
	s21 =	sshll.u32 s6, $0x1;
	s3 =	sadd.s32 s4, s19  }
0x9c: {  	s7 =	simm.s32 $0x0;
	s20 =	sshll.u32 s5, $0x1;
	s5 =	sadd.s32 s21, s3  }
0x9d: {  	[timem:s7], [sflag:s22] =	dma.local [hbm:s5], s20  }
0x9e: {  	_ =	swait.ge [sflag:s22], s20  }
0x9f: {  	s4 =	ssub.s32 $0x0, s20;
	[sflag:s22] =	ssyncset.done $0x0  }
0xa0: {  	[sflag:s22] =	ssyncadd.s32 s4;
	_ =	sdelay $0x1  }
0xa1: {  	s23 =	simm.s32 $0x1B8B  }
0xa2: {  	_ =	swait.ge [sflag:s23], $0x1  }
0xa3: {  	[sflag:s23] =	ssyncset.done $0x0  }
0xa4: {  	s25 =	simm.s32 $0x1B8E;
	s24 =	sld [smem:$0x3FFE];
	[sflag:s23] =	ssyncadd.s32 $0xFFFFFFFF  }
0xa5: {  	s26 =	simm.s32 $execute0_lowered;
	[smem:$0x3FD2] =	sst s25  }
0xa6: {  	s5 =	sshll.u32 s26, $0x1;
	_ =	strace $0x80000046;
	[dreg:$0x1] =	wrdreg $0xFFFFFFFF  }
0xa7: {  	s28 =	simm.s32 $_size_execute0_lowered;
	s3 =	sadd.s32 s3, s5;
	[dreg:$0x0] =	wrdreg $0x0  }
0xa8: {  	s5 =	sshll.u32 s28, $0x1;
	[dreg:$0x2] =	wrdreg s3  }
0xa9: {  	[dreg:$0x3] =	wrdreg s5  }
0xaa: {  	[dreg:$0x4] =	wrdreg $0xC0  }
0xab: {  	_ =	task [dreg:s7], $0x5FFFF  }
0xac: {  	[dreg:$0x1] =	wrdreg $0xFFFFFFFF  }
0xad: {  	[dreg:$0x0] =	wrdreg $0x60  }
0xae: {  	[dreg:$0x2] =	wrdreg s24  }
0xaf: {  	[dreg:$0x3] =	wrdreg s2  }
0xb0: {  	[dreg:$0x4] =	wrdreg $0xAB000  }
0xb1: {  	[dreg:$0x5] =	wrdreg $0x9  }
0xb2: {  	_ =	task.clear_ibuf [dreg:s7], $0x6FFFF;
	_ =	strace $0x90000046  }
0xb3: {  	s29 =	simm.s32 $0x9;
	_ =	strace $0x80000048  }
0xb4: {  	_ =	swait.ge [sflag:s29], $0x1  }
0xb5: {  	[sflag:s29] =	ssyncadd.s32 $0xFFFFFFFF  }
0xb6: {  	_ =	strace $0x90000048  }
0xb7: {  	_ =	sfence  }
0xb8: {  	s30 =	sld [smem:$0x0];
	_ =	sdelay $0x2  }
0xb9: {  	s31 =	sshll.u32 s1, $0xD;
	s1 =	sshrl.u32 s1, $0x2  }
0xba: {  	s3 =	sand.u32 $0x4000, s31;
	s1 =	sadd.s32 s1, s30  }
0xbb: {  	s0 =	sor.u32 s3, s0;
	s1 =	sshll.u32 s1, $0x11  }
0xbc: {  	s0 =	sor.u32 s1, s0  }
0xbd: {  	s0 =	sadd.s32 $0x8F2B, s0  }
0xbe: {  	[sflag:s0] =	ssyncadd.remote.s32 $0x1  }
0xbf: {  	_ =	sfence.sel $0xFFFF  }
0xc0: {  	[dreg:$0x0] =	wrdreg $0xFFFFFFFF;
	(pc) =	sbr.abs _section_cstart, $3  }
0xc1: {  	[dreg:$0x1] =	wrdreg $0xFFFFFFFF  }
0xc2: {  	_ =	task.clear_ibuf [dreg:s7], $0x2FFFF;
	_ =	strace $0x9FFFFFFF  }
0xc3: {  	(tm) =	ssettm $0x7FFFFFFF  }
tec
execute0_lowered:
.L_overlay_start_1:
0x0: {  	(tag) =	ssettag $0x1  }
0x1: {  	s0 =	rddreg [dreg:$0x0]  }
0x2: {  	s2 =	rddreg [dreg:$0x1]  }
0x3: {  	s1 =	rddreg [dreg:$0x2];
	s3 =	srdreg.scid  }
0x4: {  	s15 =	stileid.u32;
	s28 =	simm.s32 $0x300;
	s29 =	simm.s32 $0x7  }
0x5: {  	s30 =	simm.s32 $0x8300;
	s31 =	simm.s32 $0x1;
	s4 =	sand.u32 $0x1, s3  }
0x6: {  	s3 =	simm.s32 $0x0;
	s6 =	sadd.s32 $0x2A600, s0;
	s11 =	smul.u32 $0x50000, s15  }
0x7: {  	s8 =	sadd.s32 $0x3F400, s0;
	s9 =	sshll.u32 s15, $0x7;
	s12 =	smul.u32 $0x14000, s15  }
0x8: {  	s5 =	sshll.u32 s4, $0x4;
	[smem:$0x7FF] =	sst s3;
	s13 =	smul.u32 $0x140000, s4  }
0x9: {  	s9 =	sand.u32 $0x380, s9;
	s10 =	ssub.s32 $0x2, s4;
	s4 =	smul.u32 $0x28000, s4  }
0xa: {  	s5 =	sor.u32 s15, s5;
	_ =	strace $0x80000047;
	s14 =	sshrl.u32 s10, $0x1  }
0xb: {  	s18 =	sadd.s32 $0x8000, s12;
	s23 =	sadd.s32 $0xC000, s12;
	s15 =	smul.u32 $0x2800, s15  }
0xc: {  	s24 =	sadd.s32 $0x10000, s12;
	s7 =	sshrl.u32 s5, $0x3;
	s5 =	smul.u32 $0x2800, s5  }
0xd: {  	s22 =	sadd.s32 s13, s18;
	s25 =	sadd.s32 s13, s23;
	s7 =	smul.u32 $0x14000, s7  }
0xe: {  	s23 =	sadd.s32 s23, s1;
	s4 =	sadd.s32 s15, s4;
	s5 =	sshrl.u32 s5, $0x3  }
0xf: {  	s7 =	sor.u32 s9, s7;
	s9 =	ssub.s32 s10, s14;
	s10 =	sadd.s32 $0x4000, s12  }
0x10: {  	s14 =	sadd.s32 s2, s5;
	s16 =	sor.u32 $0x10, s5;
	s12 =	sadd.s32 s12, s13  }
0x11: {  	s5 =	sadd.s32 s6, s5;
	s7 =	sshrl.u32 s7, $0x3;
	[dreg:$0x4] =	wrdreg s14  }
0x12: {  	[dreg:$0x5] =	wrdreg s5;
	s17 =	sadd.s32 s2, s16;
	s19 =	sshrl.u32 s12, $0x3  }
0x13: {  	s20 =	sadd.s32 s6, s16;
	s21 =	sadd.s32 s13, s10;
	s12 =	sshrl.u32 s22, $0x3  }
0x14: {  	s14 =	sadd.s32 s13, s24;
	s16 =	sor.u32 $0x180, s4;
	s4 =	sor.u32 $0x100, s4  }
0x15: {  	s22 =	sshrl.u32 s11, $0x2;
	s24 =	sadd.s32 s24, s1;
	[dreg:$0x6] =	wrdreg s17  }
0x16: {  	s11 =	simm.s32 $0x6;
	[dreg:$0x7] =	wrdreg s20;
	s5 =	sadd.s32 s8, s19  }
0x17: {  	s26 =	sadd.s32 s8, s12;
	s12 =	sshrl.u32 s25, $0x3;
	s17 =	sshrl.u32 s16, $0x3  }
0x18: {  	s4 =	sshrl.u32 s4, $0x3;
	s19 =	sadd.s32 s7, s0;
	s20 =	sadd.s32 s22, s1  }
0x19: {  	s22 =	sadd.s32 s18, s1;
	s7 =	simm.s32 $0x4300;
	[dreg:$0x8] =	wrdreg s5  }
0x1a: {  	s5 =	sshrl.u32 s21, $0x3;
	[dreg:$0xa] =	wrdreg s26;
	s13 =	sadd.s32 s17, s6  }
0x1b: {  	s15 =	sadd.s32 s4, s6;
	s16 =	sadd.s32 s4, s2;
	s21 =	sadd.s32 $0x34600, s0  }
0x1c: {  	s25 =	sadd.s32 $0x35400, s19;
	s26 =	smax.u32 s9, $0x1;
	[dreg:$0xd] =	wrdreg s21  }
0x1d: {  	s4 =	simm.s32 $0x3;
	s6 =	simm.s32 $0x2;
	[dreg:$0xf] =	wrdreg s25  }
0x1e: {  	s9 =	simm.s32 $0x280;
	s5 =	sadd.s32 s8, s5;
	[dreg:$0x10] =	wrdreg s26  }
0x1f: {  	s21 =	sadd.s32 s10, s1;
	s10 =	simm.s32 $0x5;
	[dreg:$0x9] =	wrdreg s5  }
.Ltmp0:
0x20: {  	s5 =	sadd.s32 s8, s12;
	s12 =	simm.s32 $0x0;
	(pc) =	sbr.rel .LBB2_1-.Ltmp0, $4  }
0x21: {  	[dreg:$0xb] =	wrdreg s5;
	s5 =	sshrl.u32 s14, $0x3;
	s14 =	sadd.s32 s17, s2  }
0x22: {  	s17 =	sadd.s32 $0x2600, s0;
	s0 =	sadd.s32 $0x34E00, s0;
	s2 =	simm.s32 $0x180  }
0x23: {  	s5 =	sadd.s32 s8, s5;
	[dreg:$0xe] =	wrdreg s0;
	s0 =	simm.s32 $0x80  }
0x24: {  	v0 =	vimm.f32 $1.000000000e+00;
	s8 =	simm.s32 $0x4;
	[dreg:$0xc] =	wrdreg s5;
	s5 =	simm.s32 $0x200  }
.LBB2_4:
0x25: {  	_ =	swait.ge [sflag:s10], $0x4000  }
0x26: {  	[sflag:s10] =	ssyncset.done $0x0  }
0x27: {  	[sflag:s10] =	ssyncadd.s32 $0xFFFFC000  }
0x28: {  	_ =	swait.ge [sflag:s11], $0x4000  }
0x29: {  	[sflag:s11] =	ssyncset.done $0x0  }
0x2a: {  	[sflag:s11] =	ssyncadd.s32 $0xFFFFC000  }
0x2b: {  	[bflag:$0x0] =	sbarrier.arrive $0xFFFF  }
0x2c: {  	[tilespmem:s28], [sflag:$0x3] =	stream.linear.gather [spmem:s20], $0x4000, $0x38;
	[tilespmem:$0x1EB00] =	vst v63  }
0x2d: {  	_ =	swait.ge [sflag:s4], $0x4000  }
0x2e: {  	[sflag:s4] =	ssyncset.done $0x0  }
0x2f: {  	[sflag:s4] =	ssyncadd.s32 $0xFFFFC000  }
0x30: {  	[tilespmem:s7], [sflag:$0x4] =	stream.linear.gather [spmem:s21], $0x4000, $0x38;
	[tilespmem:$0x1EB00] =	vst v63  }
0x31: {  	s18 =	rddreg [dreg:$0x8]  }
0x32: {  	[hbm4b:s18+s3] =	stream.linear.scatter [tilespmem:s28], [sflag:$0x5], $0x4000, $0x38;
	[tilespmem:$0x1EB00] =	vst v63  }
0x33: {  	_ =	swait.ge [sflag:s8], $0x4000  }
0x34: {  	[sflag:s8] =	ssyncset.done $0x0  }
0x35: {  	[sflag:s8] =	ssyncadd.s32 $0xFFFFC000  }
0x36: {  	_ =	swait.ge [sflag:s10], $0x4000  }
0x37: {  	[sflag:s10] =	ssyncset.done $0x0  }
0x38: {  	[sflag:s10] =	ssyncadd.s32 $0xFFFFC000  }
0x39: {  	[tilespmem:s28], [sflag:$0x3] =	stream.linear.gather [spmem:s22], $0x4000, $0x38;
	[tilespmem:$0x1EB00] =	vst v63  }
0x3a: {  	s19 =	rddreg [dreg:$0x9]  }
0x3b: {  	[hbm4b:s19+s3] =	stream.linear.scatter [tilespmem:s7], [sflag:$0x6], $0x4000, $0x38;
	[tilespmem:$0x1EB00] =	vst v63  }
0x3c: {  	_ =	swait.ge [sflag:s4], $0x4000  }
0x3d: {  	[sflag:s4] =	ssyncset.done $0x0  }
0x3e: {  	[sflag:s4] =	ssyncadd.s32 $0xFFFFC000  }
0x3f: {  	_ =	swait.ge [sflag:s11], $0x4000  }
0x40: {  	[sflag:s11] =	ssyncset.done $0x0  }
0x41: {  	[sflag:s11] =	ssyncadd.s32 $0xFFFFC000  }
0x42: {  	[tilespmem:s7], [sflag:$0x4] =	stream.linear.gather [spmem:s23], $0x4000, $0x38;
	[tilespmem:$0x1EB00] =	vst v63  }
0x43: {  	s25 =	rddreg [dreg:$0xa]  }
0x44: {  	[hbm4b:s25+s3] =	stream.linear.scatter [tilespmem:s28], [sflag:$0x5], $0x4000, $0x38;
	[tilespmem:$0x1EB00] =	vst v63  }
0x45: {  	_ =	swait.ge [sflag:s8], $0x4000  }
0x46: {  	[sflag:s8] =	ssyncset.done $0x0  }
0x47: {  	[sflag:s8] =	ssyncadd.s32 $0xFFFFC000  }
0x48: {  	_ =	swait.ge [sflag:s10], $0x4000  }
0x49: {  	[sflag:s10] =	ssyncset.done $0x0  }
0x4a: {  	[sflag:s10] =	ssyncadd.s32 $0xFFFFC000  }
0x4b: {  	[tilespmem:s28], [sflag:$0x3] =	stream.linear.gather [spmem:s24], $0x4000, $0x38;
	[tilespmem:$0x1EB00] =	vst v63  }
0x4c: {  	s26 =	rddreg [dreg:$0xb]  }
0x4d: {  	[hbm4b:s26+s3] =	stream.linear.scatter [tilespmem:s7], [sflag:$0x6], $0x4000, $0x38;
	[tilespmem:$0x1EB00] =	vst v63  }
0x4e: {  	_ =	swait.ge [sflag:s4], $0x4000  }
0x4f: {  	[sflag:s4] =	ssyncset.done $0x0  }
0x50: {  	[sflag:s4] =	ssyncadd.s32 $0xFFFFC000  }
0x51: {  	_ =	swait.ge [sflag:s11], $0x4000  }
0x52: {  	[sflag:s11] =	ssyncset.done $0x0  }
0x53: {  	s19 =	rddreg [dreg:$0xc];
	[sflag:s11] =	ssyncadd.s32 $0xFFFFC000  }
0x54: {  	[hbm4b:s19+s3] =	stream.linear.scatter [tilespmem:s28], [sflag:$0x5], $0x4000, $0x38;
	[tilespmem:$0x1EB00] =	vst v63  }
0x55: {  	_ =	swait.ge [sflag:s10], $0x4000  }
0x56: {  	[sflag:s10] =	ssyncset.done $0x0  }
0x57: {  	s19 =	simm.s32 $0x400;
	s25 =	rddreg [dreg:$0xf];
	[sflag:s10] =	ssyncadd.s32 $0xFFFFC000  }
0x58: {  	[hbm4b:s25+s0] =	stream.strided.scatter [tilespmem:s30], [sflag:$0x7], $0x2800, s19, s0, $0x38;
	[tilespmem:$0x1EB00] =	vst v63  }
0x59: {  	_ =	swait.ge [sflag:s29], $0x2800  }
0x5a: {  	s12 =	sadd.s32 $0x1, s12;
	s26 =	rddreg [dreg:$0x10]  }
0x5b: {  	p0 =	sne.s32 s12, s26  }
.Ltmp1:
0x5c: {  	_ = 	snop;
	(pc) =	sbr.rel @!p0 .LBB2_5-.Ltmp1, $3  }
0x5d: {  	_ =	sdelay $0x1  }
0x5e: {  	[sflag:s29] =	ssyncset.done $0x0  }
0x5f: {  	[sflag:s29] =	ssyncadd.s32 $0xFFFFD800  }
.LBB2_1:
0x60: {  	s18 =	rddreg [dreg:$0xd]  }
0x61: {  	[tilespmem:s28], [sflag:$0x7] =	stream.linear.gather [hbm4b:s18+s3], $0x4000, $0x38;
	[tilespmem:$0x1EB00] =	vst v63  }
0x62: {  	_ =	swait.ge [sflag:s29], $0x4000  }
0x63: {  	[sflag:s29] =	ssyncset.done $0x0  }
0x64: {  	[sflag:s29] =	ssyncadd.s32 $0xFFFFC000  }
0x65: {  	[spmem:s20] =	stream.linear.scatter [tilespmem:s28], [sflag:$0x7], $0x4000, $0x38;
	[tilespmem:$0x1EB00] =	vst v63  }
0x66: {  	_ =	swait.ge [sflag:s29], $0x4000  }
0x67: {  	[sflag:s29] =	ssyncset.done $0x0  }
0x68: {  	[sflag:s29] =	ssyncadd.s32 $0xFFFFC000  }
0x69: {  	[spmem:s21] =	stream.linear.scatter [tilespmem:s28], [sflag:$0x7], $0x4000, $0x38;
	[tilespmem:$0x1EB00] =	vst v63  }
0x6a: {  	_ =	swait.ge [sflag:s29], $0x4000  }
0x6b: {  	[sflag:s29] =	ssyncset.done $0x0  }
0x6c: {  	[sflag:s29] =	ssyncadd.s32 $0xFFFFC000  }
0x6d: {  	[spmem:s22] =	stream.linear.scatter [tilespmem:s28], [sflag:$0x7], $0x4000, $0x38;
	[tilespmem:$0x1EB00] =	vst v63  }
0x6e: {  	_ =	swait.ge [sflag:s29], $0x4000  }
0x6f: {  	[sflag:s29] =	ssyncset.done $0x0  }
0x70: {  	[sflag:s29] =	ssyncadd.s32 $0xFFFFC000  }
0x71: {  	[spmem:s23] =	stream.linear.scatter [tilespmem:s28], [sflag:$0x7], $0x4000, $0x38;
	[tilespmem:$0x1EB00] =	vst v63  }
0x72: {  	_ =	swait.ge [sflag:s29], $0x4000  }
0x73: {  	[sflag:s29] =	ssyncset.done $0x0  }
0x74: {  	[sflag:s29] =	ssyncadd.s32 $0xFFFFC000  }
0x75: {  	[spmem:s24] =	stream.linear.scatter [tilespmem:s28], [sflag:$0x7], $0x4000, $0x38;
	[tilespmem:$0x1EB00] =	vst v63  }
0x76: {  	_ =	swait.ge [sflag:s29], $0x4000  }
0x77: {  	[sflag:s29] =	ssyncset.done $0x0  }
0x78: {  	s19 =	rddreg [dreg:$0xe];
	[sflag:s29] =	ssyncadd.s32 $0xFFFFC000  }
0x79: {  	[tilespmem:s30], [sflag:$0x7] =	stream.linear.gather [hbm4b:s19+s3], $0x2800, $0x38;
	[tilespmem:$0x1EB00] =	vst v63  }
0x7a: {  	_ =	swait.ge [sflag:s29], $0x2800  }
0x7b: {  	[sflag:s29] =	ssyncset.done $0x0  }
0x7c: {  	[sflag:s29] =	ssyncadd.s32 $0xFFFFD800  }
0x7d: {  	[bflag:$0x0] =	sbarrier.arrive $0xFFFF  }
0x7e: {  	s25 =	rddreg [dreg:$0x4]  }
0x7f: {  	[tilespmem:s3], [sflag:$0x1] =	stream.linear.gather [hbm4b:s25+s3], $0x80, $0x38;
	[tilespmem:$0x1EB00] =	vst v63  }
0x80: {  	s19 =	simm.s32 $0x100;
	s26 =	rddreg [dreg:$0x5]  }
0x81: {  	[tilespmem:s19], [sflag:$0x1] =	stream.linear.gather [hbm4b:s26+s3], $0x80, $0x38;
	[tilespmem:$0x1EB00] =	vst v63  }
0x82: {  	s25 =	rddreg [dreg:$0x6]  }
0x83: {  	[tilespmem:s0], [sflag:$0x2] =	stream.linear.gather [hbm4b:s25+s3], $0x80, $0x38;
	[tilespmem:$0x1EB00] =	vst v63  }
0x84: {  	s18 =	simm.s32 $0x0;
	s26 =	rddreg [dreg:$0x7]  }
0x85: {  	[tilespmem:s2], [sflag:$0x2] =	stream.linear.gather [hbm4b:s26+s3], $0x80, $0x38;
	[tilespmem:$0x1EB00] =	vst v63  }
.LBB2_2:
0x86: {  	_ =	swait.ge [sflag:s31], $0x80  }
0x87: {  	[sflag:s31] =	ssyncset.done $0x0  }
0x88: {  	[sflag:s31] =	ssyncadd.s32 $0xFFFFFF80  }
0x89: {  	_ =	swait.ge [sflag:s31], $0x80  }
0x8a: {  	p0 =	seq.s32 s18, $0x0;
	[sflag:s31] =	ssyncset.done $0x0  }
0x8b: {  	s19 =	simm.s32 @!p0 $0x5;
	[sflag:s31] =	ssyncadd.s32 $0xFFFFFF80  }
0x8c: {  	_ =	swait.ge @!p0 [sflag:s19], $0x4000  }
0x8d: {  	[sflag:s19] =	ssyncset.done @!p0 $0x0  }
0x8e: {  	[sflag:s19] =	ssyncadd.s32 @!p0 $0xFFFFC000  }
0x8f: {  	[tilespmem:s28], [sflag:$0x3] =	stream.indirect.gather [hbm4b:s17+s0], $0x80, s3, s0, $0xb8;
	[tilespmem:$0x1EB00] =	vst v63  }
0x90: {  	v1 =	vld [tilespmem:$0x100];
	_ =	sdelay $0x7  }
0x91: {  	[tilespmem:v1+s30+$0x0] =	vst.idx.add.f32.msk $0xffff, v0  }
0x92: {  	v2 =	vld [tilespmem:$0x110];
	_ =	sdelay $0x6  }
0x93: {  	[tilespmem:$0x200] =	vst v1  }
0x94: {  	[tilespmem:v2+s30+$0x0] =	vst.idx.add.f32.msk $0xffff, v0  }
0x95: {  	v1 =	vld [tilespmem:$0x120];
	_ =	sdelay $0x6  }
0x96: {  	[tilespmem:$0x210] =	vst v2  }
0x97: {  	[tilespmem:v1+s30+$0x0] =	vst.idx.add.f32.msk $0xffff, v0  }
0x98: {  	v2 =	vld [tilespmem:$0x130];
	_ =	sdelay $0x6  }
0x99: {  	[tilespmem:$0x220] =	vst v1  }
0x9a: {  	[tilespmem:v2+s30+$0x0] =	vst.idx.add.f32.msk $0xffff, v0  }
0x9b: {  	v1 =	vld [tilespmem:$0x140];
	_ =	sdelay $0x6  }
0x9c: {  	[tilespmem:$0x230] =	vst v2  }
0x9d: {  	[tilespmem:v1+s30+$0x0] =	vst.idx.add.f32.msk $0xffff, v0  }
0x9e: {  	v2 =	vld [tilespmem:$0x150];
	_ =	sdelay $0x6  }
0x9f: {  	[tilespmem:$0x240] =	vst v1  }
0xa0: {  	[tilespmem:v2+s30+$0x0] =	vst.idx.add.f32.msk $0xffff, v0  }
0xa1: {  	v1 =	vld [tilespmem:$0x160];
	_ =	sdelay $0x6  }
0xa2: {  	[tilespmem:$0x250] =	vst v2  }
0xa3: {  	[tilespmem:v1+s30+$0x0] =	vst.idx.add.f32.msk $0xffff, v0  }
0xa4: {  	v2 =	vld [tilespmem:$0x170];
	_ =	sdelay $0x6  }
0xa5: {  	[tilespmem:$0x260] =	vst v1  }
0xa6: {  	[tilespmem:v2+s30+$0x0] =	vst.idx.add.f32.msk $0xffff, v0  }
0xa7: {  	[tilespmem:$0x270] =	vst v2  }
0xa8: {  	_ =	swait.ge [sflag:s4], $0x4000  }
0xa9: {  	[sflag:s4] =	ssyncset.done $0x0  }
0xaa: {  	p1 =	seq.s32 s18, $0x4E0;
	[sflag:s4] =	ssyncadd.s32 $0xFFFFC000  }
0xab: {  	[spmem:s1] =	stream.indirect.scatter.add.f32 [tilespmem:s28], [sflag:$0x5], $0x80, s5, s0, $0xb8;
	[tilespmem:$0x1EB00] =	vst v63  }
0xac: {  	s25 =	simm.s32 @!p1 $0x0;
	s19 =	sadd.s32 @!p1 s18, s16  }
0xad: {  	[tilespmem:s25], [sflag:$0x1] =	stream.linear.gather @!p1 [hbm4b:s19+s25], $0x80, $0x38;
	[tilespmem:$0x1EB00] =	vst v63  }
0xae: {  	s26 =	simm.s32 @!p1 $0x100;
	s19 =	sadd.s32 @!p1 s18, s15  }
0xaf: {  	[tilespmem:s26], [sflag:$0x1] =	stream.linear.gather @!p1 [hbm4b:s19+s25], $0x80, $0x38;
	[tilespmem:$0x1EB00] =	vst v63  }
0xb0: {  	_ =	swait.ge [sflag:s6], $0x80  }
0xb1: {  	[sflag:s6] =	ssyncset.done $0x0  }
0xb2: {  	[sflag:s6] =	ssyncadd.s32 $0xFFFFFF80  }
0xb3: {  	_ =	swait.ge [sflag:s6], $0x80  }
0xb4: {  	[sflag:s6] =	ssyncset.done $0x0  }
0xb5: {  	s19 =	simm.s32 @!p0 $0x6;
	[sflag:s6] =	ssyncadd.s32 $0xFFFFFF80  }
0xb6: {  	_ =	swait.ge @!p0 [sflag:s19], $0x4000  }
0xb7: {  	[sflag:s19] =	ssyncset.done @!p0 $0x0  }
0xb8: {  	[sflag:s19] =	ssyncadd.s32 @!p0 $0xFFFFC000  }
0xb9: {  	[tilespmem:s7], [sflag:$0x4] =	stream.indirect.gather [hbm4b:s17+s0], $0x80, s0, s0, $0xb8;
	[tilespmem:$0x1EB00] =	vst v63  }
0xba: {  	v1 =	vld [tilespmem:$0x180];
	_ =	sdelay $0x7  }
0xbb: {  	[tilespmem:v1+s30+$0x0] =	vst.idx.add.f32.msk $0xffff, v0  }
0xbc: {  	v2 =	vld [tilespmem:$0x190];
	_ =	sdelay $0x6  }
0xbd: {  	[tilespmem:$0x280] =	vst v1  }
0xbe: {  	[tilespmem:v2+s30+$0x0] =	vst.idx.add.f32.msk $0xffff, v0  }
0xbf: {  	v1 =	vld [tilespmem:$0x1A0];
	_ =	sdelay $0x6  }
0xc0: {  	[tilespmem:$0x290] =	vst v2  }
0xc1: {  	[tilespmem:v1+s30+$0x0] =	vst.idx.add.f32.msk $0xffff, v0  }
0xc2: {  	v2 =	vld [tilespmem:$0x1B0];
	_ =	sdelay $0x6  }
0xc3: {  	[tilespmem:$0x2A0] =	vst v1  }
0xc4: {  	[tilespmem:v2+s30+$0x0] =	vst.idx.add.f32.msk $0xffff, v0  }
0xc5: {  	v1 =	vld [tilespmem:$0x1C0];
	_ =	sdelay $0x6  }
0xc6: {  	[tilespmem:$0x2B0] =	vst v2  }
0xc7: {  	[tilespmem:v1+s30+$0x0] =	vst.idx.add.f32.msk $0xffff, v0  }
0xc8: {  	v2 =	vld [tilespmem:$0x1D0];
	_ =	sdelay $0x6  }
0xc9: {  	[tilespmem:$0x2C0] =	vst v1  }
0xca: {  	[tilespmem:v2+s30+$0x0] =	vst.idx.add.f32.msk $0xffff, v0  }
0xcb: {  	v1 =	vld [tilespmem:$0x1E0];
	_ =	sdelay $0x6  }
0xcc: {  	[tilespmem:$0x2D0] =	vst v2  }
0xcd: {  	[tilespmem:v1+s30+$0x0] =	vst.idx.add.f32.msk $0xffff, v0  }
0xce: {  	v2 =	vld [tilespmem:$0x1F0];
	_ =	sdelay $0x6  }
0xcf: {  	[tilespmem:$0x2E0] =	vst v1  }
0xd0: {  	[tilespmem:v2+s30+$0x0] =	vst.idx.add.f32.msk $0xffff, v0  }
.Ltmp2:
0xd1: {  	[tilespmem:$0x2F0] =	vst v2;
	(pc) =	sbr.rel @p1 .LBB2_4-.Ltmp2, $4  }
0xd2: {  	_ =	swait.ge [sflag:s8], $0x4000  }
0xd3: {  	[sflag:s8] =	ssyncset.done $0x0  }
0xd4: {  	[sflag:s8] =	ssyncadd.s32 $0xFFFFC000  }
0xd5: {  	[spmem:s1] =	stream.indirect.scatter.add.f32 [tilespmem:s7], [sflag:$0x6], $0x80, s9, s0, $0xb8;
	[tilespmem:$0x1EB00] =	vst v63  }
.Ltmp3:
0xd6: {  	(pc) =	sbr.rel .LBB2_2-.Ltmp3, $4  }
0xd7: {  	s19 =	sadd.s32 s18, s14  }
0xd8: {  	[tilespmem:s0], [sflag:$0x2] =	stream.linear.gather [hbm4b:s19+s3], $0x80, $0x38;
	[tilespmem:$0x1EB00] =	vst v63  }
0xd9: {  	s26 =	sadd.s32 s18, s13;
	s18 =	sadd.s32 $0x20, s18  }
0xda: {  	[tilespmem:s2], [sflag:$0x2] =	stream.linear.gather [hbm4b:s26+s3], $0x80, $0x38;
	[tilespmem:$0x1EB00] =	vst v63  }
.LBB2_5:
0xdb: {  	_ =	sfence.sel $0x180000  }
0xdc: {  	[bflag:$0x0] =	sbarrier.arrive $0xFFFF  }
0xdd: {  	_ =	strace $0x90000047  }
0xde: {  	s0 =	stileid.u32;
	[bflag:$0x2] =	sbarrier.arrive $0xFFFF  }
0xdf: {  	p0 =	sne.s32 s0, $0x0;
	s0 =	rddreg [dreg:$0x3]  }
0xe0: {  	s0 =	sadd.s32 @!p0 $0x100000, s0  }
0xe1: {  	[sflag:s0] =	ssyncadd.tile.s32 @!p0 $0x1;
	_ =	shalt  }
.Lfunc_end2:
_tile_overlayer_lowered:
.L_overlay_start_2:
0xe2: {  	(tag) =	ssettag $0x2  }
0xe3: {  	s0 =	rddreg [dreg:$0x0];
	s2 =	stileid.u32  }
0xe4: {  	s1 =	rddreg [dreg:$0x1];
	p0 =	sne.s32 s2, $0x0  }
0xe5: {  	s3 =	rddreg [dreg:$0x2];
	[bflag:$0x3] =	sbarrier.arrive $0xFFFF;
	s2 =	simm.s32 @!p0 $0x1C07  }
0xe6: {  	[timem:s3], [sflag:s2] =	dma.local @!p0 [hbm:s0], s1  }
0xe7: {  	s0 =	simm.s32 @!p0 $0x7  }
0xe8: {  	_ =	swait.ge @!p0 [sflag:s0], s1  }
0xe9: {  	s1 =	ssub.s32 @!p0 $0x0, s1;
	[sflag:s0] =	ssyncset.done @!p0 $0x0  }
0xea: {  	[sflag:s0] =	ssyncadd.s32 @!p0 s1  }
0xeb: {  	[bflag:$0x3] =	sbarrier.arrive $0xFFFF  }
0xec: {  	_ =	shalt  }

// kernel: kernel.9.cloned.1.call-start
scs
__scs_entry_jumppad:
0x0: {  	(pc) =	sbr.rel $0x88, $3  }
0x1: {  	(tag) =	ssettag $0x0;
	lr =	simm.s32 $0x1  }
0x2: {  	[smem:$0x3F91] =	sst lr;
	_ =	strace $0xD0000000  }
0x3: {  	_ = 	snop  }
0x4: {  	_ = 	snop  }
0x5: {  	_ = 	snop  }
0x6: {  	_ = 	snop  }
0x7: {  	_ = 	snop  }
__scs_overlays_trampoline_lowered:
0x8: {  	[smem:$0x3FA0] =	sst s0  }
0x9: {  	[smem:$0x3FA1] =	sst s1  }
0xa: {  	[smem:$0x3FA2] =	sst s2  }
0xb: {  	[smem:$0x3FA3] =	sst s3  }
0xc: {  	[smem:$0x3FA4] =	sst s4  }
0xd: {  	[smem:$0x3FA5] =	sst s5  }
0xe: {  	[smem:$0x3FA6] =	sst s6  }
0xf: {  	[smem:$0x3FA7] =	sst s7  }
0x10: {  	[smem:$0x3FA8] =	sst s8  }
0x11: {  	[smem:$0x3FA9] =	sst s9;
	s0 =	simm.s32 @!p0 $0x0  }
0x12: {  	s1 =	sld [smem:$0x3F8F];
	s0 =	simm.s32 @p0 $0x1  }
0x13: {  	[smem:$0x3FAA] =	sst s0;
	s0 =	simm.s32 @!p1 $0x0  }
0x14: {  	s2 =	sld [smem:$0x3F8E];
	s0 =	simm.s32 @p1 $0x1  }
0x15: {  	[smem:$0x3FAB] =	sst s0;
	s0 =	simm.s32 @!p2 $0x0  }
0x16: {  	s3 =	sld [smem:$0x3FDB];
	s0 =	simm.s32 @p2 $0x1  }
0x17: {  	s4 =	simm.s32 $0x1BF5;
	[smem:$0x3FAD] =	sst s0  }
0x18: {  	s0 =	sld [smem:$0x3F90];
	_ =	swait.ge [sflag:s4], $0x0  }
0x19: {  	s7 =	sld [smem:$0x3F91]  }
0x1a: {  	s8 =	sadd.s32 $0xFFFFE003, lr  }
0x1b: {  	s9 =	sadd.s32 $0xFFFFFEF7, lr;
	s5 =	simm.s32 $0xFFFFFFFF;
	p2 =	slt.u32 s8, $0xFFFFF086  }
0x1c: {  	p1 =	slt.u32 s9, $0xF7A;
	s5 =	simm.s32 @!p2 $0x0  }
0x1d: {  	s5 =	simm.s32 @p1 $0x1;
	p0 =	seq.s32 s7, s2  }
0x1e: {  	s7 =	smul.u32 @!p0 $0xF7A, s2;
	p2 =	seq.s32 @!p0 s5, $0x0  }
0x1f: {  	s9 =	smul.u32 $0xF7A, s1;
	s8 =	simm.s32 @!p0 $0x1BF5;
	p2 =	por !p2, p0  }
0x20: {  	[sflag:s8] =	ssyncset.s32 @!p0 $0xFFFFF086;
	s6 =	sadd.s32 @!p0 s3, s7;
	s7 =	simm.s32 @!p0 $0x108  }
0x21: {  	s3 =	sadd.s32 s3, s9;
	s6 =	sadd.s32 @!p0 $0x88, s6;
	s7 =	simm.s32 @p2 $0x1082  }
0x22: {  	[simem:s7], [sflag:s8] =	dma.local @!p0 [hbm:s6], $0xF7A  }
0x23: {  	s9 =	sor.u32 $0xD0000000, s2;
	s6 =	simm.s32 $0x108;
	_ =	swait.ge @!p0 [sflag:s8], $0x0  }
0x24: {  	s3 =	sadd.s32 $0x88, s3;
	s6 =	simm.s32 @!p1 $0x1082;
	[sflag:s4] =	ssyncset.s32 $0xFFFFF086  }
0x25: {  	[simem:s6], [sflag:s4] =	dma.local [hbm:s3], $0xF7A  }
0x26: {  	[smem:$0x3F91] =	sst s1;
	(tag) =	ssettag s2;
	_ =	strace s9  }
0x27: {  	s1 =	sld [smem:$0x3FA1]  }
0x28: {  	s2 =	sld [smem:$0x3FA2]  }
0x29: {  	s4 =	sld [smem:$0x3FA4]  }
0x2a: {  	p0 =	seq.s32 s5, $0x0;
	s5 =	sld [smem:$0x3FA5]  }
0x2b: {  	s6 =	sld [smem:$0x3FA6]  }
0x2c: {  	s7 =	sld [smem:$0x3FA7]  }
0x2d: {  	s3 =	simm.s32 $0x108;
	s8 =	sld [smem:$0x3FA8]  }
0x2e: {  	s3 =	simm.s32 @!p0 $0x1082;
	s9 =	sld [smem:$0x3FA9]  }
0x2f: {  	lr =	sadd.s32 s0, s3;
	s0 =	sld [smem:$0x3FA0]  }
0x30: {  	s3 =	sld [smem:$0x3FA3]  }
0x31: {  	[smem:$0x3FAC] =	sst s10  }
0x32: {  	s10 =	sld [smem:$0x3FAA];
	_ =	sdelay $0x3  }
0x33: {  	p0 =	seq.s32 s10, $0x1;
	s10 =	sld [smem:$0x3FAC];
	_ =	sdelay $0x3  }
0x34: {  	[smem:$0x3FAC] =	sst s10  }
0x35: {  	s10 =	sld [smem:$0x3FAB];
	_ =	sdelay $0x3  }
0x36: {  	p1 =	seq.s32 s10, $0x1;
	s10 =	sld [smem:$0x3FAC];
	_ =	sdelay $0x3  }
0x37: {  	[smem:$0x3FAC] =	sst s10  }
0x38: {  	s10 =	sld [smem:$0x3FAD]  }
0x39: {  	_ = 	snop;
	(pc) =	sbr.ind lr, $3  }
0x3a: {  	_ = 	snop  }
0x3b: {  	_ = 	snop  }
0x3c: {  	p2 =	seq.s32 s10, $0x1;
	s10 =	sld [smem:$0x3FAC]  }
0x3d: {  	_ =	shalt  }
0x3e: {  	_ =	shalt  }
0x3f: {  	_ =	shalt  }
0x40: {  	_ =	shalt  }
0x41: {  	_ =	shalt  }
0x42: {  	_ =	shalt  }
0x43: {  	_ =	shalt  }
0x44: {  	_ =	shalt  }
0x45: {  	_ =	shalt  }
0x46: {  	_ =	shalt  }
0x47: {  	_ =	shalt  }
0x48: {  	_ =	shalt  }
0x49: {  	_ =	shalt  }
0x4a: {  	_ =	shalt  }
0x4b: {  	_ =	shalt  }
0x4c: {  	_ =	shalt  }
0x4d: {  	_ =	shalt  }
0x4e: {  	_ =	shalt  }
0x4f: {  	_ =	shalt  }
0x50: {  	_ =	shalt  }
0x51: {  	_ =	shalt  }
0x52: {  	_ =	shalt  }
0x53: {  	_ =	shalt  }
0x54: {  	_ =	shalt  }
0x55: {  	_ =	shalt  }
0x56: {  	_ =	shalt  }
0x57: {  	_ =	shalt  }
0x58: {  	_ =	shalt  }
0x59: {  	_ =	shalt  }
0x5a: {  	_ =	shalt  }
0x5b: {  	_ =	shalt  }
0x5c: {  	_ =	shalt  }
0x5d: {  	_ =	shalt  }
0x5e: {  	_ =	shalt  }
0x5f: {  	_ =	shalt  }
0x60: {  	_ =	shalt  }
0x61: {  	_ =	shalt  }
0x62: {  	_ =	shalt  }
0x63: {  	_ =	shalt  }
0x64: {  	_ =	shalt  }
0x65: {  	_ =	shalt  }
0x66: {  	_ =	shalt  }
0x67: {  	_ =	shalt  }
0x68: {  	_ =	shalt  }
0x69: {  	_ =	shalt  }
0x6a: {  	_ =	shalt  }
0x6b: {  	_ =	shalt  }
0x6c: {  	_ =	shalt  }
0x6d: {  	_ =	shalt  }
0x6e: {  	_ =	shalt  }
0x6f: {  	_ =	shalt  }
0x70: {  	_ =	shalt  }
0x71: {  	_ =	shalt  }
0x72: {  	_ =	shalt  }
0x73: {  	_ =	shalt  }
0x74: {  	_ =	shalt  }
0x75: {  	_ =	shalt  }
0x76: {  	_ =	shalt  }
0x77: {  	_ =	shalt  }
0x78: {  	_ =	shalt  }
0x79: {  	_ =	shalt  }
0x7a: {  	_ =	shalt  }
0x7b: {  	_ =	shalt  }
0x7c: {  	_ =	shalt  }
0x7d: {  	_ =	shalt  }
0x7e: {  	_ =	shalt  }
0x7f: {  	_ =	shalt  }
0x80: {  	_ =	shalt  }
0x81: {  	_ =	shalt  }
0x82: {  	_ =	shalt  }
0x83: {  	_ =	shalt  }
0x84: {  	_ =	shalt  }
0x85: {  	_ =	shalt  }
0x86: {  	_ =	shalt  }
0x87: {  	_ =	shalt  }
.Lfunc_end0:
.L_simem_size_0:
called_computation.1_lowered:
.L_overlay_start_0:
0x88: {  	s2 =	sld [smem:$0x3FD9]  }
0x89: {  	s3 =	sld [smem:$0x3FFE];
	_ =	sdelay $0x1  }
0x8a: {  	s1 =	srdreg.scid  }
0x8b: {  	s0 =	sand.u32 $0x1, s1  }
0x8c: {  	s17 =	sshll.u32 s0, $0xA;
	s2 =	sadd.s32 s3, s2  }
0x8d: {  	s2 =	sadd.s32 s2, s17  }
0x8e: {  	[smem:$0x3FB8] =	sst s2  }
0x8f: {  	_ = 	snop  }
0x90: {  	s2 =	sld [smem:$0x3FD0];
	(tm) =	ssettm $0x1  }
0x91: {  	s18 =	sld [smem:$0x3FFB];
	_ =	sdelay $0x3  }
0x92: {  	_ =	strace s18  }
0x93: {  	s3 =	sld [smem:$0x3FFC];
	_ =	sdelay $0x3  }
0x94: {  	_ =	strace s3  }
0x95: {  	s3 =	sld [smem:$0x3FFD];
	_ =	sdelay $0x3  }
0x96: {  	_ =	strace s3  }
0x97: {  	_ =	strace $0x8FFFFFFF  }
0x98: {  	s19 =	sld [smem:$0x3FDB];
	_ =	sdelay $0x1  }
0x99: {  	s4 =	simm.s32 $_scs_section_size  }
0x9a: {  	s5 =	simm.s32 $_size__tile_overlayer_lowered;
	s6 =	simm.s32 $_tile_overlayer_lowered  }
0x9b: {  	s22 =	simm.s32 $0x1BFF;
	s21 =	sshll.u32 s6, $0x1;
	s3 =	sadd.s32 s4, s19  }
0x9c: {  	s7 =	simm.s32 $0x0;
	s20 =	sshll.u32 s5, $0x1;
	s5 =	sadd.s32 s21, s3  }
0x9d: {  	[timem:s7], [sflag:s22] =	dma.local [hbm:s5], s20  }
0x9e: {  	_ =	swait.ge [sflag:s22], s20  }
0x9f: {  	s4 =	ssub.s32 $0x0, s20;
	[sflag:s22] =	ssyncset.done $0x0  }
0xa0: {  	[sflag:s22] =	ssyncadd.s32 s4;
	_ =	sdelay $0x1  }
0xa1: {  	s23 =	simm.s32 $0x1B8B  }
0xa2: {  	_ =	swait.ge [sflag:s23], $0x1  }
0xa3: {  	[sflag:s23] =	ssyncset.done $0x0  }
0xa4: {  	s25 =	simm.s32 $0x1B8E;
	s24 =	sld [smem:$0x3FFE];
	[sflag:s23] =	ssyncadd.s32 $0xFFFFFFFF  }
0xa5: {  	s26 =	simm.s32 $execute0_lowered;
	[smem:$0x3FD2] =	sst s25  }
0xa6: {  	s5 =	sshll.u32 s26, $0x1;
	_ =	strace $0x80000049;
	[dreg:$0x1] =	wrdreg $0xFFFFFFFF  }
0xa7: {  	s28 =	simm.s32 $_size_execute0_lowered;
	s3 =	sadd.s32 s3, s5;
	[dreg:$0x0] =	wrdreg $0x0  }
0xa8: {  	s5 =	sshll.u32 s28, $0x1;
	[dreg:$0x2] =	wrdreg s3  }
0xa9: {  	[dreg:$0x3] =	wrdreg s5  }
0xaa: {  	[dreg:$0x4] =	wrdreg $0xC0  }
0xab: {  	_ =	task [dreg:s7], $0x5FFFF  }
0xac: {  	[dreg:$0x1] =	wrdreg $0xFFFFFFFF  }
0xad: {  	[dreg:$0x0] =	wrdreg $0x60  }
0xae: {  	[dreg:$0x2] =	wrdreg s24  }
0xaf: {  	[dreg:$0x3] =	wrdreg s2  }
0xb0: {  	[dreg:$0x4] =	wrdreg $0xAB000  }
0xb1: {  	[dreg:$0x5] =	wrdreg $0x9  }
0xb2: {  	_ =	task.clear_ibuf [dreg:s7], $0x6FFFF;
	_ =	strace $0x90000049  }
0xb3: {  	s29 =	simm.s32 $0x9;
	_ =	strace $0x8000004B  }
0xb4: {  	_ =	swait.ge [sflag:s29], $0x1  }
0xb5: {  	[sflag:s29] =	ssyncadd.s32 $0xFFFFFFFF  }
0xb6: {  	_ =	strace $0x9000004B  }
0xb7: {  	_ =	sfence  }
0xb8: {  	s30 =	sld [smem:$0x0];
	_ =	sdelay $0x2  }
0xb9: {  	s31 =	sshll.u32 s1, $0xD;
	s1 =	sshrl.u32 s1, $0x2  }
0xba: {  	s3 =	sand.u32 $0x4000, s31;
	s1 =	sadd.s32 s1, s30  }
0xbb: {  	s0 =	sor.u32 s3, s0;
	s1 =	sshll.u32 s1, $0x11  }
0xbc: {  	s0 =	sor.u32 s1, s0  }
0xbd: {  	s0 =	sadd.s32 $0x8F2B, s0  }
0xbe: {  	[sflag:s0] =	ssyncadd.remote.s32 $0x1  }
0xbf: {  	_ =	sfence.sel $0xFFFF  }
0xc0: {  	[dreg:$0x0] =	wrdreg $0xFFFFFFFF;
	(pc) =	sbr.abs _section_cstart, $3  }
0xc1: {  	[dreg:$0x1] =	wrdreg $0xFFFFFFFF  }
0xc2: {  	_ =	task.clear_ibuf [dreg:s7], $0x2FFFF;
	_ =	strace $0x9FFFFFFF  }
0xc3: {  	(tm) =	ssettm $0x7FFFFFFF  }
tec
execute0_lowered:
.L_overlay_start_1:
0x0: {  	(tag) =	ssettag $0x1  }
0x1: {  	s0 =	rddreg [dreg:$0x0]  }
0x2: {  	s3 =	rddreg [dreg:$0x1]  }
0x3: {  	s1 =	rddreg [dreg:$0x2]  }
0x4: {  	s2 =	simm.s32 $0x0;
	s7 =	srdreg.scid;
	s22 =	stileid.u32  }
0x5: {  	s29 =	simm.s32 $0x300;
	s30 =	simm.s32 $0x7;
	s31 =	simm.s32 $0x8300  }
0x6: {  	[smem:$0x7FF] =	sst s2;
	s4 =	sadd.s32 $0x2600, s0;
	s5 =	sadd.s32 $0x8F600, s0  }
0x7: {  	s6 =	sadd.s32 $0xA3600, s0;
	s7 =	sand.u32 $0x1, s7;
	s9 =	smul.u32 $0x50000, s22  }
0x8: {  	s8 =	sadd.s32 $0x34600, s0;
	s10 =	sadd.s32 $0x34E00, s0;
	s14 =	smul.u32 $0x14000, s22  }
0x9: {  	s0 =	sadd.s32 $0x35400, s0;
	s19 =	smul.u32 $0xA000, s22;
	s11 =	sshll.u32 s22, $0x7  }
0xa: {  	_ =	strace $0x8000004A;
	[dreg:$0x4] =	wrdreg s8;
	s23 =	ssub.s32 $0x2, s7  }
0xb: {  	[dreg:$0x5] =	wrdreg s10;
	s25 =	sshll.u32 s7, $0x4;
	s21 =	sshll.u32 s7, $0x7  }
0xc: {  	s7 =	smul.u32 $0x140000, s7;
	s12 =	sand.u32 $0x380, s11;
	s24 =	sshrl.u32 s23, $0x1  }
0xd: {  	s15 =	sor.u32 s22, s25;
	s9 =	sshrl.u32 s9, $0x2;
	s16 =	sadd.s32 $0x4000, s14  }
0xe: {  	s17 =	sadd.s32 $0x8000, s14;
	s18 =	sadd.s32 $0xC000, s14;
	s20 =	sadd.s32 $0x10000, s14  }
0xf: {  	s19 =	sor.u32 s21, s19;
	s8 =	ssub.s32 s23, s24;
	s23 =	sadd.s32 s9, s1  }
0x10: {  	s24 =	sadd.s32 s16, s1;
	s28 =	sadd.s32 s17, s1;
	s26 =	sadd.s32 s18, s1  }
0x11: {  	s10 =	sadd.s32 s20, s1;
	s14 =	sadd.s32 s14, s7;
	s16 =	sadd.s32 s7, s16  }
0x12: {  	s15 =	sshrl.u32 s15, $0x3;
	s17 =	sadd.s32 s7, s17;
	s18 =	sadd.s32 s7, s18  }
0x13: {  	s7 =	sadd.s32 s7, s20;
	s21 =	sshrl.u32 s19, $0x3;
	s15 =	smul.u32 $0x14000, s15  }
0x14: {  	s22 =	smov.u32 s26;
	s14 =	sshrl.u32 s14, $0x3;
	s13 =	sadd.s32 s5, s21  }
0x15: {  	s16 =	sshrl.u32 s16, $0x3;
	s25 =	sshrl.u32 s17, $0x3;
	[dreg:$0x6] =	wrdreg s10  }
0x16: {  	s26 =	sshrl.u32 s18, $0x3;
	[dreg:$0x7] =	wrdreg s13;
	s14 =	sadd.s32 s0, s14  }
0x17: {  	s7 =	sshrl.u32 s7, $0x3;
	s20 =	sadd.s32 s0, s16;
	[dreg:$0x8] =	wrdreg s14  }
0x18: {  	s11 =	sadd.s32 s0, s25;
	s13 =	sadd.s32 s6, s21;
	[dreg:$0x9] =	wrdreg s20  }
0x19: {  	s16 =	sor.u32 $0x300, s19;
	s15 =	sor.u32 s12, s15;
	[dreg:$0xa] =	wrdreg s11  }
0x1a: {  	s12 =	sadd.s32 s0, s26;
	s0 =	sadd.s32 s0, s7;
	[dreg:$0xd] =	wrdreg s13  }
0x1b: {  	s20 =	smax.u32 s8, $0x1;
	s7 =	simm.s32 $0x1;
	[dreg:$0xb] =	wrdreg s12  }
0x1c: {  	s8 =	simm.s32 $0x3;
	[dreg:$0xc] =	wrdreg s0;
	s14 =	sshrl.u32 s15, $0x3  }
0x1d: {  	s15 =	sor.u32 $0x20, s21;
	[dreg:$0x11] =	wrdreg s20;
	s21 =	sor.u32 $0x200, s19  }
0x1e: {  	s19 =	simm.s32 $0x5;
	s20 =	simm.s32 $0x6;
	s0 =	sadd.s32 s3, s14  }
0x1f: {  	s17 =	sadd.s32 s5, s15;
	s18 =	sadd.s32 s6, s15;
	[dreg:$0x12] =	wrdreg s21  }
.Ltmp0:
0x20: {  	s3 =	simm.s32 $0x80;
	[dreg:$0xe] =	wrdreg s0;
	(pc) =	sbr.rel .LBB2_1-.Ltmp0, $4  }
0x21: {  	s14 =	simm.s32 $0x200;
	s15 =	simm.s32 $0x2;
	[dreg:$0xf] =	wrdreg s17  }
0x22: {  	s21 =	simm.s32 $0x0;
	[dreg:$0x10] =	wrdreg s18;
	s0 =	sshrl.u32 s16, $0x3  }
0x23: {  	s16 =	simm.s32 $0x4300;
	s17 =	simm.s32 $0x4;
	s18 =	simm.s32 $0x280  }
0x24: {  	v0 =	vimm.f32 $1.000000000e+00;
	s25 =	sadd.s32 s0, s6;
	s26 =	sadd.s32 s0, s5;
	s0 =	simm.s32 $0x180  }
.LBB2_4:
0x25: {  	_ =	swait.ge [sflag:s19], $0x4000  }
0x26: {  	[sflag:s19] =	ssyncset.done $0x0  }
0x27: {  	[sflag:s19] =	ssyncadd.s32 $0xFFFFC000  }
0x28: {  	_ =	swait.ge [sflag:s20], $0x4000  }
0x29: {  	[sflag:s20] =	ssyncset.done $0x0  }
0x2a: {  	[sflag:s20] =	ssyncadd.s32 $0xFFFFC000  }
0x2b: {  	[bflag:$0x0] =	sbarrier.arrive $0xFFFF  }
0x2c: {  	[tilespmem:s29], [sflag:$0x3] =	stream.linear.gather [spmem:s10], $0x4000, $0x38;
	[tilespmem:$0x1EB00] =	vst v63  }
0x2d: {  	_ =	swait.ge [sflag:s8], $0x4000  }
0x2e: {  	[sflag:s8] =	ssyncset.done $0x0  }
0x2f: {  	[sflag:s8] =	ssyncadd.s32 $0xFFFFC000  }
0x30: {  	[tilespmem:s16], [sflag:$0x4] =	stream.linear.gather [spmem:s11], $0x4000, $0x38;
	[tilespmem:$0x1EB00] =	vst v63  }
0x31: {  	s9 =	rddreg [dreg:$0x8]  }
0x32: {  	[hbm4b:s9+s2] =	stream.linear.scatter [tilespmem:s29], [sflag:$0x5], $0x4000, $0x38;
	[tilespmem:$0x1EB00] =	vst v63  }
0x33: {  	_ =	swait.ge [sflag:s17], $0x4000  }
0x34: {  	[sflag:s17] =	ssyncset.done $0x0  }
0x35: {  	[sflag:s17] =	ssyncadd.s32 $0xFFFFC000  }
0x36: {  	_ =	swait.ge [sflag:s19], $0x4000  }
0x37: {  	[sflag:s19] =	ssyncset.done $0x0  }
0x38: {  	[sflag:s19] =	ssyncadd.s32 $0xFFFFC000  }
0x39: {  	[tilespmem:s29], [sflag:$0x3] =	stream.linear.gather [spmem:s12], $0x4000, $0x38;
	[tilespmem:$0x1EB00] =	vst v63  }
0x3a: {  	s23 =	smov.u32 s10;
	s10 =	rddreg [dreg:$0x9]  }
0x3b: {  	[hbm4b:s10+s2] =	stream.linear.scatter [tilespmem:s16], [sflag:$0x6], $0x4000, $0x38;
	[tilespmem:$0x1EB00] =	vst v63  }
0x3c: {  	_ =	swait.ge [sflag:s8], $0x4000  }
0x3d: {  	[sflag:s8] =	ssyncset.done $0x0  }
0x3e: {  	[sflag:s8] =	ssyncadd.s32 $0xFFFFC000  }
0x3f: {  	_ =	swait.ge [sflag:s20], $0x4000  }
0x40: {  	[sflag:s20] =	ssyncset.done $0x0  }
0x41: {  	[sflag:s20] =	ssyncadd.s32 $0xFFFFC000  }
0x42: {  	[tilespmem:s16], [sflag:$0x4] =	stream.linear.gather [spmem:s13], $0x4000, $0x38;
	[tilespmem:$0x1EB00] =	vst v63  }
0x43: {  	s24 =	smov.u32 s11;
	s11 =	rddreg [dreg:$0xa]  }
0x44: {  	[hbm4b:s11+s2] =	stream.linear.scatter [tilespmem:s29], [sflag:$0x5], $0x4000, $0x38;
	[tilespmem:$0x1EB00] =	vst v63  }
0x45: {  	_ =	swait.ge [sflag:s17], $0x4000  }
0x46: {  	[sflag:s17] =	ssyncset.done $0x0  }
0x47: {  	[sflag:s17] =	ssyncadd.s32 $0xFFFFC000  }
0x48: {  	_ =	swait.ge [sflag:s19], $0x4000  }
0x49: {  	[sflag:s19] =	ssyncset.done $0x0  }
0x4a: {  	s10 =	rddreg [dreg:$0x6];
	[sflag:s19] =	ssyncadd.s32 $0xFFFFC000  }
0x4b: {  	[tilespmem:s29], [sflag:$0x3] =	stream.linear.gather [spmem:s10], $0x4000, $0x38;
	[tilespmem:$0x1EB00] =	vst v63  }
0x4c: {  	s28 =	smov.u32 s12;
	s12 =	rddreg [dreg:$0xb]  }
0x4d: {  	[hbm4b:s12+s2] =	stream.linear.scatter [tilespmem:s16], [sflag:$0x6], $0x4000, $0x38;
	[tilespmem:$0x1EB00] =	vst v63  }
0x4e: {  	_ =	swait.ge [sflag:s8], $0x4000  }
0x4f: {  	[sflag:s8] =	ssyncset.done $0x0  }
0x50: {  	[sflag:s8] =	ssyncadd.s32 $0xFFFFC000  }
0x51: {  	_ =	swait.ge [sflag:s20], $0x4000  }
0x52: {  	[sflag:s20] =	ssyncset.done $0x0  }
0x53: {  	s22 =	smov.u32 s13;
	s13 =	rddreg [dreg:$0xc];
	[sflag:s20] =	ssyncadd.s32 $0xFFFFC000  }
0x54: {  	[hbm4b:s13+s2] =	stream.linear.scatter [tilespmem:s29], [sflag:$0x5], $0x4000, $0x38;
	[tilespmem:$0x1EB00] =	vst v63  }
0x55: {  	_ =	swait.ge [sflag:s19], $0x4000  }
0x56: {  	[sflag:s19] =	ssyncset.done $0x0  }
0x57: {  	s12 =	simm.s32 $0x400;
	s11 =	rddreg [dreg:$0xe];
	[sflag:s19] =	ssyncadd.s32 $0xFFFFC000  }
0x58: {  	[hbm4b:s11+s3] =	stream.strided.scatter [tilespmem:s31], [sflag:$0x7], $0x2800, s12, s3, $0x38;
	[tilespmem:$0x1EB00] =	vst v63  }
0x59: {  	_ =	swait.ge [sflag:s30], $0x2800  }
0x5a: {  	s21 =	sadd.s32 $0x1, s21;
	s13 =	rddreg [dreg:$0x11]  }
0x5b: {  	p0 =	sne.s32 s21, s13  }
.Ltmp1:
0x5c: {  	_ = 	snop;
	(pc) =	sbr.rel @!p0 .LBB2_5-.Ltmp1, $3  }
0x5d: {  	_ =	sdelay $0x1  }
0x5e: {  	[sflag:s30] =	ssyncset.done $0x0  }
0x5f: {  	[sflag:s30] =	ssyncadd.s32 $0xFFFFD800  }
.LBB2_1:
0x60: {  	s9 =	rddreg [dreg:$0x4]  }
0x61: {  	[tilespmem:s29], [sflag:$0x7] =	stream.linear.gather [hbm4b:s9+s2], $0x4000, $0x38;
	[tilespmem:$0x1EB00] =	vst v63  }
0x62: {  	_ =	swait.ge [sflag:s30], $0x4000  }
0x63: {  	[sflag:s30] =	ssyncset.done $0x0  }
0x64: {  	[sflag:s30] =	ssyncadd.s32 $0xFFFFC000  }
0x65: {  	[spmem:s23] =	stream.linear.scatter [tilespmem:s29], [sflag:$0x7], $0x4000, $0x38;
	[tilespmem:$0x1EB00] =	vst v63  }
0x66: {  	_ =	swait.ge [sflag:s30], $0x4000  }
0x67: {  	[sflag:s30] =	ssyncset.done $0x0  }
0x68: {  	[sflag:s30] =	ssyncadd.s32 $0xFFFFC000  }
0x69: {  	[spmem:s24] =	stream.linear.scatter [tilespmem:s29], [sflag:$0x7], $0x4000, $0x38;
	[tilespmem:$0x1EB00] =	vst v63  }
0x6a: {  	_ =	swait.ge [sflag:s30], $0x4000  }
0x6b: {  	[sflag:s30] =	ssyncset.done $0x0  }
0x6c: {  	[sflag:s30] =	ssyncadd.s32 $0xFFFFC000  }
0x6d: {  	[spmem:s28] =	stream.linear.scatter [tilespmem:s29], [sflag:$0x7], $0x4000, $0x38;
	[tilespmem:$0x1EB00] =	vst v63  }
0x6e: {  	_ =	swait.ge [sflag:s30], $0x4000  }
0x6f: {  	[sflag:s30] =	ssyncset.done $0x0  }
0x70: {  	[sflag:s30] =	ssyncadd.s32 $0xFFFFC000  }
0x71: {  	[spmem:s22] =	stream.linear.scatter [tilespmem:s29], [sflag:$0x7], $0x4000, $0x38;
	[tilespmem:$0x1EB00] =	vst v63  }
0x72: {  	_ =	swait.ge [sflag:s30], $0x4000  }
0x73: {  	[sflag:s30] =	ssyncset.done $0x0  }
0x74: {  	s9 =	smov.u32 s10;
	[sflag:s30] =	ssyncadd.s32 $0xFFFFC000  }
0x75: {  	[spmem:s9] =	stream.linear.scatter [tilespmem:s29], [sflag:$0x7], $0x4000, $0x38;
	[tilespmem:$0x1EB00] =	vst v63  }
0x76: {  	_ =	swait.ge [sflag:s30], $0x4000  }
0x77: {  	[sflag:s30] =	ssyncset.done $0x0  }
0x78: {  	s11 =	smov.u32 s24;
	s24 =	rddreg [dreg:$0x5];
	[sflag:s30] =	ssyncadd.s32 $0xFFFFC000  }
0x79: {  	[tilespmem:s31], [sflag:$0x7] =	stream.linear.gather [hbm4b:s24+s2], $0x2800, $0x38;
	[tilespmem:$0x1EB00] =	vst v63  }
0x7a: {  	_ =	swait.ge [sflag:s30], $0x2800  }
0x7b: {  	[sflag:s30] =	ssyncset.done $0x0  }
0x7c: {  	[sflag:s30] =	ssyncadd.s32 $0xFFFFD800  }
0x7d: {  	[bflag:$0x0] =	sbarrier.arrive $0xFFFF  }
0x7e: {  	s13 =	smov.u32 s22;
	s22 =	rddreg [dreg:$0x7]  }
0x7f: {  	s10 =	smov.u32 s23;
	s23 =	rddreg [dreg:$0xd]  }
0x80: {  	[tilespmem:s2], [sflag:$0x1] =	stream.linear.gather [hbm4b:s22+s2], $0x80, $0x38;
	[tilespmem:$0x1EB00] =	vst v63  }
0x81: {  	s12 =	smov.u32 s28;
	s24 =	simm.s32 $0x100;
	s28 =	rddreg [dreg:$0x12]  }
0x82: {  	[tilespmem:s24], [sflag:$0x1] =	stream.linear.gather [hbm4b:s23+s2], $0x80, $0x38;
	[tilespmem:$0x1EB00] =	vst v63  }
0x83: {  	s23 =	rddreg [dreg:$0xf]  }
0x84: {  	[tilespmem:s3], [sflag:$0x2] =	stream.linear.gather [hbm4b:s23+s2], $0x80, $0x38;
	[tilespmem:$0x1EB00] =	vst v63  }
0x85: {  	s24 =	rddreg [dreg:$0x10];
	s23 =	simm.s32 $0x0  }
0x86: {  	[tilespmem:s0], [sflag:$0x2] =	stream.linear.gather [hbm4b:s24+s2], $0x80, $0x38;
	[tilespmem:$0x1EB00] =	vst v63  }
.LBB2_2:
0x87: {  	_ =	swait.ge [sflag:s7], $0x80  }
0x88: {  	[sflag:s7] =	ssyncset.done $0x0  }
0x89: {  	[sflag:s7] =	ssyncadd.s32 $0xFFFFFF80  }
0x8a: {  	_ =	swait.ge [sflag:s7], $0x80  }
0x8b: {  	p0 =	seq.s32 s23, $0x0;
	[sflag:s7] =	ssyncset.done $0x0  }
0x8c: {  	s24 =	simm.s32 @!p0 $0x5;
	[sflag:s7] =	ssyncadd.s32 $0xFFFFFF80  }
0x8d: {  	_ =	swait.ge @!p0 [sflag:s24], $0x4000  }
0x8e: {  	[sflag:s24] =	ssyncset.done @!p0 $0x0  }
0x8f: {  	[sflag:s24] =	ssyncadd.s32 @!p0 $0xFFFFC000  }
0x90: {  	[tilespmem:s29], [sflag:$0x3] =	stream.indirect.gather [hbm4b:s4+s3], $0x80, s2, s3, $0xb8;
	[tilespmem:$0x1EB00] =	vst v63  }
0x91: {  	v1 =	vld [tilespmem:$0x100];
	_ =	sdelay $0x7  }
0x92: {  	[tilespmem:v1+s31+$0x0] =	vst.idx.add.f32.msk $0xffff, v0  }
0x93: {  	v2 =	vld [tilespmem:$0x110];
	_ =	sdelay $0x6  }
0x94: {  	[tilespmem:$0x200] =	vst v1  }
0x95: {  	[tilespmem:v2+s31+$0x0] =	vst.idx.add.f32.msk $0xffff, v0  }
0x96: {  	v1 =	vld [tilespmem:$0x120];
	_ =	sdelay $0x6  }
0x97: {  	[tilespmem:$0x210] =	vst v2  }
0x98: {  	[tilespmem:v1+s31+$0x0] =	vst.idx.add.f32.msk $0xffff, v0  }
0x99: {  	v2 =	vld [tilespmem:$0x130];
	_ =	sdelay $0x6  }
0x9a: {  	[tilespmem:$0x220] =	vst v1  }
0x9b: {  	[tilespmem:v2+s31+$0x0] =	vst.idx.add.f32.msk $0xffff, v0  }
0x9c: {  	v1 =	vld [tilespmem:$0x140];
	_ =	sdelay $0x6  }
0x9d: {  	[tilespmem:$0x230] =	vst v2  }
0x9e: {  	[tilespmem:v1+s31+$0x0] =	vst.idx.add.f32.msk $0xffff, v0  }
0x9f: {  	v2 =	vld [tilespmem:$0x150];
	_ =	sdelay $0x6  }
0xa0: {  	[tilespmem:$0x240] =	vst v1  }
0xa1: {  	[tilespmem:v2+s31+$0x0] =	vst.idx.add.f32.msk $0xffff, v0  }
0xa2: {  	v1 =	vld [tilespmem:$0x160];
	_ =	sdelay $0x6  }
0xa3: {  	[tilespmem:$0x250] =	vst v2  }
0xa4: {  	[tilespmem:v1+s31+$0x0] =	vst.idx.add.f32.msk $0xffff, v0  }
0xa5: {  	v2 =	vld [tilespmem:$0x170];
	_ =	sdelay $0x6  }
0xa6: {  	[tilespmem:$0x260] =	vst v1  }
0xa7: {  	[tilespmem:v2+s31+$0x0] =	vst.idx.add.f32.msk $0xffff, v0  }
0xa8: {  	[tilespmem:$0x270] =	vst v2  }
0xa9: {  	_ =	swait.ge [sflag:s8], $0x4000  }
0xaa: {  	p1 =	seq.s32 s23, $0x13C0;
	[sflag:s8] =	ssyncset.done $0x0  }
0xab: {  	s24 =	sshrl.u32 @!p1 s28, $0x3;
	[sflag:s8] =	ssyncadd.s32 $0xFFFFC000  }
0xac: {  	[spmem:s1] =	stream.indirect.scatter.add.f32 [tilespmem:s29], [sflag:$0x5], $0x80, s14, s3, $0xb8;
	[tilespmem:$0x1EB00] =	vst v63  }
0xad: {  	s9 =	simm.s32 @!p1 $0x0;
	s22 =	sadd.s32 @!p1 s5, s24  }
0xae: {  	[tilespmem:s9], [sflag:$0x1] =	stream.linear.gather @!p1 [hbm4b:s22+s9], $0x80, $0x38;
	[tilespmem:$0x1EB00] =	vst v63  }
0xaf: {  	s22 =	sadd.s32 @!p1 s6, s24;
	s24 =	simm.s32 @!p1 $0x100  }
0xb0: {  	[tilespmem:s24], [sflag:$0x1] =	stream.linear.gather @!p1 [hbm4b:s22+s9], $0x80, $0x38;
	[tilespmem:$0x1EB00] =	vst v63  }
0xb1: {  	_ =	swait.ge [sflag:s15], $0x80  }
0xb2: {  	[sflag:s15] =	ssyncset.done $0x0  }
0xb3: {  	[sflag:s15] =	ssyncadd.s32 $0xFFFFFF80  }
0xb4: {  	_ =	swait.ge [sflag:s15], $0x80  }
0xb5: {  	[sflag:s15] =	ssyncset.done $0x0  }
0xb6: {  	s9 =	simm.s32 @!p0 $0x6;
	[sflag:s15] =	ssyncadd.s32 $0xFFFFFF80  }
0xb7: {  	_ =	swait.ge @!p0 [sflag:s9], $0x4000  }
0xb8: {  	[sflag:s9] =	ssyncset.done @!p0 $0x0  }
0xb9: {  	[sflag:s9] =	ssyncadd.s32 @!p0 $0xFFFFC000  }
0xba: {  	[tilespmem:s16], [sflag:$0x4] =	stream.indirect.gather [hbm4b:s4+s3], $0x80, s3, s3, $0xb8;
	[tilespmem:$0x1EB00] =	vst v63  }
0xbb: {  	v1 =	vld [tilespmem:$0x180];
	_ =	sdelay $0x7  }
0xbc: {  	[tilespmem:v1+s31+$0x0] =	vst.idx.add.f32.msk $0xffff, v0  }
0xbd: {  	v2 =	vld [tilespmem:$0x190];
	_ =	sdelay $0x6  }
0xbe: {  	[tilespmem:$0x280] =	vst v1  }
0xbf: {  	[tilespmem:v2+s31+$0x0] =	vst.idx.add.f32.msk $0xffff, v0  }
0xc0: {  	v1 =	vld [tilespmem:$0x1A0];
	_ =	sdelay $0x6  }
0xc1: {  	[tilespmem:$0x290] =	vst v2  }
0xc2: {  	[tilespmem:v1+s31+$0x0] =	vst.idx.add.f32.msk $0xffff, v0  }
0xc3: {  	v2 =	vld [tilespmem:$0x1B0];
	_ =	sdelay $0x6  }
0xc4: {  	[tilespmem:$0x2A0] =	vst v1  }
0xc5: {  	[tilespmem:v2+s31+$0x0] =	vst.idx.add.f32.msk $0xffff, v0  }
0xc6: {  	v1 =	vld [tilespmem:$0x1C0];
	_ =	sdelay $0x6  }
0xc7: {  	[tilespmem:$0x2B0] =	vst v2  }
0xc8: {  	[tilespmem:v1+s31+$0x0] =	vst.idx.add.f32.msk $0xffff, v0  }
0xc9: {  	v2 =	vld [tilespmem:$0x1D0];
	_ =	sdelay $0x6  }
0xca: {  	[tilespmem:$0x2C0] =	vst v1  }
0xcb: {  	[tilespmem:v2+s31+$0x0] =	vst.idx.add.f32.msk $0xffff, v0  }
0xcc: {  	v1 =	vld [tilespmem:$0x1E0];
	_ =	sdelay $0x6  }
0xcd: {  	[tilespmem:$0x2D0] =	vst v2  }
0xce: {  	[tilespmem:v1+s31+$0x0] =	vst.idx.add.f32.msk $0xffff, v0  }
0xcf: {  	v2 =	vld [tilespmem:$0x1F0];
	_ =	sdelay $0x6  }
0xd0: {  	[tilespmem:$0x2E0] =	vst v1  }
0xd1: {  	[tilespmem:v2+s31+$0x0] =	vst.idx.add.f32.msk $0xffff, v0  }
.Ltmp2:
0xd2: {  	[tilespmem:$0x2F0] =	vst v2;
	(pc) =	sbr.rel @p1 .LBB2_4-.Ltmp2, $4  }
0xd3: {  	_ =	swait.ge [sflag:s17], $0x4000  }
0xd4: {  	[sflag:s17] =	ssyncset.done $0x0  }
0xd5: {  	[sflag:s17] =	ssyncadd.s32 $0xFFFFC000  }
0xd6: {  	[spmem:s1] =	stream.indirect.scatter.add.f32 [tilespmem:s16], [sflag:$0x6], $0x80, s18, s3, $0xb8;
	[tilespmem:$0x1EB00] =	vst v63  }
.Ltmp3:
0xd7: {  	(pc) =	sbr.rel .LBB2_2-.Ltmp3, $4  }
0xd8: {  	s9 =	sadd.s32 s23, s26  }
0xd9: {  	[tilespmem:s3], [sflag:$0x2] =	stream.linear.gather [hbm4b:s9+s2], $0x80, $0x38;
	[tilespmem:$0x1EB00] =	vst v63  }
0xda: {  	s24 =	sadd.s32 s23, s25;
	s23 =	sadd.s32 $0x40, s23;
	s28 =	sadd.s32 $0x200, s28  }
0xdb: {  	[tilespmem:s0], [sflag:$0x2] =	stream.linear.gather [hbm4b:s24+s2], $0x80, $0x38;
	[tilespmem:$0x1EB00] =	vst v63  }
.LBB2_5:
0xdc: {  	_ =	sfence.sel $0x180000  }
0xdd: {  	[bflag:$0x0] =	sbarrier.arrive $0xFFFF  }
0xde: {  	_ =	strace $0x9000004A  }
0xdf: {  	s0 =	stileid.u32;
	[bflag:$0x2] =	sbarrier.arrive $0xFFFF  }
0xe0: {  	p0 =	sne.s32 s0, $0x0;
	s0 =	rddreg [dreg:$0x3]  }
0xe1: {  	s0 =	sadd.s32 @!p0 $0x100000, s0  }
0xe2: {  	[sflag:s0] =	ssyncadd.tile.s32 @!p0 $0x1;
	_ =	shalt  }
.Lfunc_end2:
_tile_overlayer_lowered:
.L_overlay_start_2:
0xe3: {  	(tag) =	ssettag $0x2  }
0xe4: {  	s0 =	rddreg [dreg:$0x0];
	s2 =	stileid.u32  }
0xe5: {  	s1 =	rddreg [dreg:$0x1];
	p0 =	sne.s32 s2, $0x0  }
0xe6: {  	s3 =	rddreg [dreg:$0x2];
	[bflag:$0x3] =	sbarrier.arrive $0xFFFF;
	s2 =	simm.s32 @!p0 $0x1C07  }
0xe7: {  	[timem:s3], [sflag:s2] =	dma.local @!p0 [hbm:s0], s1  }
0xe8: {  	s0 =	simm.s32 @!p0 $0x7  }
0xe9: {  	_ =	swait.ge @!p0 [sflag:s0], s1  }
0xea: {  	s1 =	ssub.s32 @!p0 $0x0, s1;
	[sflag:s0] =	ssyncset.done @!p0 $0x0  }
0xeb: {  	[sflag:s0] =	ssyncadd.s32 @!p0 s1  }
0xec: {  	[bflag:$0x3] =	sbarrier.arrive $0xFFFF  }
0xed: {  	_ =	shalt  }

</sc_bundles>
